<compile_context>
chip_gen: v7x
topology: tpu7x:2x2x1
jax: 0.10.2.dev20260603
libtpu: 0.0.44.dev20260713+nightly
codegen_flags: <defaults>
</compile_context>

<pallas_src>
import functools
import math

import jax
import jax.numpy as jnp
from jax import lax
from jax.experimental import pallas as pl
from jax.experimental.pallas import tpu as pltpu
from jax.experimental.pallas import tpu_sc as plsc

_GAMMAS = [2.7, 2.1, 2.4, 2.0, 3.0, 2.9, 3.0, 2.5, 2.1, 2.6, 2.0, 2.1, 2.7, 2.4, 2.2]
_B, _C, _H, _W, _D, _K = 4, 15, 128, 128, 2, 32
_NPTS = _B * _K
_EPS = 1e-12
_TINY = 1e-30


def _safe_pow(x, g):
    return jnp.exp(g * jnp.log(jnp.maximum(x, _TINY)))


_ATAN_COEFFS = [0.9999999937538815, -0.33333137974717497, 0.19993694319379748,
                -0.14211106054466893, 0.10667486902150858, -0.07556900202159014,
                0.043278241738805345, -0.016413190395028338, 0.0029327619363945373]


def _atan_pos(x):
    inv = x > 1.0
    t = jnp.where(inv, 1.0 / jnp.maximum(x, _TINY), x)
    t2 = t * t
    p = _ATAN_COEFFS[-1]
    for cf in _ATAN_COEFFS[-2::-1]:
        p = p * t2 + cf
    p = t * p
    return jnp.where(inv, 0.5 * math.pi - p, p)


def _tc_dense_body(pred_ref, gt_ref, out_ref, acc):
    i = pl.program_id(0)

    @pl.when(i == 0)
    def _init():
        acc[0] = 0.0
        acc[1] = 0.0

    accv = jnp.zeros((_H, _W), jnp.float32)
    nposv = jnp.zeros((_H, _W), jnp.float32)
    for c in range(_C):
        g = _GAMMAS[c]
        pb = pred_ref[c]
        gb = gt_ref[c]
        lp = jnp.log(pb + _EPS)
        l1p = jnp.log((1.0 - pb) + _EPS)
        posf = gb == 1.0
        omg = 1.0 - gb
        negw = (omg * omg) * (omg * omg)
        pos_term = lp * jnp.exp(g * l1p)
        neg_term = l1p * jnp.exp(g * lp) * negw
        accv = accv + g * jnp.where(posf, pos_term, neg_term)
        nposv = nposv + jnp.where(posf, 1.0, 0.0)
    acc[0] = acc[0] - 0.5 * jnp.sum(accv)
    acc[1] = acc[1] + jnp.sum(nposv)

    @pl.when(i == _B - 1)
    def _done():
        out_ref[0, 0] = acc[0]
        out_ref[0, 1] = acc[1]


def _tc_final_body(smalls_ref, partial_ref, out_ref):
    pre0 = smalls_ref[0:1, :]
    pre1 = smalls_ref[1:2, :]
    tgt0 = smalls_ref[2:3, :]
    tgt1 = smalls_ref[3:4, :]
    maskf = smalls_ref[4:5, :]
    c0f = smalls_ref[5:6, :]
    c1f = smalls_ref[6:7, :]
    c2f = smalls_ref[7:8, :]
    x = smalls_ref[8:9, :]
    g = smalls_ref[9:10, :]

    def _sl1(d):
        ad = jnp.abs(d)
        return jnp.where(ad < 1.0, 0.5 * d * d, ad - 0.5)

    li = 0.5 * (_sl1(pre0 - tgt0) + _sl1(pre1 - tgt1))
    iota = jax.lax.broadcasted_iota(jnp.int32, (1, _NPTS), 1)
    bf = jnp.floor(iota.astype(jnp.float32) / float(_K))

    masked_idx = jnp.where(maskf > 0.5, iota, -1)
    last = jnp.max(masked_idx)
    loss0 = jnp.sum(jnp.where(iota == last, li, 0.0))

    factor = _atan_pos(li) * (2.0 / math.pi)
    factor = jnp.where(maskf > 0.5, factor, 1.0)
    logf = jnp.log(jnp.maximum(factor, 1e-37))

    Ff = ((bf * 15.0 + c0f) * 15.0 + c1f) * 15.0 + c2f
    Fcol = jnp.transpose(Ff, (1, 0))
    same = Fcol == jnp.broadcast_to(Ff, (_NPTS, _NPTS))
    lsum_col = jnp.sum(
        jnp.where(same, jnp.broadcast_to(logf, (_NPTS, _NPTS)), 0.0),
        axis=1, keepdims=True)
    lsum = jnp.transpose(lsum_col, (1, 0))
    m = jnp.exp(lsum)
    jrow = jnp.broadcast_to(iota, (_NPTS, _NPTS))
    minj_col = jnp.min(jnp.where(same, jrow, _NPTS), axis=1, keepdims=True)
    minj = jnp.transpose(minj_col, (1, 0))
    first = (minj == iota).astype(jnp.float32)

    gamma_pt = jnp.zeros_like(c0f)
    for j, gv in enumerate(_GAMMAS):
        gamma_pt = jnp.where(c0f == float(j), gv, gamma_pt)

    posp = (g == 1.0).astype(jnp.float32)
    negp = (g < 1.0).astype(jnp.float32)
    omgp = 1.0 - g
    negwp = (omgp * omgp) * (omgp * omgp)

    def _floss(xv):
        pt = jnp.log(xv + _EPS) * _safe_pow(1.0 - xv, gamma_pt) * posp
        nt = jnp.log(1.0 - xv + _EPS) * _safe_pow(xv, gamma_pt) * negwp * negp
        return pt + nt

    delta = _floss(x * m) - _floss(x)
    corr = jnp.sum(first * (-0.5 * gamma_pt) * delta)

    total = partial_ref[0, 0] + loss0 + corr
    npos = partial_ref[0, 1]
    out_ref[0, 0] = jnp.where(npos == 0.0, total, total / npos)


def _tc_dense_call(pred2, gt2):
    return pl.pallas_call(
        _tc_dense_body,
        grid=(_B,),
        in_specs=[
            pl.BlockSpec((_C, _H, _W), lambda i: (i, 0, 0)),
            pl.BlockSpec((_C, _H, _W), lambda i: (i, 0, 0)),
        ],
        out_specs=pl.BlockSpec((1, 2), lambda i: (0, 0), memory_space=pltpu.SMEM),
        out_shape=jax.ShapeDtypeStruct((1, 2), jnp.float32),
        scratch_shapes=[pltpu.SMEM((2,), jnp.float32)],
    )(pred2, gt2)


def _tc_final_call(smalls, partial):
    return pl.pallas_call(
        _tc_final_body,
        in_specs=[
            pl.BlockSpec(memory_space=pltpu.VMEM),
            pl.BlockSpec(memory_space=pltpu.SMEM),
        ],
        out_specs=pl.BlockSpec(memory_space=pltpu.SMEM),
        out_shape=jax.ShapeDtypeStruct((1, 1), jnp.float32),
    )(smalls, partial)


def _sc_body(outf, predf, gtf, ind_h, inde_h, mask_h, tgt_h, smalls,
             ivec, fbuf, idxm, out_v, sem_a, sem_b, sem_c, sem_g):
    cid = lax.axis_index("c")
    s = lax.axis_index("s")
    k16a = jax.lax.broadcasted_iota(jnp.int32, (16,), 0)

    @pl.when((cid == 0) & (s == 0))
    def _go():
        h1 = pltpu.async_copy(ind_h, ivec.at[pl.ds(0, 128)], sem_a)
        h2 = pltpu.async_copy(inde_h, ivec.at[pl.ds(128, 384)], sem_b)
        h3 = pltpu.async_copy(mask_h, ivec.at[pl.ds(512, 128)], sem_c)
        h4 = pltpu.async_copy(tgt_h, fbuf, sem_c)

        h1.wait()
        for gi in range(8):
            p16 = k16a + gi * 16
            sl = pl.ds(gi * 16, 16)
            bb = p16 // _K
            indv = plsc.load_gather(ivec, [p16])
            idxm[0, sl] = bb * (_D * _H * _W) + indv
            idxm[1, sl] = bb * (_D * _H * _W) + (_H * _W) + indv
        g0 = pltpu.async_copy(outf.at[idxm.at[0]], out_v.at[0], sem_g)
        g1 = pltpu.async_copy(outf.at[idxm.at[1]], out_v.at[1], sem_g)

        h2.wait()
        for gi in range(8):
            p16 = k16a + gi * 16
            sl = pl.ds(gi * 16, 16)
            bb = p16 // _K
            i3 = 3 * p16 + 128
            cc0 = plsc.load_gather(ivec, [i3])
            cc1 = plsc.load_gather(ivec, [i3 + 1])
            cc2 = plsc.load_gather(ivec, [i3 + 2])
            idxm[2, sl] = bb * (_C * _H * _W) + cc0 * (_H * _W) + cc1 * _W + cc2
            out_v[5, sl] = cc0.astype(jnp.float32)
            out_v[6, sl] = cc1.astype(jnp.float32)
            out_v[7, sl] = cc2.astype(jnp.float32)
        g2 = pltpu.async_copy(predf.at[idxm.at[2]], out_v.at[8], sem_g)
        g3 = pltpu.async_copy(gtf.at[idxm.at[2]], out_v.at[9], sem_g)

        h3.wait(); h4.wait()
        for gi in range(8):
            p16 = k16a + gi * 16
            sl = pl.ds(gi * 16, 16)
            out_v[4, sl] = plsc.load_gather(ivec, [512 + p16]).astype(jnp.float32)
            t2 = 2 * p16
            out_v[2, sl] = plsc.load_gather(fbuf, [t2])
            out_v[3, sl] = plsc.load_gather(fbuf, [t2 + 1])

        g0.wait(); g1.wait(); g2.wait(); g3.wait()
        pltpu.sync_copy(out_v, smalls)


def _sc_call(outf, predf, gtf, ind, inde_flat, mask, tgt_flat):
    mesh = plsc.VectorSubcoreMesh(core_axis_name="c", subcore_axis_name="s",
                                  num_cores=1)
    fn = functools.partial(
        pl.kernel,
        mesh=mesh,
        compiler_params=pltpu.CompilerParams(needs_layout_passes=False),
        out_type=jax.ShapeDtypeStruct((16, _NPTS), jnp.float32),
        scratch_types=[
            pltpu.VMEM((640,), jnp.int32),
            pltpu.VMEM((256,), jnp.float32),
            pltpu.VMEM((4, _NPTS), jnp.int32),
            pltpu.VMEM((16, _NPTS), jnp.float32),
            pltpu.SemaphoreType.DMA,
            pltpu.SemaphoreType.DMA,
            pltpu.SemaphoreType.DMA,
            pltpu.SemaphoreType.DMA,
        ],
    )(_sc_body)
    return fn(outf, predf, gtf, ind.reshape(_B * _K), inde_flat.reshape(_B * 96),
              mask.reshape(_B * _K), tgt_flat.reshape(_B * 64))


def kernel(pred, gt, output, mask, ind, target, inde):
    outf = output.reshape(_B * _D * _H * _W)
    predf = pred.reshape(_B * _C * _H * _W)
    gtf = gt.reshape(_B * _C * _H * _W)
    smalls = _sc_call(outf, predf, gtf, ind, inde, mask, target)
    partial = _tc_dense_call(pred.reshape(_B * _C, _H, _W),
                             gt.reshape(_B * _C, _H, _W))
    res = _tc_final_call(smalls, partial)
    return res.reshape(())

# --- scband reference (transcript-rebuilt; emitter-appended) ---
"""Pipeline reference for scband-equalized-focal-loss1-54417235640835 (READ-ONLY COPY).

The authoritative reference and input builder live on the scoring server;
editing this copy changes nothing except your own understanding.
"""

import jax, jax.numpy as jnp
import numpy as np
import math

GAMMA_LIST = [2.7, 2.1, 2.4, 2.0, 3.0, 2.9, 3.0, 2.5, 2.1, 2.6, 2.0, 2.1, 2.7, 2.4, 2.2]


def _smooth_l1_mean(pred, target):
    d = pred - target
    ad = jnp.abs(d)
    return jnp.mean(jnp.where(ad < 1.0, 0.5 * d * d, ad - 0.5))


def _forward(pred, gt, output, target, mask, ind, inde):
    B, C, H, W = pred.shape
    K = ind.shape[1]
    # _tranpose_and_gather_feat: permute NCHW->NHWC, flatten spatial, gather along dim 1
    feat = jnp.transpose(output, (0, 2, 3, 1)).reshape(B, H * W, -1)
    D = feat.shape[2]
    idx = jnp.broadcast_to(ind[:, :, None].astype(jnp.int32), (B, K, D))
    pre = jnp.take_along_axis(feat, idx, axis=1)

    # torch: pred_uni = pred is an ALIAS; in-place *= mutates pred too -> single array p
    m = mask.astype(bool)
    li = jax.vmap(jax.vmap(_smooth_l1_mean))(pre, target)
    # math.atan(loss) in torch converts to python float -> detached
    factor = jax.lax.stop_gradient(jnp.arctan(li)) * 2.0 / math.pi
    factor = jnp.where(m, factor, jnp.asarray(1.0, dtype=pred.dtype))
    bidx = jnp.broadcast_to(jnp.arange(B, dtype=jnp.int32)[:, None], (B, K))
    c0 = inde[:, :, 0]
    c1 = inde[:, :, 1]
    c2 = inde[:, :, 2]
    p = pred.at[bidx, c0, c1, c2].multiply(factor)

    m_flat = m.reshape(-1)
    li_flat = li.reshape(-1)
    order = jnp.where(m_flat, jnp.arange(B * K, dtype=jnp.int32), -1)
    last = order.max()
    loss = jnp.where(last >= 0, li_flat[jnp.maximum(last, 0)], jnp.asarray(0.0, dtype=pred.dtype))

    num_pos = jnp.asarray(0.0, dtype=pred.dtype)
    for i, gamma in enumerate(GAMMA_LIST):
        gt_cat = gt[:, i, :, :]
        pred_cat = p[:, i, :, :]
        pred_cat_uni = p[:, i, :, :]
        pos_inds = (gt_cat == 1.0).astype(pred.dtype)
        neg_inds = (gt_cat < 1.0).astype(pred.dtype)
        neg_weights = jnp.power(1.0 - gt_cat, 4)
        eps = 1e-12
        pos_loss = jnp.log(pred_cat + eps) * jnp.power(1.0 - pred_cat_uni, gamma) * pos_inds
        neg_loss = jnp.log(1.0 - pred_cat + eps) * jnp.power(pred_cat_uni, gamma) * neg_weights * neg_inds
        num_pos = pos_inds.sum() + num_pos
        loss = loss - (pos_loss.sum() + neg_loss.sum()) * gamma / 2.0
    safe_den = jnp.where(num_pos == 0, jnp.asarray(1.0, pred.dtype), num_pos)
    loss = jnp.where(num_pos == 0, loss, loss / safe_den)
    return loss


def setup_inputs(seed: int = 0):
    key = jax.random.key(seed)
    ks = jax.random.split(key, 7)
    B, C, H, W, D, K = 4, 15, 128, 128, 2, 32
    pred = jax.random.uniform(ks[0], (B, C, H, W), dtype=jnp.float32)
    gt = jax.random.uniform(ks[1], (B, C, H, W), dtype=jnp.float32)
    output = jax.random.normal(ks[2], (B, D, H, W), dtype=jnp.float32)
    mask = jax.random.randint(ks[3], (B, K), 0, 2, dtype=jnp.int32)
    ind = jax.random.randint(ks[4], (B, K), 0, H * W, dtype=jnp.int32)
    target = jax.random.normal(ks[5], (B, K, D), dtype=jnp.float32)
    inde = jax.random.randint(ks[6], (B, K, 3), 0, 15, dtype=jnp.int32)
    return {"pred": pred, "gt": gt, "output": output, "mask": mask, "ind": ind, "target": target, "inde": inde}


def reference(pred, gt, output, mask, ind, target, inde):
    return _forward(pred, gt, output, target, mask, ind, inde)

if __name__ == "__main__":
    import jax
    _d = setup_inputs()
    print(jax.jit(kernel)(*tuple(_d.values())))

</pallas_src>

<mosaic_0001>
#map = affine_map<(d0, d1) -> (0)>
#map1 = affine_map<(d0, d1) -> (0, 0)>
module attributes {stable_mosaic.version = 14 : i64} {
  func.func @_sc_body(%arg0: i32, %arg1: i32, %arg2: memref<131072xf32, #tpu.memory_space<hbm>>, %arg3: memref<983040xf32, #tpu.memory_space<hbm>>, %arg4: memref<983040xf32, #tpu.memory_space<hbm>>, %arg5: memref<128xi32, #tpu.memory_space<hbm>>, %arg6: memref<384xi32, #tpu.memory_space<hbm>>, %arg7: memref<128xi32, #tpu.memory_space<hbm>>, %arg8: memref<256xf32, #tpu.memory_space<hbm>>, %arg9: memref<16x128xf32, #tpu.memory_space<hbm>>, %arg10: memref<640xi32, #tpu.memory_space<vmem>>, %arg11: memref<256xf32, #tpu.memory_space<vmem>>, %arg12: memref<4x128xi32, #tpu.memory_space<vmem>>, %arg13: memref<16x128xf32, #tpu.memory_space<vmem>>, %arg14: memref<!tpu.dma_semaphore, #tpu.memory_space<semaphore_mem>>, %arg15: memref<!tpu.dma_semaphore, #tpu.memory_space<semaphore_mem>>, %arg16: memref<!tpu.dma_semaphore, #tpu.memory_space<semaphore_mem>>, %arg17: memref<!tpu.dma_semaphore, #tpu.memory_space<semaphore_mem>>) attributes {dimension_semantics = [#tpu.dimension_semantics<core_parallel>, #tpu.dimension_semantics<subcore_parallel>], iteration_bounds = array<i64: 1, 16>, scalar_prefetch = 0 : i64, scratch_operands = 8 : i64, tpu.core_type = #tpu.core_type<sc_vector_subcore>, window_params = [{transform_indices = #map}, {transform_indices = #map}, {transform_indices = #map}, {transform_indices = #map}, {transform_indices = #map}, {transform_indices = #map}, {transform_indices = #map}, {transform_indices = #map1}]} {
    %iota3A = tpu.iota {dimensions = array<i32: 0>} : vector<16xi32>
    %eq3A = arith.constant 0 : i32
    %eq3A_0 = arith.cmpi eq, %arg0, %eq3A : i32
    %eq3A_1 = arith.constant 0 : i32
    %eq3A_2 = arith.cmpi eq, %arg1, %eq3A_1 : i32
    %and3A = arith.andi %eq3A_0, %eq3A_2 : i1
    %convert_element_type3A = arith.extui %and3A : i1 to i32
    %cond3A = arith.constant 0 : i32
    %cond3A_3 = arith.cmpi ne, %convert_element_type3A, %cond3A : i32
    scf.if %cond3A_3 {
      %dma_start3A = arith.constant 0 : i32
      %dma_start3A_4 = tpu.memref_slice %arg10[%dma_start3A] : memref<640xi32, #tpu.memory_space<vmem>> -> memref<128xi32, #tpu.memory_space<vmem>>
      %dma_start3A_5 = arith.constant 0 : i32
      %dma_start3A_6 = tpu.memref_slice %arg10[%dma_start3A_5] : memref<640xi32, #tpu.memory_space<vmem>> -> memref<128xi32, #tpu.memory_space<vmem>>
      tpu.enqueue_dma source(%arg5 : memref<128xi32, #tpu.memory_space<hbm>>) target(%dma_start3A_6 : memref<128xi32, #tpu.memory_space<vmem>>) target_semaphore(%arg14 : memref<!tpu.dma_semaphore, #tpu.memory_space<semaphore_mem>>)
      %dma_start3A_7 = arith.constant 128 : i32
      %dma_start3A_8 = tpu.memref_slice %arg10[%dma_start3A_7] : memref<640xi32, #tpu.memory_space<vmem>> -> memref<384xi32, #tpu.memory_space<vmem>>
      %dma_start3A_9 = arith.constant 128 : i32
      %dma_start3A_10 = tpu.memref_slice %arg10[%dma_start3A_9] : memref<640xi32, #tpu.memory_space<vmem>> -> memref<384xi32, #tpu.memory_space<vmem>>
      tpu.enqueue_dma source(%arg6 : memref<384xi32, #tpu.memory_space<hbm>>) target(%dma_start3A_10 : memref<384xi32, #tpu.memory_space<vmem>>) target_semaphore(%arg15 : memref<!tpu.dma_semaphore, #tpu.memory_space<semaphore_mem>>)
      %dma_start3A_11 = arith.constant 512 : i32
      %dma_start3A_12 = tpu.memref_slice %arg10[%dma_start3A_11] : memref<640xi32, #tpu.memory_space<vmem>> -> memref<128xi32, #tpu.memory_space<vmem>>
      %dma_start3A_13 = arith.constant 512 : i32
      %dma_start3A_14 = tpu.memref_slice %arg10[%dma_start3A_13] : memref<640xi32, #tpu.memory_space<vmem>> -> memref<128xi32, #tpu.memory_space<vmem>>
      tpu.enqueue_dma source(%arg7 : memref<128xi32, #tpu.memory_space<hbm>>) target(%dma_start3A_14 : memref<128xi32, #tpu.memory_space<vmem>>) target_semaphore(%arg16 : memref<!tpu.dma_semaphore, #tpu.memory_space<semaphore_mem>>)
      tpu.enqueue_dma source(%arg8 : memref<256xf32, #tpu.memory_space<hbm>>) target(%arg11 : memref<256xf32, #tpu.memory_space<vmem>>) target_semaphore(%arg16 : memref<!tpu.dma_semaphore, #tpu.memory_space<semaphore_mem>>)
      %dma_wait3A = arith.constant 0 : i32
      %dma_wait3A_15 = tpu.memref_slice %arg10[%dma_wait3A] : memref<640xi32, #tpu.memory_space<vmem>> -> memref<128xi32, #tpu.memory_space<vmem>>
      %dma_wait3A_16 = arith.constant 0 : i32
      %dma_wait3A_17 = tpu.memref_slice %arg10[%dma_wait3A_16] : memref<640xi32, #tpu.memory_space<vmem>> -> memref<128xi32, #tpu.memory_space<vmem>>
      tpu.wait_dma2 semaphore(%arg14 : memref<!tpu.dma_semaphore, #tpu.memory_space<semaphore_mem>>) src(%arg5 : memref<128xi32, #tpu.memory_space<hbm>>) dst(%dma_wait3A_17 : memref<128xi32, #tpu.memory_space<vmem>>)
      %add3A = arith.constant 0 : i32
      %add3A_18 = vector.broadcast %add3A : i32 to vector<16xi32>
      %add3A_19 = arith.addi %iota3A, %add3A_18 : vector<16xi32>
      %jit3A = arith.constant 32 : i32
      %div3A = vector.broadcast %jit3A : i32 to vector<16xi32>
      %div3A_20 = arith.divsi %add3A_19, %div3A : vector<16xi32>
      %sign3A = arith.constant 0 : i32
      %sign3A_21 = vector.broadcast %sign3A : i32 to vector<16xi32>
      %sign3A_22 = arith.cmpi sgt, %add3A_19, %sign3A_21 : vector<16xi32>
      %sign3A_23 = arith.extui %sign3A_22 : vector<16xi1> to vector<16xi32>
      %sign3A_24 = arith.constant 0 : i32
      %sign3A_25 = vector.broadcast %sign3A_24 : i32 to vector<16xi32>
      %sign3A_26 = arith.cmpi slt, %add3A_19, %sign3A_25 : vector<16xi32>
      %sign3A_27 = arith.extui %sign3A_26 : vector<16xi1> to vector<16xi32>
      %sign3A_28 = arith.subi %sign3A_23, %sign3A_27 : vector<16xi32>
      %sign3A_29 = arith.constant 0 : i32
      %sign3A_30 = arith.cmpi sgt, %jit3A, %sign3A_29 : i32
      %sign3A_31 = arith.extui %sign3A_30 : i1 to i32
      %sign3A_32 = arith.constant 0 : i32
      %sign3A_33 = arith.cmpi slt, %jit3A, %sign3A_32 : i32
      %sign3A_34 = arith.extui %sign3A_33 : i1 to i32
      %sign3A_35 = arith.subi %sign3A_31, %sign3A_34 : i32
      %ne3A = vector.broadcast %sign3A_35 : i32 to vector<16xi32>
      %ne3A_36 = arith.cmpi ne, %sign3A_28, %ne3A : vector<16xi32>
      %rem3A = vector.broadcast %jit3A : i32 to vector<16xi32>
      %rem3A_37 = arith.remsi %add3A_19, %rem3A : vector<16xi32>
      %ne3A_38 = arith.constant 0 : i32
      %ne3A_39 = vector.broadcast %ne3A_38 : i32 to vector<16xi32>
      %ne3A_40 = arith.cmpi ne, %rem3A_37, %ne3A_39 : vector<16xi32>
      %and3A_41 = arith.andi %ne3A_36, %ne3A_40 : vector<16xi1>
      %sub3A = arith.constant 1 : i32
      %sub3A_42 = vector.broadcast %sub3A : i32 to vector<16xi32>
      %sub3A_43 = arith.subi %div3A_20, %sub3A_42 : vector<16xi32>
      %select_n3A = arith.select %and3A_41, %sub3A_43, %div3A_20 : vector<16xi1>, vector<16xi32>
      %gather3A = tpu.vector_load_idx %arg10[%add3A_19] : memref<640xi32, #tpu.memory_space<vmem>>[vector<16xi32>], vector<16xi32>,
      %mul3A = arith.constant 32768 : i32
      %mul3A_44 = vector.broadcast %mul3A : i32 to vector<16xi32>
      %mul3A_45 = arith.muli %select_n3A, %mul3A_44 : vector<16xi32>
      %add3A_46 = arith.addi %mul3A_45, %gather3A : vector<16xi32>
      %swap3A = arith.constant 0 : i32
      %swap3A_47 = arith.index_cast %swap3A : i32 to index
      %swap3A_48 = arith.constant 0 : index
      %swap3A_49 = tpu.vector_load %arg12[%swap3A_47, %swap3A_48] {strides = array<i32>} : memref<4x128xi32, #tpu.memory_space<vmem>>, vector<16xi32>,
      tpu.vector_store %arg12[%swap3A_47, %swap3A_48], %add3A_46 {strides = array<i32>} : memref<4x128xi32, #tpu.memory_space<vmem>>, vector<16xi32>,
      %mul3A_50 = arith.constant 32768 : i32
      %mul3A_51 = vector.broadcast %mul3A_50 : i32 to vector<16xi32>
      %mul3A_52 = arith.muli %select_n3A, %mul3A_51 : vector<16xi32>
      %add3A_53 = arith.constant 16384 : i32
      %add3A_54 = vector.broadcast %add3A_53 : i32 to vector<16xi32>
      %add3A_55 = arith.addi %mul3A_52, %add3A_54 : vector<16xi32>
      %add3A_56 = arith.addi %add3A_55, %gather3A : vector<16xi32>
      %swap3A_57 = arith.constant 1 : i32
      %swap3A_58 = arith.index_cast %swap3A_57 : i32 to index
      %swap3A_59 = arith.constant 0 : index
      %swap3A_60 = tpu.vector_load %arg12[%swap3A_58, %swap3A_59] {strides = array<i32>} : memref<4x128xi32, #tpu.memory_space<vmem>>, vector<16xi32>,
      tpu.vector_store %arg12[%swap3A_58, %swap3A_59], %add3A_56 {strides = array<i32>} : memref<4x128xi32, #tpu.memory_space<vmem>>, vector<16xi32>,
      %add3A_61 = arith.constant 16 : i32
      %add3A_62 = vector.broadcast %add3A_61 : i32 to vector<16xi32>
      %add3A_63 = arith.addi %iota3A, %add3A_62 : vector<16xi32>
      %jit3A_64 = arith.constant 32 : i32
      %div3A_65 = vector.broadcast %jit3A_64 : i32 to vector<16xi32>
      %div3A_66 = arith.divsi %add3A_63, %div3A_65 : vector<16xi32>
      %sign3A_67 = arith.constant 0 : i32
      %sign3A_68 = vector.broadcast %sign3A_67 : i32 to vector<16xi32>
      %sign3A_69 = arith.cmpi sgt, %add3A_63, %sign3A_68 : vector<16xi32>
      %sign3A_70 = arith.extui %sign3A_69 : vector<16xi1> to vector<16xi32>
      %sign3A_71 = arith.constant 0 : i32
      %sign3A_72 = vector.broadcast %sign3A_71 : i32 to vector<16xi32>
      %sign3A_73 = arith.cmpi slt, %add3A_63, %sign3A_72 : vector<16xi32>
      %sign3A_74 = arith.extui %sign3A_73 : vector<16xi1> to vector<16xi32>
      %sign3A_75 = arith.subi %sign3A_70, %sign3A_74 : vector<16xi32>
      %sign3A_76 = arith.constant 0 : i32
      %sign3A_77 = arith.cmpi sgt, %jit3A_64, %sign3A_76 : i32
      %sign3A_78 = arith.extui %sign3A_77 : i1 to i32
      %sign3A_79 = arith.constant 0 : i32
      %sign3A_80 = arith.cmpi slt, %jit3A_64, %sign3A_79 : i32
      %sign3A_81 = arith.extui %sign3A_80 : i1 to i32
      %sign3A_82 = arith.subi %sign3A_78, %sign3A_81 : i32
      %ne3A_83 = vector.broadcast %sign3A_82 : i32 to vector<16xi32>
      %ne3A_84 = arith.cmpi ne, %sign3A_75, %ne3A_83 : vector<16xi32>
      %rem3A_85 = vector.broadcast %jit3A_64 : i32 to vector<16xi32>
      %rem3A_86 = arith.remsi %add3A_63, %rem3A_85 : vector<16xi32>
      %ne3A_87 = arith.constant 0 : i32
      %ne3A_88 = vector.broadcast %ne3A_87 : i32 to vector<16xi32>
      %ne3A_89 = arith.cmpi ne, %rem3A_86, %ne3A_88 : vector<16xi32>
      %and3A_90 = arith.andi %ne3A_84, %ne3A_89 : vector<16xi1>
      %sub3A_91 = arith.constant 1 : i32
      %sub3A_92 = vector.broadcast %sub3A_91 : i32 to vector<16xi32>
      %sub3A_93 = arith.subi %div3A_66, %sub3A_92 : vector<16xi32>
      %select_n3A_94 = arith.select %and3A_90, %sub3A_93, %div3A_66 : vector<16xi1>, vector<16xi32>
      %gather3A_95 = tpu.vector_load_idx %arg10[%add3A_63] : memref<640xi32, #tpu.memory_space<vmem>>[vector<16xi32>], vector<16xi32>,
      %mul3A_96 = arith.constant 32768 : i32
      %mul3A_97 = vector.broadcast %mul3A_96 : i32 to vector<16xi32>
      %mul3A_98 = arith.muli %select_n3A_94, %mul3A_97 : vector<16xi32>
      %add3A_99 = arith.addi %mul3A_98, %gather3A_95 : vector<16xi32>
      %swap3A_100 = arith.constant 0 : i32
      %swap3A_101 = arith.index_cast %swap3A_100 : i32 to index
      %swap3A_102 = arith.constant 16 : index
      %swap3A_103 = tpu.vector_load %arg12[%swap3A_101, %swap3A_102] {strides = array<i32>} : memref<4x128xi32, #tpu.memory_space<vmem>>, vector<16xi32>,
      tpu.vector_store %arg12[%swap3A_101, %swap3A_102], %add3A_99 {strides = array<i32>} : memref<4x128xi32, #tpu.memory_space<vmem>>, vector<16xi32>,
      %mul3A_104 = arith.constant 32768 : i32
      %mul3A_105 = vector.broadcast %mul3A_104 : i32 to vector<16xi32>
      %mul3A_106 = arith.muli %select_n3A_94, %mul3A_105 : vector<16xi32>
      %add3A_107 = arith.constant 16384 : i32
      %add3A_108 = vector.broadcast %add3A_107 : i32 to vector<16xi32>
      %add3A_109 = arith.addi %mul3A_106, %add3A_108 : vector<16xi32>
      %add3A_110 = arith.addi %add3A_109, %gather3A_95 : vector<16xi32>
      %swap3A_111 = arith.constant 1 : i32
      %swap3A_112 = arith.index_cast %swap3A_111 : i32 to index
      %swap3A_113 = arith.constant 16 : index
      %swap3A_114 = tpu.vector_load %arg12[%swap3A_112, %swap3A_113] {strides = array<i32>} : memref<4x128xi32, #tpu.memory_space<vmem>>, vector<16xi32>,
      tpu.vector_store %arg12[%swap3A_112, %swap3A_113], %add3A_110 {strides = array<i32>} : memref<4x128xi32, #tpu.memory_space<vmem>>, vector<16xi32>,
      %add3A_115 = arith.constant 32 : i32
      %add3A_116 = vector.broadcast %add3A_115 : i32 to vector<16xi32>
      %add3A_117 = arith.addi %iota3A, %add3A_116 : vector<16xi32>
      %jit3A_118 = arith.constant 32 : i32
      %div3A_119 = vector.broadcast %jit3A_118 : i32 to vector<16xi32>
      %div3A_120 = arith.divsi %add3A_117, %div3A_119 : vector<16xi32>
      %sign3A_121 = arith.constant 0 : i32
      %sign3A_122 = vector.broadcast %sign3A_121 : i32 to vector<16xi32>
      %sign3A_123 = arith.cmpi sgt, %add3A_117, %sign3A_122 : vector<16xi32>
      %sign3A_124 = arith.extui %sign3A_123 : vector<16xi1> to vector<16xi32>
      %sign3A_125 = arith.constant 0 : i32
      %sign3A_126 = vector.broadcast %sign3A_125 : i32 to vector<16xi32>
      %sign3A_127 = arith.cmpi slt, %add3A_117, %sign3A_126 : vector<16xi32>
      %sign3A_128 = arith.extui %sign3A_127 : vector<16xi1> to vector<16xi32>
      %sign3A_129 = arith.subi %sign3A_124, %sign3A_128 : vector<16xi32>
      %sign3A_130 = arith.constant 0 : i32
      %sign3A_131 = arith.cmpi sgt, %jit3A_118, %sign3A_130 : i32
      %sign3A_132 = arith.extui %sign3A_131 : i1 to i32
      %sign3A_133 = arith.constant 0 : i32
      %sign3A_134 = arith.cmpi slt, %jit3A_118, %sign3A_133 : i32
      %sign3A_135 = arith.extui %sign3A_134 : i1 to i32
      %sign3A_136 = arith.subi %sign3A_132, %sign3A_135 : i32
      %ne3A_137 = vector.broadcast %sign3A_136 : i32 to vector<16xi32>
      %ne3A_138 = arith.cmpi ne, %sign3A_129, %ne3A_137 : vector<16xi32>
      %rem3A_139 = vector.broadcast %jit3A_118 : i32 to vector<16xi32>
      %rem3A_140 = arith.remsi %add3A_117, %rem3A_139 : vector<16xi32>
      %ne3A_141 = arith.constant 0 : i32
      %ne3A_142 = vector.broadcast %ne3A_141 : i32 to vector<16xi32>
      %ne3A_143 = arith.cmpi ne, %rem3A_140, %ne3A_142 : vector<16xi32>
      %and3A_144 = arith.andi %ne3A_138, %ne3A_143 : vector<16xi1>
      %sub3A_145 = arith.constant 1 : i32
      %sub3A_146 = vector.broadcast %sub3A_145 : i32 to vector<16xi32>
      %sub3A_147 = arith.subi %div3A_120, %sub3A_146 : vector<16xi32>
      %select_n3A_148 = arith.select %and3A_144, %sub3A_147, %div3A_120 : vector<16xi1>, vector<16xi32>
      %gather3A_149 = tpu.vector_load_idx %arg10[%add3A_117] : memref<640xi32, #tpu.memory_space<vmem>>[vector<16xi32>], vector<16xi32>,
      %mul3A_150 = arith.constant 32768 : i32
      %mul3A_151 = vector.broadcast %mul3A_150 : i32 to vector<16xi32>
      %mul3A_152 = arith.muli %select_n3A_148, %mul3A_151 : vector<16xi32>
      %add3A_153 = arith.addi %mul3A_152, %gather3A_149 : vector<16xi32>
      %swap3A_154 = arith.constant 0 : i32
      %swap3A_155 = arith.index_cast %swap3A_154 : i32 to index
      %swap3A_156 = arith.constant 32 : index
      %swap3A_157 = tpu.vector_load %arg12[%swap3A_155, %swap3A_156] {strides = array<i32>} : memref<4x128xi32, #tpu.memory_space<vmem>>, vector<16xi32>,
      tpu.vector_store %arg12[%swap3A_155, %swap3A_156], %add3A_153 {strides = array<i32>} : memref<4x128xi32, #tpu.memory_space<vmem>>, vector<16xi32>,
      %mul3A_158 = arith.constant 32768 : i32
      %mul3A_159 = vector.broadcast %mul3A_158 : i32 to vector<16xi32>
      %mul3A_160 = arith.muli %select_n3A_148, %mul3A_159 : vector<16xi32>
      %add3A_161 = arith.constant 16384 : i32
      %add3A_162 = vector.broadcast %add3A_161 : i32 to vector<16xi32>
      %add3A_163 = arith.addi %mul3A_160, %add3A_162 : vector<16xi32>
      %add3A_164 = arith.addi %add3A_163, %gather3A_149 : vector<16xi32>
      %swap3A_165 = arith.constant 1 : i32
      %swap3A_166 = arith.index_cast %swap3A_165 : i32 to index
      %swap3A_167 = arith.constant 32 : index
      %swap3A_168 = tpu.vector_load %arg12[%swap3A_166, %swap3A_167] {strides = array<i32>} : memref<4x128xi32, #tpu.memory_space<vmem>>, vector<16xi32>,
      tpu.vector_store %arg12[%swap3A_166, %swap3A_167], %add3A_164 {strides = array<i32>} : memref<4x128xi32, #tpu.memory_space<vmem>>, vector<16xi32>,
      %add3A_169 = arith.constant 48 : i32
      %add3A_170 = vector.broadcast %add3A_169 : i32 to vector<16xi32>
      %add3A_171 = arith.addi %iota3A, %add3A_170 : vector<16xi32>
      %jit3A_172 = arith.constant 32 : i32
      %div3A_173 = vector.broadcast %jit3A_172 : i32 to vector<16xi32>
      %div3A_174 = arith.divsi %add3A_171, %div3A_173 : vector<16xi32>
      %sign3A_175 = arith.constant 0 : i32
      %sign3A_176 = vector.broadcast %sign3A_175 : i32 to vector<16xi32>
      %sign3A_177 = arith.cmpi sgt, %add3A_171, %sign3A_176 : vector<16xi32>
      %sign3A_178 = arith.extui %sign3A_177 : vector<16xi1> to vector<16xi32>
      %sign3A_179 = arith.constant 0 : i32
      %sign3A_180 = vector.broadcast %sign3A_179 : i32 to vector<16xi32>
      %sign3A_181 = arith.cmpi slt, %add3A_171, %sign3A_180 : vector<16xi32>
      %sign3A_182 = arith.extui %sign3A_181 : vector<16xi1> to vector<16xi32>
      %sign3A_183 = arith.subi %sign3A_178, %sign3A_182 : vector<16xi32>
      %sign3A_184 = arith.constant 0 : i32
      %sign3A_185 = arith.cmpi sgt, %jit3A_172, %sign3A_184 : i32
      %sign3A_186 = arith.extui %sign3A_185 : i1 to i32
      %sign3A_187 = arith.constant 0 : i32
      %sign3A_188 = arith.cmpi slt, %jit3A_172, %sign3A_187 : i32
      %sign3A_189 = arith.extui %sign3A_188 : i1 to i32
      %sign3A_190 = arith.subi %sign3A_186, %sign3A_189 : i32
      %ne3A_191 = vector.broadcast %sign3A_190 : i32 to vector<16xi32>
      %ne3A_192 = arith.cmpi ne, %sign3A_183, %ne3A_191 : vector<16xi32>
      %rem3A_193 = vector.broadcast %jit3A_172 : i32 to vector<16xi32>
      %rem3A_194 = arith.remsi %add3A_171, %rem3A_193 : vector<16xi32>
      %ne3A_195 = arith.constant 0 : i32
      %ne3A_196 = vector.broadcast %ne3A_195 : i32 to vector<16xi32>
      %ne3A_197 = arith.cmpi ne, %rem3A_194, %ne3A_196 : vector<16xi32>
      %and3A_198 = arith.andi %ne3A_192, %ne3A_197 : vector<16xi1>
      %sub3A_199 = arith.constant 1 : i32
      %sub3A_200 = vector.broadcast %sub3A_199 : i32 to vector<16xi32>
      %sub3A_201 = arith.subi %div3A_174, %sub3A_200 : vector<16xi32>
      %select_n3A_202 = arith.select %and3A_198, %sub3A_201, %div3A_174 : vector<16xi1>, vector<16xi32>
      %gather3A_203 = tpu.vector_load_idx %arg10[%add3A_171] : memref<640xi32, #tpu.memory_space<vmem>>[vector<16xi32>], vector<16xi32>,
      %mul3A_204 = arith.constant 32768 : i32
      %mul3A_205 = vector.broadcast %mul3A_204 : i32 to vector<16xi32>
      %mul3A_206 = arith.muli %select_n3A_202, %mul3A_205 : vector<16xi32>
      %add3A_207 = arith.addi %mul3A_206, %gather3A_203 : vector<16xi32>
      %swap3A_208 = arith.constant 0 : i32
      %swap3A_209 = arith.index_cast %swap3A_208 : i32 to index
      %swap3A_210 = arith.constant 48 : index
      %swap3A_211 = tpu.vector_load %arg12[%swap3A_209, %swap3A_210] {strides = array<i32>} : memref<4x128xi32, #tpu.memory_space<vmem>>, vector<16xi32>,
      tpu.vector_store %arg12[%swap3A_209, %swap3A_210], %add3A_207 {strides = array<i32>} : memref<4x128xi32, #tpu.memory_space<vmem>>, vector<16xi32>,
      %mul3A_212 = arith.constant 32768 : i32
      %mul3A_213 = vector.broadcast %mul3A_212 : i32 to vector<16xi32>
      %mul3A_214 = arith.muli %select_n3A_202, %mul3A_213 : vector<16xi32>
      %add3A_215 = arith.constant 16384 : i32
      %add3A_216 = vector.broadcast %add3A_215 : i32 to vector<16xi32>
      %add3A_217 = arith.addi %mul3A_214, %add3A_216 : vector<16xi32>
      %add3A_218 = arith.addi %add3A_217, %gather3A_203 : vector<16xi32>
      %swap3A_219 = arith.constant 1 : i32
      %swap3A_220 = arith.index_cast %swap3A_219 : i32 to index
      %swap3A_221 = arith.constant 48 : index
      %swap3A_222 = tpu.vector_load %arg12[%swap3A_220, %swap3A_221] {strides = array<i32>} : memref<4x128xi32, #tpu.memory_space<vmem>>, vector<16xi32>,
      tpu.vector_store %arg12[%swap3A_220, %swap3A_221], %add3A_218 {strides = array<i32>} : memref<4x128xi32, #tpu.memory_space<vmem>>, vector<16xi32>,
      %add3A_223 = arith.constant 64 : i32
      %add3A_224 = vector.broadcast %add3A_223 : i32 to vector<16xi32>
      %add3A_225 = arith.addi %iota3A, %add3A_224 : vector<16xi32>
      %jit3A_226 = arith.constant 32 : i32
      %div3A_227 = vector.broadcast %jit3A_226 : i32 to vector<16xi32>
      %div3A_228 = arith.divsi %add3A_225, %div3A_227 : vector<16xi32>
      %sign3A_229 = arith.constant 0 : i32
      %sign3A_230 = vector.broadcast %sign3A_229 : i32 to vector<16xi32>
      %sign3A_231 = arith.cmpi sgt, %add3A_225, %sign3A_230 : vector<16xi32>
      %sign3A_232 = arith.extui %sign3A_231 : vector<16xi1> to vector<16xi32>
      %sign3A_233 = arith.constant 0 : i32
      %sign3A_234 = vector.broadcast %sign3A_233 : i32 to vector<16xi32>
      %sign3A_235 = arith.cmpi slt, %add3A_225, %sign3A_234 : vector<16xi32>
      %sign3A_236 = arith.extui %sign3A_235 : vector<16xi1> to vector<16xi32>
      %sign3A_237 = arith.subi %sign3A_232, %sign3A_236 : vector<16xi32>
      %sign3A_238 = arith.constant 0 : i32
      %sign3A_239 = arith.cmpi sgt, %jit3A_226, %sign3A_238 : i32
      %sign3A_240 = arith.extui %sign3A_239 : i1 to i32
      %sign3A_241 = arith.constant 0 : i32
      %sign3A_242 = arith.cmpi slt, %jit3A_226, %sign3A_241 : i32
      %sign3A_243 = arith.extui %sign3A_242 : i1 to i32
      %sign3A_244 = arith.subi %sign3A_240, %sign3A_243 : i32
      %ne3A_245 = vector.broadcast %sign3A_244 : i32 to vector<16xi32>
      %ne3A_246 = arith.cmpi ne, %sign3A_237, %ne3A_245 : vector<16xi32>
      %rem3A_247 = vector.broadcast %jit3A_226 : i32 to vector<16xi32>
      %rem3A_248 = arith.remsi %add3A_225, %rem3A_247 : vector<16xi32>
      %ne3A_249 = arith.constant 0 : i32
      %ne3A_250 = vector.broadcast %ne3A_249 : i32 to vector<16xi32>
      %ne3A_251 = arith.cmpi ne, %rem3A_248, %ne3A_250 : vector<16xi32>
      %and3A_252 = arith.andi %ne3A_246, %ne3A_251 : vector<16xi1>
      %sub3A_253 = arith.constant 1 : i32
      %sub3A_254 = vector.broadcast %sub3A_253 : i32 to vector<16xi32>
      %sub3A_255 = arith.subi %div3A_228, %sub3A_254 : vector<16xi32>
      %select_n3A_256 = arith.select %and3A_252, %sub3A_255, %div3A_228 : vector<16xi1>, vector<16xi32>
      %gather3A_257 = tpu.vector_load_idx %arg10[%add3A_225] : memref<640xi32, #tpu.memory_space<vmem>>[vector<16xi32>], vector<16xi32>,
      %mul3A_258 = arith.constant 32768 : i32
      %mul3A_259 = vector.broadcast %mul3A_258 : i32 to vector<16xi32>
      %mul3A_260 = arith.muli %select_n3A_256, %mul3A_259 : vector<16xi32>
      %add3A_261 = arith.addi %mul3A_260, %gather3A_257 : vector<16xi32>
      %swap3A_262 = arith.constant 0 : i32
      %swap3A_263 = arith.index_cast %swap3A_262 : i32 to index
      %swap3A_264 = arith.constant 64 : index
      %swap3A_265 = tpu.vector_load %arg12[%swap3A_263, %swap3A_264] {strides = array<i32>} : memref<4x128xi32, #tpu.memory_space<vmem>>, vector<16xi32>,
      tpu.vector_store %arg12[%swap3A_263, %swap3A_264], %add3A_261 {strides = array<i32>} : memref<4x128xi32, #tpu.memory_space<vmem>>, vector<16xi32>,
      %mul3A_266 = arith.constant 32768 : i32
      %mul3A_267 = vector.broadcast %mul3A_266 : i32 to vector<16xi32>
      %mul3A_268 = arith.muli %select_n3A_256, %mul3A_267 : vector<16xi32>
      %add3A_269 = arith.constant 16384 : i32
      %add3A_270 = vector.broadcast %add3A_269 : i32 to vector<16xi32>
      %add3A_271 = arith.addi %mul3A_268, %add3A_270 : vector<16xi32>
      %add3A_272 = arith.addi %add3A_271, %gather3A_257 : vector<16xi32>
      %swap3A_273 = arith.constant 1 : i32
      %swap3A_274 = arith.index_cast %swap3A_273 : i32 to index
      %swap3A_275 = arith.constant 64 : index
      %swap3A_276 = tpu.vector_load %arg12[%swap3A_274, %swap3A_275] {strides = array<i32>} : memref<4x128xi32, #tpu.memory_space<vmem>>, vector<16xi32>,
      tpu.vector_store %arg12[%swap3A_274, %swap3A_275], %add3A_272 {strides = array<i32>} : memref<4x128xi32, #tpu.memory_space<vmem>>, vector<16xi32>,
      %add3A_277 = arith.constant 80 : i32
      %add3A_278 = vector.broadcast %add3A_277 : i32 to vector<16xi32>
      %add3A_279 = arith.addi %iota3A, %add3A_278 : vector<16xi32>
      %jit3A_280 = arith.constant 32 : i32
      %div3A_281 = vector.broadcast %jit3A_280 : i32 to vector<16xi32>
      %div3A_282 = arith.divsi %add3A_279, %div3A_281 : vector<16xi32>
      %sign3A_283 = arith.constant 0 : i32
      %sign3A_284 = vector.broadcast %sign3A_283 : i32 to vector<16xi32>
      %sign3A_285 = arith.cmpi sgt, %add3A_279, %sign3A_284 : vector<16xi32>
      %sign3A_286 = arith.extui %sign3A_285 : vector<16xi1> to vector<16xi32>
      %sign3A_287 = arith.constant 0 : i32
      %sign3A_288 = vector.broadcast %sign3A_287 : i32 to vector<16xi32>
      %sign3A_289 = arith.cmpi slt, %add3A_279, %sign3A_288 : vector<16xi32>
      %sign3A_290 = arith.extui %sign3A_289 : vector<16xi1> to vector<16xi32>
      %sign3A_291 = arith.subi %sign3A_286, %sign3A_290 : vector<16xi32>
      %sign3A_292 = arith.constant 0 : i32
      %sign3A_293 = arith.cmpi sgt, %jit3A_280, %sign3A_292 : i32
      %sign3A_294 = arith.extui %sign3A_293 : i1 to i32
      %sign3A_295 = arith.constant 0 : i32
      %sign3A_296 = arith.cmpi slt, %jit3A_280, %sign3A_295 : i32
      %sign3A_297 = arith.extui %sign3A_296 : i1 to i32
      %sign3A_298 = arith.subi %sign3A_294, %sign3A_297 : i32
      %ne3A_299 = vector.broadcast %sign3A_298 : i32 to vector<16xi32>
      %ne3A_300 = arith.cmpi ne, %sign3A_291, %ne3A_299 : vector<16xi32>
      %rem3A_301 = vector.broadcast %jit3A_280 : i32 to vector<16xi32>
      %rem3A_302 = arith.remsi %add3A_279, %rem3A_301 : vector<16xi32>
      %ne3A_303 = arith.constant 0 : i32
      %ne3A_304 = vector.broadcast %ne3A_303 : i32 to vector<16xi32>
      %ne3A_305 = arith.cmpi ne, %rem3A_302, %ne3A_304 : vector<16xi32>
      %and3A_306 = arith.andi %ne3A_300, %ne3A_305 : vector<16xi1>
      %sub3A_307 = arith.constant 1 : i32
      %sub3A_308 = vector.broadcast %sub3A_307 : i32 to vector<16xi32>
      %sub3A_309 = arith.subi %div3A_282, %sub3A_308 : vector<16xi32>
      %select_n3A_310 = arith.select %and3A_306, %sub3A_309, %div3A_282 : vector<16xi1>, vector<16xi32>
      %gather3A_311 = tpu.vector_load_idx %arg10[%add3A_279] : memref<640xi32, #tpu.memory_space<vmem>>[vector<16xi32>], vector<16xi32>,
      %mul3A_312 = arith.constant 32768 : i32
      %mul3A_313 = vector.broadcast %mul3A_312 : i32 to vector<16xi32>
      %mul3A_314 = arith.muli %select_n3A_310, %mul3A_313 : vector<16xi32>
      %add3A_315 = arith.addi %mul3A_314, %gather3A_311 : vector<16xi32>
      %swap3A_316 = arith.constant 0 : i32
      %swap3A_317 = arith.index_cast %swap3A_316 : i32 to index
      %swap3A_318 = arith.constant 80 : index
      %swap3A_319 = tpu.vector_load %arg12[%swap3A_317, %swap3A_318] {strides = array<i32>} : memref<4x128xi32, #tpu.memory_space<vmem>>, vector<16xi32>,
      tpu.vector_store %arg12[%swap3A_317, %swap3A_318], %add3A_315 {strides = array<i32>} : memref<4x128xi32, #tpu.memory_space<vmem>>, vector<16xi32>,
      %mul3A_320 = arith.constant 32768 : i32
      %mul3A_321 = vector.broadcast %mul3A_320 : i32 to vector<16xi32>
      %mul3A_322 = arith.muli %select_n3A_310, %mul3A_321 : vector<16xi32>
      %add3A_323 = arith.constant 16384 : i32
      %add3A_324 = vector.broadcast %add3A_323 : i32 to vector<16xi32>
      %add3A_325 = arith.addi %mul3A_322, %add3A_324 : vector<16xi32>
      %add3A_326 = arith.addi %add3A_325, %gather3A_311 : vector<16xi32>
      %swap3A_327 = arith.constant 1 : i32
      %swap3A_328 = arith.index_cast %swap3A_327 : i32 to index
      %swap3A_329 = arith.constant 80 : index
      %swap3A_330 = tpu.vector_load %arg12[%swap3A_328, %swap3A_329] {strides = array<i32>} : memref<4x128xi32, #tpu.memory_space<vmem>>, vector<16xi32>,
      tpu.vector_store %arg12[%swap3A_328, %swap3A_329], %add3A_326 {strides = array<i32>} : memref<4x128xi32, #tpu.memory_space<vmem>>, vector<16xi32>,
      %add3A_331 = arith.constant 96 : i32
      %add3A_332 = vector.broadcast %add3A_331 : i32 to vector<16xi32>
      %add3A_333 = arith.addi %iota3A, %add3A_332 : vector<16xi32>
      %jit3A_334 = arith.constant 32 : i32
      %div3A_335 = vector.broadcast %jit3A_334 : i32 to vector<16xi32>
      %div3A_336 = arith.divsi %add3A_333, %div3A_335 : vector<16xi32>
      %sign3A_337 = arith.constant 0 : i32
      %sign3A_338 = vector.broadcast %sign3A_337 : i32 to vector<16xi32>
      %sign3A_339 = arith.cmpi sgt, %add3A_333, %sign3A_338 : vector<16xi32>
      %sign3A_340 = arith.extui %sign3A_339 : vector<16xi1> to vector<16xi32>
      %sign3A_341 = arith.constant 0 : i32
      %sign3A_342 = vector.broadcast %sign3A_341 : i32 to vector<16xi32>
      %sign3A_343 = arith.cmpi slt, %add3A_333, %sign3A_342 : vector<16xi32>
      %sign3A_344 = arith.extui %sign3A_343 : vector<16xi1> to vector<16xi32>
      %sign3A_345 = arith.subi %sign3A_340, %sign3A_344 : vector<16xi32>
      %sign3A_346 = arith.constant 0 : i32
      %sign3A_347 = arith.cmpi sgt, %jit3A_334, %sign3A_346 : i32
      %sign3A_348 = arith.extui %sign3A_347 : i1 to i32
      %sign3A_349 = arith.constant 0 : i32
      %sign3A_350 = arith.cmpi slt, %jit3A_334, %sign3A_349 : i32
      %sign3A_351 = arith.extui %sign3A_350 : i1 to i32
      %sign3A_352 = arith.subi %sign3A_348, %sign3A_351 : i32
      %ne3A_353 = vector.broadcast %sign3A_352 : i32 to vector<16xi32>
      %ne3A_354 = arith.cmpi ne, %sign3A_345, %ne3A_353 : vector<16xi32>
      %rem3A_355 = vector.broadcast %jit3A_334 : i32 to vector<16xi32>
      %rem3A_356 = arith.remsi %add3A_333, %rem3A_355 : vector<16xi32>
      %ne3A_357 = arith.constant 0 : i32
      %ne3A_358 = vector.broadcast %ne3A_357 : i32 to vector<16xi32>
      %ne3A_359 = arith.cmpi ne, %rem3A_356, %ne3A_358 : vector<16xi32>
      %and3A_360 = arith.andi %ne3A_354, %ne3A_359 : vector<16xi1>
      %sub3A_361 = arith.constant 1 : i32
      %sub3A_362 = vector.broadcast %sub3A_361 : i32 to vector<16xi32>
      %sub3A_363 = arith.subi %div3A_336, %sub3A_362 : vector<16xi32>
      %select_n3A_364 = arith.select %and3A_360, %sub3A_363, %div3A_336 : vector<16xi1>, vector<16xi32>
      %gather3A_365 = tpu.vector_load_idx %arg10[%add3A_333] : memref<640xi32, #tpu.memory_space<vmem>>[vector<16xi32>], vector<16xi32>,
      %mul3A_366 = arith.constant 32768 : i32
      %mul3A_367 = vector.broadcast %mul3A_366 : i32 to vector<16xi32>
      %mul3A_368 = arith.muli %select_n3A_364, %mul3A_367 : vector<16xi32>
      %add3A_369 = arith.addi %mul3A_368, %gather3A_365 : vector<16xi32>
      %swap3A_370 = arith.constant 0 : i32
      %swap3A_371 = arith.index_cast %swap3A_370 : i32 to index
      %swap3A_372 = arith.constant 96 : index
      %swap3A_373 = tpu.vector_load %arg12[%swap3A_371, %swap3A_372] {strides = array<i32>} : memref<4x128xi32, #tpu.memory_space<vmem>>, vector<16xi32>,
      tpu.vector_store %arg12[%swap3A_371, %swap3A_372], %add3A_369 {strides = array<i32>} : memref<4x128xi32, #tpu.memory_space<vmem>>, vector<16xi32>,
      %mul3A_374 = arith.constant 32768 : i32
      %mul3A_375 = vector.broadcast %mul3A_374 : i32 to vector<16xi32>
      %mul3A_376 = arith.muli %select_n3A_364, %mul3A_375 : vector<16xi32>
      %add3A_377 = arith.constant 16384 : i32
      %add3A_378 = vector.broadcast %add3A_377 : i32 to vector<16xi32>
      %add3A_379 = arith.addi %mul3A_376, %add3A_378 : vector<16xi32>
      %add3A_380 = arith.addi %add3A_379, %gather3A_365 : vector<16xi32>
      %swap3A_381 = arith.constant 1 : i32
      %swap3A_382 = arith.index_cast %swap3A_381 : i32 to index
      %swap3A_383 = arith.constant 96 : index
      %swap3A_384 = tpu.vector_load %arg12[%swap3A_382, %swap3A_383] {strides = array<i32>} : memref<4x128xi32, #tpu.memory_space<vmem>>, vector<16xi32>,
      tpu.vector_store %arg12[%swap3A_382, %swap3A_383], %add3A_380 {strides = array<i32>} : memref<4x128xi32, #tpu.memory_space<vmem>>, vector<16xi32>,
      %add3A_385 = arith.constant 112 : i32
      %add3A_386 = vector.broadcast %add3A_385 : i32 to vector<16xi32>
      %add3A_387 = arith.addi %iota3A, %add3A_386 : vector<16xi32>
      %jit3A_388 = arith.constant 32 : i32
      %div3A_389 = vector.broadcast %jit3A_388 : i32 to vector<16xi32>
      %div3A_390 = arith.divsi %add3A_387, %div3A_389 : vector<16xi32>
      %sign3A_391 = arith.constant 0 : i32
      %sign3A_392 = vector.broadcast %sign3A_391 : i32 to vector<16xi32>
      %sign3A_393 = arith.cmpi sgt, %add3A_387, %sign3A_392 : vector<16xi32>
      %sign3A_394 = arith.extui %sign3A_393 : vector<16xi1> to vector<16xi32>
      %sign3A_395 = arith.constant 0 : i32
      %sign3A_396 = vector.broadcast %sign3A_395 : i32 to vector<16xi32>
      %sign3A_397 = arith.cmpi slt, %add3A_387, %sign3A_396 : vector<16xi32>
      %sign3A_398 = arith.extui %sign3A_397 : vector<16xi1> to vector<16xi32>
      %sign3A_399 = arith.subi %sign3A_394, %sign3A_398 : vector<16xi32>
      %sign3A_400 = arith.constant 0 : i32
      %sign3A_401 = arith.cmpi sgt, %jit3A_388, %sign3A_400 : i32
      %sign3A_402 = arith.extui %sign3A_401 : i1 to i32
      %sign3A_403 = arith.constant 0 : i32
      %sign3A_404 = arith.cmpi slt, %jit3A_388, %sign3A_403 : i32
      %sign3A_405 = arith.extui %sign3A_404 : i1 to i32
      %sign3A_406 = arith.subi %sign3A_402, %sign3A_405 : i32
      %ne3A_407 = vector.broadcast %sign3A_406 : i32 to vector<16xi32>
      %ne3A_408 = arith.cmpi ne, %sign3A_399, %ne3A_407 : vector<16xi32>
      %rem3A_409 = vector.broadcast %jit3A_388 : i32 to vector<16xi32>
      %rem3A_410 = arith.remsi %add3A_387, %rem3A_409 : vector<16xi32>
      %ne3A_411 = arith.constant 0 : i32
      %ne3A_412 = vector.broadcast %ne3A_411 : i32 to vector<16xi32>
      %ne3A_413 = arith.cmpi ne, %rem3A_410, %ne3A_412 : vector<16xi32>
      %and3A_414 = arith.andi %ne3A_408, %ne3A_413 : vector<16xi1>
      %sub3A_415 = arith.constant 1 : i32
      %sub3A_416 = vector.broadcast %sub3A_415 : i32 to vector<16xi32>
      %sub3A_417 = arith.subi %div3A_390, %sub3A_416 : vector<16xi32>
      %select_n3A_418 = arith.select %and3A_414, %sub3A_417, %div3A_390 : vector<16xi1>, vector<16xi32>
      %gather3A_419 = tpu.vector_load_idx %arg10[%add3A_387] : memref<640xi32, #tpu.memory_space<vmem>>[vector<16xi32>], vector<16xi32>,
      %mul3A_420 = arith.constant 32768 : i32
      %mul3A_421 = vector.broadcast %mul3A_420 : i32 to vector<16xi32>
      %mul3A_422 = arith.muli %select_n3A_418, %mul3A_421 : vector<16xi32>
      %add3A_423 = arith.addi %mul3A_422, %gather3A_419 : vector<16xi32>
      %swap3A_424 = arith.constant 0 : i32
      %swap3A_425 = arith.index_cast %swap3A_424 : i32 to index
      %swap3A_426 = arith.constant 112 : index
      %swap3A_427 = tpu.vector_load %arg12[%swap3A_425, %swap3A_426] {strides = array<i32>} : memref<4x128xi32, #tpu.memory_space<vmem>>, vector<16xi32>,
      tpu.vector_store %arg12[%swap3A_425, %swap3A_426], %add3A_423 {strides = array<i32>} : memref<4x128xi32, #tpu.memory_space<vmem>>, vector<16xi32>,
      %mul3A_428 = arith.constant 32768 : i32
      %mul3A_429 = vector.broadcast %mul3A_428 : i32 to vector<16xi32>
      %mul3A_430 = arith.muli %select_n3A_418, %mul3A_429 : vector<16xi32>
      %add3A_431 = arith.constant 16384 : i32
      %add3A_432 = vector.broadcast %add3A_431 : i32 to vector<16xi32>
      %add3A_433 = arith.addi %mul3A_430, %add3A_432 : vector<16xi32>
      %add3A_434 = arith.addi %add3A_433, %gather3A_419 : vector<16xi32>
      %swap3A_435 = arith.constant 1 : i32
      %swap3A_436 = arith.index_cast %swap3A_435 : i32 to index
      %swap3A_437 = arith.constant 112 : index
      %swap3A_438 = tpu.vector_load %arg12[%swap3A_436, %swap3A_437] {strides = array<i32>} : memref<4x128xi32, #tpu.memory_space<vmem>>, vector<16xi32>,
      tpu.vector_store %arg12[%swap3A_436, %swap3A_437], %add3A_434 {strides = array<i32>} : memref<4x128xi32, #tpu.memory_space<vmem>>, vector<16xi32>,
      %dma_start3A_439 = arith.constant 0 : i32
      %dma_start3A_440 = arith.constant 0 : i32
      %dma_start3A_441 = arith.constant 0 : i32
      %dma_start3A_442 = tpu.memref_slice %arg13[%dma_start3A_440, %dma_start3A_441] : memref<16x128xf32, #tpu.memory_space<vmem>> -> memref<1x128xf32, #tpu.memory_space<vmem>>
      %dma_start3A_443 = tpu.memref_squeeze %dma_start3A_442 : memref<1x128xf32, #tpu.memory_space<vmem>> -> memref<128xf32, #tpu.memory_space<vmem>>
      %dma_start3A_444 = arith.constant 0 : i32
      %dma_start3A_445 = tpu.memref_slice %arg12[%dma_start3A_439, %dma_start3A_444] : memref<4x128xi32, #tpu.memory_space<vmem>> -> memref<1x128xi32, #tpu.memory_space<vmem>>
      %dma_start3A_446 = tpu.memref_squeeze %dma_start3A_445 : memref<1x128xi32, #tpu.memory_space<vmem>> -> memref<128xi32, #tpu.memory_space<vmem>>
      %dma_start3A_447 = arith.constant 0 : i32
      %dma_start3A_448 = tpu.memref_slice %arg2[%dma_start3A_447] : memref<131072xf32, #tpu.memory_space<hbm>> -> memref<131072xf32, #tpu.memory_space<hbm>>
      tpu.enqueue_indirect_dma source(%dma_start3A_448 : memref<131072xf32, #tpu.memory_space<hbm>>) target(%dma_start3A_443 : memref<128xf32, #tpu.memory_space<vmem>>) offsets(%dma_start3A_446 : memref<128xi32, #tpu.memory_space<vmem>>) semaphore(%arg17 : memref<!tpu.dma_semaphore, #tpu.memory_space<semaphore_mem>>)
      %dma_start3A_449 = arith.constant 1 : i32
      %dma_start3A_450 = arith.constant 1 : i32
      %dma_start3A_451 = arith.constant 0 : i32
      %dma_start3A_452 = tpu.memref_slice %arg13[%dma_start3A_450, %dma_start3A_451] : memref<16x128xf32, #tpu.memory_space<vmem>> -> memref<1x128xf32, #tpu.memory_space<vmem>>
      %dma_start3A_453 = tpu.memref_squeeze %dma_start3A_452 : memref<1x128xf32, #tpu.memory_space<vmem>> -> memref<128xf32, #tpu.memory_space<vmem>>
      %dma_start3A_454 = arith.constant 0 : i32
      %dma_start3A_455 = tpu.memref_slice %arg12[%dma_start3A_449, %dma_start3A_454] : memref<4x128xi32, #tpu.memory_space<vmem>> -> memref<1x128xi32, #tpu.memory_space<vmem>>
      %dma_start3A_456 = tpu.memref_squeeze %dma_start3A_455 : memref<1x128xi32, #tpu.memory_space<vmem>> -> memref<128xi32, #tpu.memory_space<vmem>>
      %dma_start3A_457 = arith.constant 0 : i32
      %dma_start3A_458 = tpu.memref_slice %arg2[%dma_start3A_457] : memref<131072xf32, #tpu.memory_space<hbm>> -> memref<131072xf32, #tpu.memory_space<hbm>>
      tpu.enqueue_indirect_dma source(%dma_start3A_458 : memref<131072xf32, #tpu.memory_space<hbm>>) target(%dma_start3A_453 : memref<128xf32, #tpu.memory_space<vmem>>) offsets(%dma_start3A_456 : memref<128xi32, #tpu.memory_space<vmem>>) semaphore(%arg17 : memref<!tpu.dma_semaphore, #tpu.memory_space<semaphore_mem>>)
      %dma_wait3A_459 = arith.constant 128 : i32
      %dma_wait3A_460 = tpu.memref_slice %arg10[%dma_wait3A_459] : memref<640xi32, #tpu.memory_space<vmem>> -> memref<384xi32, #tpu.memory_space<vmem>>
      %dma_wait3A_461 = arith.constant 128 : i32
      %dma_wait3A_462 = tpu.memref_slice %arg10[%dma_wait3A_461] : memref<640xi32, #tpu.memory_space<vmem>> -> memref<384xi32, #tpu.memory_space<vmem>>
      tpu.wait_dma2 semaphore(%arg15 : memref<!tpu.dma_semaphore, #tpu.memory_space<semaphore_mem>>) src(%arg6 : memref<384xi32, #tpu.memory_space<hbm>>) dst(%dma_wait3A_462 : memref<384xi32, #tpu.memory_space<vmem>>)
      %add3A_463 = arith.constant 0 : i32
      %add3A_464 = vector.broadcast %add3A_463 : i32 to vector<16xi32>
      %add3A_465 = arith.addi %iota3A, %add3A_464 : vector<16xi32>
      %jit3A_466 = arith.constant 32 : i32
      %div3A_467 = vector.broadcast %jit3A_466 : i32 to vector<16xi32>
      %div3A_468 = arith.divsi %add3A_465, %div3A_467 : vector<16xi32>
      %sign3A_469 = arith.constant 0 : i32
      %sign3A_470 = vector.broadcast %sign3A_469 : i32 to vector<16xi32>
      %sign3A_471 = arith.cmpi sgt, %add3A_465, %sign3A_470 : vector<16xi32>
      %sign3A_472 = arith.extui %sign3A_471 : vector<16xi1> to vector<16xi32>
      %sign3A_473 = arith.constant 0 : i32
      %sign3A_474 = vector.broadcast %sign3A_473 : i32 to vector<16xi32>
      %sign3A_475 = arith.cmpi slt, %add3A_465, %sign3A_474 : vector<16xi32>
      %sign3A_476 = arith.extui %sign3A_475 : vector<16xi1> to vector<16xi32>
      %sign3A_477 = arith.subi %sign3A_472, %sign3A_476 : vector<16xi32>
      %sign3A_478 = arith.constant 0 : i32
      %sign3A_479 = arith.cmpi sgt, %jit3A_466, %sign3A_478 : i32
      %sign3A_480 = arith.extui %sign3A_479 : i1 to i32
      %sign3A_481 = arith.constant 0 : i32
      %sign3A_482 = arith.cmpi slt, %jit3A_466, %sign3A_481 : i32
      %sign3A_483 = arith.extui %sign3A_482 : i1 to i32
      %sign3A_484 = arith.subi %sign3A_480, %sign3A_483 : i32
      %ne3A_485 = vector.broadcast %sign3A_484 : i32 to vector<16xi32>
      %ne3A_486 = arith.cmpi ne, %sign3A_477, %ne3A_485 : vector<16xi32>
      %rem3A_487 = vector.broadcast %jit3A_466 : i32 to vector<16xi32>
      %rem3A_488 = arith.remsi %add3A_465, %rem3A_487 : vector<16xi32>
      %ne3A_489 = arith.constant 0 : i32
      %ne3A_490 = vector.broadcast %ne3A_489 : i32 to vector<16xi32>
      %ne3A_491 = arith.cmpi ne, %rem3A_488, %ne3A_490 : vector<16xi32>
      %and3A_492 = arith.andi %ne3A_486, %ne3A_491 : vector<16xi1>
      %sub3A_493 = arith.constant 1 : i32
      %sub3A_494 = vector.broadcast %sub3A_493 : i32 to vector<16xi32>
      %sub3A_495 = arith.subi %div3A_468, %sub3A_494 : vector<16xi32>
      %select_n3A_496 = arith.select %and3A_492, %sub3A_495, %div3A_468 : vector<16xi1>, vector<16xi32>
      %mul3A_497 = arith.constant 3 : i32
      %mul3A_498 = vector.broadcast %mul3A_497 : i32 to vector<16xi32>
      %mul3A_499 = arith.muli %mul3A_498, %add3A_465 : vector<16xi32>
      %add3A_500 = arith.constant 128 : i32
      %add3A_501 = vector.broadcast %add3A_500 : i32 to vector<16xi32>
      %add3A_502 = arith.addi %mul3A_499, %add3A_501 : vector<16xi32>
      %gather3A_503 = tpu.vector_load_idx %arg10[%add3A_502] : memref<640xi32, #tpu.memory_space<vmem>>[vector<16xi32>], vector<16xi32>,
      %add3A_504 = arith.constant 1 : i32
      %add3A_505 = vector.broadcast %add3A_504 : i32 to vector<16xi32>
      %add3A_506 = arith.addi %add3A_502, %add3A_505 : vector<16xi32>
      %gather3A_507 = tpu.vector_load_idx %arg10[%add3A_506] : memref<640xi32, #tpu.memory_space<vmem>>[vector<16xi32>], vector<16xi32>,
      %add3A_508 = arith.constant 2 : i32
      %add3A_509 = vector.broadcast %add3A_508 : i32 to vector<16xi32>
      %add3A_510 = arith.addi %add3A_502, %add3A_509 : vector<16xi32>
      %gather3A_511 = tpu.vector_load_idx %arg10[%add3A_510] : memref<640xi32, #tpu.memory_space<vmem>>[vector<16xi32>], vector<16xi32>,
      %mul3A_512 = arith.constant 245760 : i32
      %mul3A_513 = vector.broadcast %mul3A_512 : i32 to vector<16xi32>
      %mul3A_514 = arith.muli %select_n3A_496, %mul3A_513 : vector<16xi32>
      %mul3A_515 = arith.constant 16384 : i32
      %mul3A_516 = vector.broadcast %mul3A_515 : i32 to vector<16xi32>
      %mul3A_517 = arith.muli %gather3A_503, %mul3A_516 : vector<16xi32>
      %add3A_518 = arith.addi %mul3A_514, %mul3A_517 : vector<16xi32>
      %mul3A_519 = arith.constant 128 : i32
      %mul3A_520 = vector.broadcast %mul3A_519 : i32 to vector<16xi32>
      %mul3A_521 = arith.muli %gather3A_507, %mul3A_520 : vector<16xi32>
      %add3A_522 = arith.addi %add3A_518, %mul3A_521 : vector<16xi32>
      %add3A_523 = arith.addi %add3A_522, %gather3A_511 : vector<16xi32>
      %swap3A_524 = arith.constant 2 : i32
      %swap3A_525 = arith.index_cast %swap3A_524 : i32 to index
      %swap3A_526 = arith.constant 0 : index
      %swap3A_527 = tpu.vector_load %arg12[%swap3A_525, %swap3A_526] {strides = array<i32>} : memref<4x128xi32, #tpu.memory_space<vmem>>, vector<16xi32>,
      tpu.vector_store %arg12[%swap3A_525, %swap3A_526], %add3A_523 {strides = array<i32>} : memref<4x128xi32, #tpu.memory_space<vmem>>, vector<16xi32>,
      %convert_element_type3A_528 = arith.sitofp %gather3A_503 : vector<16xi32> to vector<16xf32>
      %swap3A_529 = arith.constant 5 : i32
      %swap3A_530 = arith.index_cast %swap3A_529 : i32 to index
      %swap3A_531 = arith.constant 0 : index
      %swap3A_532 = tpu.vector_load %arg13[%swap3A_530, %swap3A_531] {strides = array<i32>} : memref<16x128xf32, #tpu.memory_space<vmem>>, vector<16xf32>,
      tpu.vector_store %arg13[%swap3A_530, %swap3A_531], %convert_element_type3A_528 {strides = array<i32>} : memref<16x128xf32, #tpu.memory_space<vmem>>, vector<16xf32>,
      %convert_element_type3A_533 = arith.sitofp %gather3A_507 : vector<16xi32> to vector<16xf32>
      %swap3A_534 = arith.constant 6 : i32
      %swap3A_535 = arith.index_cast %swap3A_534 : i32 to index
      %swap3A_536 = arith.constant 0 : index
      %swap3A_537 = tpu.vector_load %arg13[%swap3A_535, %swap3A_536] {strides = array<i32>} : memref<16x128xf32, #tpu.memory_space<vmem>>, vector<16xf32>,
      tpu.vector_store %arg13[%swap3A_535, %swap3A_536], %convert_element_type3A_533 {strides = array<i32>} : memref<16x128xf32, #tpu.memory_space<vmem>>, vector<16xf32>,
      %convert_element_type3A_538 = arith.sitofp %gather3A_511 : vector<16xi32> to vector<16xf32>
      %swap3A_539 = arith.constant 7 : i32
      %swap3A_540 = arith.index_cast %swap3A_539 : i32 to index
      %swap3A_541 = arith.constant 0 : index
      %swap3A_542 = tpu.vector_load %arg13[%swap3A_540, %swap3A_541] {strides = array<i32>} : memref<16x128xf32, #tpu.memory_space<vmem>>, vector<16xf32>,
      tpu.vector_store %arg13[%swap3A_540, %swap3A_541], %convert_element_type3A_538 {strides = array<i32>} : memref<16x128xf32, #tpu.memory_space<vmem>>, vector<16xf32>,
      %add3A_543 = arith.constant 16 : i32
      %add3A_544 = vector.broadcast %add3A_543 : i32 to vector<16xi32>
      %add3A_545 = arith.addi %iota3A, %add3A_544 : vector<16xi32>
      %jit3A_546 = arith.constant 32 : i32
      %div3A_547 = vector.broadcast %jit3A_546 : i32 to vector<16xi32>
      %div3A_548 = arith.divsi %add3A_545, %div3A_547 : vector<16xi32>
      %sign3A_549 = arith.constant 0 : i32
      %sign3A_550 = vector.broadcast %sign3A_549 : i32 to vector<16xi32>
      %sign3A_551 = arith.cmpi sgt, %add3A_545, %sign3A_550 : vector<16xi32>
      %sign3A_552 = arith.extui %sign3A_551 : vector<16xi1> to vector<16xi32>
      %sign3A_553 = arith.constant 0 : i32
      %sign3A_554 = vector.broadcast %sign3A_553 : i32 to vector<16xi32>
      %sign3A_555 = arith.cmpi slt, %add3A_545, %sign3A_554 : vector<16xi32>
      %sign3A_556 = arith.extui %sign3A_555 : vector<16xi1> to vector<16xi32>
      %sign3A_557 = arith.subi %sign3A_552, %sign3A_556 : vector<16xi32>
      %sign3A_558 = arith.constant 0 : i32
      %sign3A_559 = arith.cmpi sgt, %jit3A_546, %sign3A_558 : i32
      %sign3A_560 = arith.extui %sign3A_559 : i1 to i32
      %sign3A_561 = arith.constant 0 : i32
      %sign3A_562 = arith.cmpi slt, %jit3A_546, %sign3A_561 : i32
      %sign3A_563 = arith.extui %sign3A_562 : i1 to i32
      %sign3A_564 = arith.subi %sign3A_560, %sign3A_563 : i32
      %ne3A_565 = vector.broadcast %sign3A_564 : i32 to vector<16xi32>
      %ne3A_566 = arith.cmpi ne, %sign3A_557, %ne3A_565 : vector<16xi32>
      %rem3A_567 = vector.broadcast %jit3A_546 : i32 to vector<16xi32>
      %rem3A_568 = arith.remsi %add3A_545, %rem3A_567 : vector<16xi32>
      %ne3A_569 = arith.constant 0 : i32
      %ne3A_570 = vector.broadcast %ne3A_569 : i32 to vector<16xi32>
      %ne3A_571 = arith.cmpi ne, %rem3A_568, %ne3A_570 : vector<16xi32>
      %and3A_572 = arith.andi %ne3A_566, %ne3A_571 : vector<16xi1>
      %sub3A_573 = arith.constant 1 : i32
      %sub3A_574 = vector.broadcast %sub3A_573 : i32 to vector<16xi32>
      %sub3A_575 = arith.subi %div3A_548, %sub3A_574 : vector<16xi32>
      %select_n3A_576 = arith.select %and3A_572, %sub3A_575, %div3A_548 : vector<16xi1>, vector<16xi32>
      %mul3A_577 = arith.constant 3 : i32
      %mul3A_578 = vector.broadcast %mul3A_577 : i32 to vector<16xi32>
      %mul3A_579 = arith.muli %mul3A_578, %add3A_545 : vector<16xi32>
      %add3A_580 = arith.constant 128 : i32
      %add3A_581 = vector.broadcast %add3A_580 : i32 to vector<16xi32>
      %add3A_582 = arith.addi %mul3A_579, %add3A_581 : vector<16xi32>
      %gather3A_583 = tpu.vector_load_idx %arg10[%add3A_582] : memref<640xi32, #tpu.memory_space<vmem>>[vector<16xi32>], vector<16xi32>,
      %add3A_584 = arith.constant 1 : i32
      %add3A_585 = vector.broadcast %add3A_584 : i32 to vector<16xi32>
      %add3A_586 = arith.addi %add3A_582, %add3A_585 : vector<16xi32>
      %gather3A_587 = tpu.vector_load_idx %arg10[%add3A_586] : memref<640xi32, #tpu.memory_space<vmem>>[vector<16xi32>], vector<16xi32>,
      %add3A_588 = arith.constant 2 : i32
      %add3A_589 = vector.broadcast %add3A_588 : i32 to vector<16xi32>
      %add3A_590 = arith.addi %add3A_582, %add3A_589 : vector<16xi32>
      %gather3A_591 = tpu.vector_load_idx %arg10[%add3A_590] : memref<640xi32, #tpu.memory_space<vmem>>[vector<16xi32>], vector<16xi32>,
      %mul3A_592 = arith.constant 245760 : i32
      %mul3A_593 = vector.broadcast %mul3A_592 : i32 to vector<16xi32>
      %mul3A_594 = arith.muli %select_n3A_576, %mul3A_593 : vector<16xi32>
      %mul3A_595 = arith.constant 16384 : i32
      %mul3A_596 = vector.broadcast %mul3A_595 : i32 to vector<16xi32>
      %mul3A_597 = arith.muli %gather3A_583, %mul3A_596 : vector<16xi32>
      %add3A_598 = arith.addi %mul3A_594, %mul3A_597 : vector<16xi32>
      %mul3A_599 = arith.constant 128 : i32
      %mul3A_600 = vector.broadcast %mul3A_599 : i32 to vector<16xi32>
      %mul3A_601 = arith.muli %gather3A_587, %mul3A_600 : vector<16xi32>
      %add3A_602 = arith.addi %add3A_598, %mul3A_601 : vector<16xi32>
      %add3A_603 = arith.addi %add3A_602, %gather3A_591 : vector<16xi32>
      %swap3A_604 = arith.constant 2 : i32
      %swap3A_605 = arith.index_cast %swap3A_604 : i32 to index
      %swap3A_606 = arith.constant 16 : index
      %swap3A_607 = tpu.vector_load %arg12[%swap3A_605, %swap3A_606] {strides = array<i32>} : memref<4x128xi32, #tpu.memory_space<vmem>>, vector<16xi32>,
      tpu.vector_store %arg12[%swap3A_605, %swap3A_606], %add3A_603 {strides = array<i32>} : memref<4x128xi32, #tpu.memory_space<vmem>>, vector<16xi32>,
      %convert_element_type3A_608 = arith.sitofp %gather3A_583 : vector<16xi32> to vector<16xf32>
      %swap3A_609 = arith.constant 5 : i32
      %swap3A_610 = arith.index_cast %swap3A_609 : i32 to index
      %swap3A_611 = arith.constant 16 : index
      %swap3A_612 = tpu.vector_load %arg13[%swap3A_610, %swap3A_611] {strides = array<i32>} : memref<16x128xf32, #tpu.memory_space<vmem>>, vector<16xf32>,
      tpu.vector_store %arg13[%swap3A_610, %swap3A_611], %convert_element_type3A_608 {strides = array<i32>} : memref<16x128xf32, #tpu.memory_space<vmem>>, vector<16xf32>,
      %convert_element_type3A_613 = arith.sitofp %gather3A_587 : vector<16xi32> to vector<16xf32>
      %swap3A_614 = arith.constant 6 : i32
      %swap3A_615 = arith.index_cast %swap3A_614 : i32 to index
      %swap3A_616 = arith.constant 16 : index
      %swap3A_617 = tpu.vector_load %arg13[%swap3A_615, %swap3A_616] {strides = array<i32>} : memref<16x128xf32, #tpu.memory_space<vmem>>, vector<16xf32>,
      tpu.vector_store %arg13[%swap3A_615, %swap3A_616], %convert_element_type3A_613 {strides = array<i32>} : memref<16x128xf32, #tpu.memory_space<vmem>>, vector<16xf32>,
      %convert_element_type3A_618 = arith.sitofp %gather3A_591 : vector<16xi32> to vector<16xf32>
      %swap3A_619 = arith.constant 7 : i32
      %swap3A_620 = arith.index_cast %swap3A_619 : i32 to index
      %swap3A_621 = arith.constant 16 : index
      %swap3A_622 = tpu.vector_load %arg13[%swap3A_620, %swap3A_621] {strides = array<i32>} : memref<16x128xf32, #tpu.memory_space<vmem>>, vector<16xf32>,
      tpu.vector_store %arg13[%swap3A_620, %swap3A_621], %convert_element_type3A_618 {strides = array<i32>} : memref<16x128xf32, #tpu.memory_space<vmem>>, vector<16xf32>,
      %add3A_623 = arith.constant 32 : i32
      %add3A_624 = vector.broadcast %add3A_623 : i32 to vector<16xi32>
      %add3A_625 = arith.addi %iota3A, %add3A_624 : vector<16xi32>
      %jit3A_626 = arith.constant 32 : i32
      %div3A_627 = vector.broadcast %jit3A_626 : i32 to vector<16xi32>
      %div3A_628 = arith.divsi %add3A_625, %div3A_627 : vector<16xi32>
      %sign3A_629 = arith.constant 0 : i32
      %sign3A_630 = vector.broadcast %sign3A_629 : i32 to vector<16xi32>
      %sign3A_631 = arith.cmpi sgt, %add3A_625, %sign3A_630 : vector<16xi32>
      %sign3A_632 = arith.extui %sign3A_631 : vector<16xi1> to vector<16xi32>
      %sign3A_633 = arith.constant 0 : i32
      %sign3A_634 = vector.broadcast %sign3A_633 : i32 to vector<16xi32>
      %sign3A_635 = arith.cmpi slt, %add3A_625, %sign3A_634 : vector<16xi32>
      %sign3A_636 = arith.extui %sign3A_635 : vector<16xi1> to vector<16xi32>
      %sign3A_637 = arith.subi %sign3A_632, %sign3A_636 : vector<16xi32>
      %sign3A_638 = arith.constant 0 : i32
      %sign3A_639 = arith.cmpi sgt, %jit3A_626, %sign3A_638 : i32
      %sign3A_640 = arith.extui %sign3A_639 : i1 to i32
      %sign3A_641 = arith.constant 0 : i32
      %sign3A_642 = arith.cmpi slt, %jit3A_626, %sign3A_641 : i32
      %sign3A_643 = arith.extui %sign3A_642 : i1 to i32
      %sign3A_644 = arith.subi %sign3A_640, %sign3A_643 : i32
      %ne3A_645 = vector.broadcast %sign3A_644 : i32 to vector<16xi32>
      %ne3A_646 = arith.cmpi ne, %sign3A_637, %ne3A_645 : vector<16xi32>
      %rem3A_647 = vector.broadcast %jit3A_626 : i32 to vector<16xi32>
      %rem3A_648 = arith.remsi %add3A_625, %rem3A_647 : vector<16xi32>
      %ne3A_649 = arith.constant 0 : i32
      %ne3A_650 = vector.broadcast %ne3A_649 : i32 to vector<16xi32>
      %ne3A_651 = arith.cmpi ne, %rem3A_648, %ne3A_650 : vector<16xi32>
      %and3A_652 = arith.andi %ne3A_646, %ne3A_651 : vector<16xi1>
      %sub3A_653 = arith.constant 1 : i32
      %sub3A_654 = vector.broadcast %sub3A_653 : i32 to vector<16xi32>
      %sub3A_655 = arith.subi %div3A_628, %sub3A_654 : vector<16xi32>
      %select_n3A_656 = arith.select %and3A_652, %sub3A_655, %div3A_628 : vector<16xi1>, vector<16xi32>
      %mul3A_657 = arith.constant 3 : i32
      %mul3A_658 = vector.broadcast %mul3A_657 : i32 to vector<16xi32>
      %mul3A_659 = arith.muli %mul3A_658, %add3A_625 : vector<16xi32>
      %add3A_660 = arith.constant 128 : i32
      %add3A_661 = vector.broadcast %add3A_660 : i32 to vector<16xi32>
      %add3A_662 = arith.addi %mul3A_659, %add3A_661 : vector<16xi32>
      %gather3A_663 = tpu.vector_load_idx %arg10[%add3A_662] : memref<640xi32, #tpu.memory_space<vmem>>[vector<16xi32>], vector<16xi32>,
      %add3A_664 = arith.constant 1 : i32
      %add3A_665 = vector.broadcast %add3A_664 : i32 to vector<16xi32>
      %add3A_666 = arith.addi %add3A_662, %add3A_665 : vector<16xi32>
      %gather3A_667 = tpu.vector_load_idx %arg10[%add3A_666] : memref<640xi32, #tpu.memory_space<vmem>>[vector<16xi32>], vector<16xi32>,
      %add3A_668 = arith.constant 2 : i32
      %add3A_669 = vector.broadcast %add3A_668 : i32 to vector<16xi32>
      %add3A_670 = arith.addi %add3A_662, %add3A_669 : vector<16xi32>
      %gather3A_671 = tpu.vector_load_idx %arg10[%add3A_670] : memref<640xi32, #tpu.memory_space<vmem>>[vector<16xi32>], vector<16xi32>,
      %mul3A_672 = arith.constant 245760 : i32
      %mul3A_673 = vector.broadcast %mul3A_672 : i32 to vector<16xi32>
      %mul3A_674 = arith.muli %select_n3A_656, %mul3A_673 : vector<16xi32>
      %mul3A_675 = arith.constant 16384 : i32
      %mul3A_676 = vector.broadcast %mul3A_675 : i32 to vector<16xi32>
      %mul3A_677 = arith.muli %gather3A_663, %mul3A_676 : vector<16xi32>
      %add3A_678 = arith.addi %mul3A_674, %mul3A_677 : vector<16xi32>
      %mul3A_679 = arith.constant 128 : i32
      %mul3A_680 = vector.broadcast %mul3A_679 : i32 to vector<16xi32>
      %mul3A_681 = arith.muli %gather3A_667, %mul3A_680 : vector<16xi32>
      %add3A_682 = arith.addi %add3A_678, %mul3A_681 : vector<16xi32>
      %add3A_683 = arith.addi %add3A_682, %gather3A_671 : vector<16xi32>
      %swap3A_684 = arith.constant 2 : i32
      %swap3A_685 = arith.index_cast %swap3A_684 : i32 to index
      %swap3A_686 = arith.constant 32 : index
      %swap3A_687 = tpu.vector_load %arg12[%swap3A_685, %swap3A_686] {strides = array<i32>} : memref<4x128xi32, #tpu.memory_space<vmem>>, vector<16xi32>,
      tpu.vector_store %arg12[%swap3A_685, %swap3A_686], %add3A_683 {strides = array<i32>} : memref<4x128xi32, #tpu.memory_space<vmem>>, vector<16xi32>,
      %convert_element_type3A_688 = arith.sitofp %gather3A_663 : vector<16xi32> to vector<16xf32>
      %swap3A_689 = arith.constant 5 : i32
      %swap3A_690 = arith.index_cast %swap3A_689 : i32 to index
      %swap3A_691 = arith.constant 32 : index
      %swap3A_692 = tpu.vector_load %arg13[%swap3A_690, %swap3A_691] {strides = array<i32>} : memref<16x128xf32, #tpu.memory_space<vmem>>, vector<16xf32>,
      tpu.vector_store %arg13[%swap3A_690, %swap3A_691], %convert_element_type3A_688 {strides = array<i32>} : memref<16x128xf32, #tpu.memory_space<vmem>>, vector<16xf32>,
      %convert_element_type3A_693 = arith.sitofp %gather3A_667 : vector<16xi32> to vector<16xf32>
      %swap3A_694 = arith.constant 6 : i32
      %swap3A_695 = arith.index_cast %swap3A_694 : i32 to index
      %swap3A_696 = arith.constant 32 : index
      %swap3A_697 = tpu.vector_load %arg13[%swap3A_695, %swap3A_696] {strides = array<i32>} : memref<16x128xf32, #tpu.memory_space<vmem>>, vector<16xf32>,
      tpu.vector_store %arg13[%swap3A_695, %swap3A_696], %convert_element_type3A_693 {strides = array<i32>} : memref<16x128xf32, #tpu.memory_space<vmem>>, vector<16xf32>,
      %convert_element_type3A_698 = arith.sitofp %gather3A_671 : vector<16xi32> to vector<16xf32>
      %swap3A_699 = arith.constant 7 : i32
      %swap3A_700 = arith.index_cast %swap3A_699 : i32 to index
      %swap3A_701 = arith.constant 32 : index
      %swap3A_702 = tpu.vector_load %arg13[%swap3A_700, %swap3A_701] {strides = array<i32>} : memref<16x128xf32, #tpu.memory_space<vmem>>, vector<16xf32>,
      tpu.vector_store %arg13[%swap3A_700, %swap3A_701], %convert_element_type3A_698 {strides = array<i32>} : memref<16x128xf32, #tpu.memory_space<vmem>>, vector<16xf32>,
      %add3A_703 = arith.constant 48 : i32
      %add3A_704 = vector.broadcast %add3A_703 : i32 to vector<16xi32>
      %add3A_705 = arith.addi %iota3A, %add3A_704 : vector<16xi32>
      %jit3A_706 = arith.constant 32 : i32
      %div3A_707 = vector.broadcast %jit3A_706 : i32 to vector<16xi32>
      %div3A_708 = arith.divsi %add3A_705, %div3A_707 : vector<16xi32>
      %sign3A_709 = arith.constant 0 : i32
      %sign3A_710 = vector.broadcast %sign3A_709 : i32 to vector<16xi32>
      %sign3A_711 = arith.cmpi sgt, %add3A_705, %sign3A_710 : vector<16xi32>
      %sign3A_712 = arith.extui %sign3A_711 : vector<16xi1> to vector<16xi32>
      %sign3A_713 = arith.constant 0 : i32
      %sign3A_714 = vector.broadcast %sign3A_713 : i32 to vector<16xi32>
      %sign3A_715 = arith.cmpi slt, %add3A_705, %sign3A_714 : vector<16xi32>
      %sign3A_716 = arith.extui %sign3A_715 : vector<16xi1> to vector<16xi32>
      %sign3A_717 = arith.subi %sign3A_712, %sign3A_716 : vector<16xi32>
      %sign3A_718 = arith.constant 0 : i32
      %sign3A_719 = arith.cmpi sgt, %jit3A_706, %sign3A_718 : i32
      %sign3A_720 = arith.extui %sign3A_719 : i1 to i32
      %sign3A_721 = arith.constant 0 : i32
      %sign3A_722 = arith.cmpi slt, %jit3A_706, %sign3A_721 : i32
      %sign3A_723 = arith.extui %sign3A_722 : i1 to i32
      %sign3A_724 = arith.subi %sign3A_720, %sign3A_723 : i32
      %ne3A_725 = vector.broadcast %sign3A_724 : i32 to vector<16xi32>
      %ne3A_726 = arith.cmpi ne, %sign3A_717, %ne3A_725 : vector<16xi32>
      %rem3A_727 = vector.broadcast %jit3A_706 : i32 to vector<16xi32>
      %rem3A_728 = arith.remsi %add3A_705, %rem3A_727 : vector<16xi32>
      %ne3A_729 = arith.constant 0 : i32
      %ne3A_730 = vector.broadcast %ne3A_729 : i32 to vector<16xi32>
      %ne3A_731 = arith.cmpi ne, %rem3A_728, %ne3A_730 : vector<16xi32>
      %and3A_732 = arith.andi %ne3A_726, %ne3A_731 : vector<16xi1>
      %sub3A_733 = arith.constant 1 : i32
      %sub3A_734 = vector.broadcast %sub3A_733 : i32 to vector<16xi32>
      %sub3A_735 = arith.subi %div3A_708, %sub3A_734 : vector<16xi32>
      %select_n3A_736 = arith.select %and3A_732, %sub3A_735, %div3A_708 : vector<16xi1>, vector<16xi32>
      %mul3A_737 = arith.constant 3 : i32
      %mul3A_738 = vector.broadcast %mul3A_737 : i32 to vector<16xi32>
      %mul3A_739 = arith.muli %mul3A_738, %add3A_705 : vector<16xi32>
      %add3A_740 = arith.constant 128 : i32
      %add3A_741 = vector.broadcast %add3A_740 : i32 to vector<16xi32>
      %add3A_742 = arith.addi %mul3A_739, %add3A_741 : vector<16xi32>
      %gather3A_743 = tpu.vector_load_idx %arg10[%add3A_742] : memref<640xi32, #tpu.memory_space<vmem>>[vector<16xi32>], vector<16xi32>,
      %add3A_744 = arith.constant 1 : i32
      %add3A_745 = vector.broadcast %add3A_744 : i32 to vector<16xi32>
      %add3A_746 = arith.addi %add3A_742, %add3A_745 : vector<16xi32>
      %gather3A_747 = tpu.vector_load_idx %arg10[%add3A_746] : memref<640xi32, #tpu.memory_space<vmem>>[vector<16xi32>], vector<16xi32>,
      %add3A_748 = arith.constant 2 : i32
      %add3A_749 = vector.broadcast %add3A_748 : i32 to vector<16xi32>
      %add3A_750 = arith.addi %add3A_742, %add3A_749 : vector<16xi32>
      %gather3A_751 = tpu.vector_load_idx %arg10[%add3A_750] : memref<640xi32, #tpu.memory_space<vmem>>[vector<16xi32>], vector<16xi32>,
      %mul3A_752 = arith.constant 245760 : i32
      %mul3A_753 = vector.broadcast %mul3A_752 : i32 to vector<16xi32>
      %mul3A_754 = arith.muli %select_n3A_736, %mul3A_753 : vector<16xi32>
      %mul3A_755 = arith.constant 16384 : i32
      %mul3A_756 = vector.broadcast %mul3A_755 : i32 to vector<16xi32>
      %mul3A_757 = arith.muli %gather3A_743, %mul3A_756 : vector<16xi32>
      %add3A_758 = arith.addi %mul3A_754, %mul3A_757 : vector<16xi32>
      %mul3A_759 = arith.constant 128 : i32
      %mul3A_760 = vector.broadcast %mul3A_759 : i32 to vector<16xi32>
      %mul3A_761 = arith.muli %gather3A_747, %mul3A_760 : vector<16xi32>
      %add3A_762 = arith.addi %add3A_758, %mul3A_761 : vector<16xi32>
      %add3A_763 = arith.addi %add3A_762, %gather3A_751 : vector<16xi32>
      %swap3A_764 = arith.constant 2 : i32
      %swap3A_765 = arith.index_cast %swap3A_764 : i32 to index
      %swap3A_766 = arith.constant 48 : index
      %swap3A_767 = tpu.vector_load %arg12[%swap3A_765, %swap3A_766] {strides = array<i32>} : memref<4x128xi32, #tpu.memory_space<vmem>>, vector<16xi32>,
      tpu.vector_store %arg12[%swap3A_765, %swap3A_766], %add3A_763 {strides = array<i32>} : memref<4x128xi32, #tpu.memory_space<vmem>>, vector<16xi32>,
      %convert_element_type3A_768 = arith.sitofp %gather3A_743 : vector<16xi32> to vector<16xf32>
      %swap3A_769 = arith.constant 5 : i32
      %swap3A_770 = arith.index_cast %swap3A_769 : i32 to index
      %swap3A_771 = arith.constant 48 : index
      %swap3A_772 = tpu.vector_load %arg13[%swap3A_770, %swap3A_771] {strides = array<i32>} : memref<16x128xf32, #tpu.memory_space<vmem>>, vector<16xf32>,
      tpu.vector_store %arg13[%swap3A_770, %swap3A_771], %convert_element_type3A_768 {strides = array<i32>} : memref<16x128xf32, #tpu.memory_space<vmem>>, vector<16xf32>,
      %convert_element_type3A_773 = arith.sitofp %gather3A_747 : vector<16xi32> to vector<16xf32>
      %swap3A_774 = arith.constant 6 : i32
      %swap3A_775 = arith.index_cast %swap3A_774 : i32 to index
      %swap3A_776 = arith.constant 48 : index
      %swap3A_777 = tpu.vector_load %arg13[%swap3A_775, %swap3A_776] {strides = array<i32>} : memref<16x128xf32, #tpu.memory_space<vmem>>, vector<16xf32>,
      tpu.vector_store %arg13[%swap3A_775, %swap3A_776], %convert_element_type3A_773 {strides = array<i32>} : memref<16x128xf32, #tpu.memory_space<vmem>>, vector<16xf32>,
      %convert_element_type3A_778 = arith.sitofp %gather3A_751 : vector<16xi32> to vector<16xf32>
      %swap3A_779 = arith.constant 7 : i32
      %swap3A_780 = arith.index_cast %swap3A_779 : i32 to index
      %swap3A_781 = arith.constant 48 : index
      %swap3A_782 = tpu.vector_load %arg13[%swap3A_780, %swap3A_781] {strides = array<i32>} : memref<16x128xf32, #tpu.memory_space<vmem>>, vector<16xf32>,
      tpu.vector_store %arg13[%swap3A_780, %swap3A_781], %convert_element_type3A_778 {strides = array<i32>} : memref<16x128xf32, #tpu.memory_space<vmem>>, vector<16xf32>,
      %add3A_783 = arith.constant 64 : i32
      %add3A_784 = vector.broadcast %add3A_783 : i32 to vector<16xi32>
      %add3A_785 = arith.addi %iota3A, %add3A_784 : vector<16xi32>
      %jit3A_786 = arith.constant 32 : i32
      %div3A_787 = vector.broadcast %jit3A_786 : i32 to vector<16xi32>
      %div3A_788 = arith.divsi %add3A_785, %div3A_787 : vector<16xi32>
      %sign3A_789 = arith.constant 0 : i32
      %sign3A_790 = vector.broadcast %sign3A_789 : i32 to vector<16xi32>
      %sign3A_791 = arith.cmpi sgt, %add3A_785, %sign3A_790 : vector<16xi32>
      %sign3A_792 = arith.extui %sign3A_791 : vector<16xi1> to vector<16xi32>
      %sign3A_793 = arith.constant 0 : i32
      %sign3A_794 = vector.broadcast %sign3A_793 : i32 to vector<16xi32>
      %sign3A_795 = arith.cmpi slt, %add3A_785, %sign3A_794 : vector<16xi32>
      %sign3A_796 = arith.extui %sign3A_795 : vector<16xi1> to vector<16xi32>
      %sign3A_797 = arith.subi %sign3A_792, %sign3A_796 : vector<16xi32>
      %sign3A_798 = arith.constant 0 : i32
      %sign3A_799 = arith.cmpi sgt, %jit3A_786, %sign3A_798 : i32
      %sign3A_800 = arith.extui %sign3A_799 : i1 to i32
      %sign3A_801 = arith.constant 0 : i32
      %sign3A_802 = arith.cmpi slt, %jit3A_786, %sign3A_801 : i32
      %sign3A_803 = arith.extui %sign3A_802 : i1 to i32
      %sign3A_804 = arith.subi %sign3A_800, %sign3A_803 : i32
      %ne3A_805 = vector.broadcast %sign3A_804 : i32 to vector<16xi32>
      %ne3A_806 = arith.cmpi ne, %sign3A_797, %ne3A_805 : vector<16xi32>
      %rem3A_807 = vector.broadcast %jit3A_786 : i32 to vector<16xi32>
      %rem3A_808 = arith.remsi %add3A_785, %rem3A_807 : vector<16xi32>
      %ne3A_809 = arith.constant 0 : i32
      %ne3A_810 = vector.broadcast %ne3A_809 : i32 to vector<16xi32>
      %ne3A_811 = arith.cmpi ne, %rem3A_808, %ne3A_810 : vector<16xi32>
      %and3A_812 = arith.andi %ne3A_806, %ne3A_811 : vector<16xi1>
      %sub3A_813 = arith.constant 1 : i32
      %sub3A_814 = vector.broadcast %sub3A_813 : i32 to vector<16xi32>
      %sub3A_815 = arith.subi %div3A_788, %sub3A_814 : vector<16xi32>
      %select_n3A_816 = arith.select %and3A_812, %sub3A_815, %div3A_788 : vector<16xi1>, vector<16xi32>
      %mul3A_817 = arith.constant 3 : i32
      %mul3A_818 = vector.broadcast %mul3A_817 : i32 to vector<16xi32>
      %mul3A_819 = arith.muli %mul3A_818, %add3A_785 : vector<16xi32>
      %add3A_820 = arith.constant 128 : i32
      %add3A_821 = vector.broadcast %add3A_820 : i32 to vector<16xi32>
      %add3A_822 = arith.addi %mul3A_819, %add3A_821 : vector<16xi32>
      %gather3A_823 = tpu.vector_load_idx %arg10[%add3A_822] : memref<640xi32, #tpu.memory_space<vmem>>[vector<16xi32>], vector<16xi32>,
      %add3A_824 = arith.constant 1 : i32
      %add3A_825 = vector.broadcast %add3A_824 : i32 to vector<16xi32>
      %add3A_826 = arith.addi %add3A_822, %add3A_825 : vector<16xi32>
      %gather3A_827 = tpu.vector_load_idx %arg10[%add3A_826] : memref<640xi32, #tpu.memory_space<vmem>>[vector<16xi32>], vector<16xi32>,
      %add3A_828 = arith.constant 2 : i32
      %add3A_829 = vector.broadcast %add3A_828 : i32 to vector<16xi32>
      %add3A_830 = arith.addi %add3A_822, %add3A_829 : vector<16xi32>
      %gather3A_831 = tpu.vector_load_idx %arg10[%add3A_830] : memref<640xi32, #tpu.memory_space<vmem>>[vector<16xi32>], vector<16xi32>,
      %mul3A_832 = arith.constant 245760 : i32
      %mul3A_833 = vector.broadcast %mul3A_832 : i32 to vector<16xi32>
      %mul3A_834 = arith.muli %select_n3A_816, %mul3A_833 : vector<16xi32>
      %mul3A_835 = arith.constant 16384 : i32
      %mul3A_836 = vector.broadcast %mul3A_835 : i32 to vector<16xi32>
      %mul3A_837 = arith.muli %gather3A_823, %mul3A_836 : vector<16xi32>
      %add3A_838 = arith.addi %mul3A_834, %mul3A_837 : vector<16xi32>
      %mul3A_839 = arith.constant 128 : i32
      %mul3A_840 = vector.broadcast %mul3A_839 : i32 to vector<16xi32>
      %mul3A_841 = arith.muli %gather3A_827, %mul3A_840 : vector<16xi32>
      %add3A_842 = arith.addi %add3A_838, %mul3A_841 : vector<16xi32>
      %add3A_843 = arith.addi %add3A_842, %gather3A_831 : vector<16xi32>
      %swap3A_844 = arith.constant 2 : i32
      %swap3A_845 = arith.index_cast %swap3A_844 : i32 to index
      %swap3A_846 = arith.constant 64 : index
      %swap3A_847 = tpu.vector_load %arg12[%swap3A_845, %swap3A_846] {strides = array<i32>} : memref<4x128xi32, #tpu.memory_space<vmem>>, vector<16xi32>,
      tpu.vector_store %arg12[%swap3A_845, %swap3A_846], %add3A_843 {strides = array<i32>} : memref<4x128xi32, #tpu.memory_space<vmem>>, vector<16xi32>,
      %convert_element_type3A_848 = arith.sitofp %gather3A_823 : vector<16xi32> to vector<16xf32>
      %swap3A_849 = arith.constant 5 : i32
      %swap3A_850 = arith.index_cast %swap3A_849 : i32 to index
      %swap3A_851 = arith.constant 64 : index
      %swap3A_852 = tpu.vector_load %arg13[%swap3A_850, %swap3A_851] {strides = array<i32>} : memref<16x128xf32, #tpu.memory_space<vmem>>, vector<16xf32>,
      tpu.vector_store %arg13[%swap3A_850, %swap3A_851], %convert_element_type3A_848 {strides = array<i32>} : memref<16x128xf32, #tpu.memory_space<vmem>>, vector<16xf32>,
      %convert_element_type3A_853 = arith.sitofp %gather3A_827 : vector<16xi32> to vector<16xf32>
      %swap3A_854 = arith.constant 6 : i32
      %swap3A_855 = arith.index_cast %swap3A_854 : i32 to index
      %swap3A_856 = arith.constant 64 : index
      %swap3A_857 = tpu.vector_load %arg13[%swap3A_855, %swap3A_856] {strides = array<i32>} : memref<16x128xf32, #tpu.memory_space<vmem>>, vector<16xf32>,
      tpu.vector_store %arg13[%swap3A_855, %swap3A_856], %convert_element_type3A_853 {strides = array<i32>} : memref<16x128xf32, #tpu.memory_space<vmem>>, vector<16xf32>,
      %convert_element_type3A_858 = arith.sitofp %gather3A_831 : vector<16xi32> to vector<16xf32>
      %swap3A_859 = arith.constant 7 : i32
      %swap3A_860 = arith.index_cast %swap3A_859 : i32 to index
      %swap3A_861 = arith.constant 64 : index
      %swap3A_862 = tpu.vector_load %arg13[%swap3A_860, %swap3A_861] {strides = array<i32>} : memref<16x128xf32, #tpu.memory_space<vmem>>, vector<16xf32>,
      tpu.vector_store %arg13[%swap3A_860, %swap3A_861], %convert_element_type3A_858 {strides = array<i32>} : memref<16x128xf32, #tpu.memory_space<vmem>>, vector<16xf32>,
      %add3A_863 = arith.constant 80 : i32
      %add3A_864 = vector.broadcast %add3A_863 : i32 to vector<16xi32>
      %add3A_865 = arith.addi %iota3A, %add3A_864 : vector<16xi32>
      %jit3A_866 = arith.constant 32 : i32
      %div3A_867 = vector.broadcast %jit3A_866 : i32 to vector<16xi32>
      %div3A_868 = arith.divsi %add3A_865, %div3A_867 : vector<16xi32>
      %sign3A_869 = arith.constant 0 : i32
      %sign3A_870 = vector.broadcast %sign3A_869 : i32 to vector<16xi32>
      %sign3A_871 = arith.cmpi sgt, %add3A_865, %sign3A_870 : vector<16xi32>
      %sign3A_872 = arith.extui %sign3A_871 : vector<16xi1> to vector<16xi32>
      %sign3A_873 = arith.constant 0 : i32
      %sign3A_874 = vector.broadcast %sign3A_873 : i32 to vector<16xi32>
      %sign3A_875 = arith.cmpi slt, %add3A_865, %sign3A_874 : vector<16xi32>
      %sign3A_876 = arith.extui %sign3A_875 : vector<16xi1> to vector<16xi32>
      %sign3A_877 = arith.subi %sign3A_872, %sign3A_876 : vector<16xi32>
      %sign3A_878 = arith.constant 0 : i32
      %sign3A_879 = arith.cmpi sgt, %jit3A_866, %sign3A_878 : i32
      %sign3A_880 = arith.extui %sign3A_879 : i1 to i32
      %sign3A_881 = arith.constant 0 : i32
      %sign3A_882 = arith.cmpi slt, %jit3A_866, %sign3A_881 : i32
      %sign3A_883 = arith.extui %sign3A_882 : i1 to i32
      %sign3A_884 = arith.subi %sign3A_880, %sign3A_883 : i32
      %ne3A_885 = vector.broadcast %sign3A_884 : i32 to vector<16xi32>
      %ne3A_886 = arith.cmpi ne, %sign3A_877, %ne3A_885 : vector<16xi32>
      %rem3A_887 = vector.broadcast %jit3A_866 : i32 to vector<16xi32>
      %rem3A_888 = arith.remsi %add3A_865, %rem3A_887 : vector<16xi32>
      %ne3A_889 = arith.constant 0 : i32
      %ne3A_890 = vector.broadcast %ne3A_889 : i32 to vector<16xi32>
      %ne3A_891 = arith.cmpi ne, %rem3A_888, %ne3A_890 : vector<16xi32>
      %and3A_892 = arith.andi %ne3A_886, %ne3A_891 : vector<16xi1>
      %sub3A_893 = arith.constant 1 : i32
      %sub3A_894 = vector.broadcast %sub3A_893 : i32 to vector<16xi32>
      %sub3A_895 = arith.subi %div3A_868, %sub3A_894 : vector<16xi32>
      %select_n3A_896 = arith.select %and3A_892, %sub3A_895, %div3A_868 : vector<16xi1>, vector<16xi32>
      %mul3A_897 = arith.constant 3 : i32
      %mul3A_898 = vector.broadcast %mul3A_897 : i32 to vector<16xi32>
      %mul3A_899 = arith.muli %mul3A_898, %add3A_865 : vector<16xi32>
      %add3A_900 = arith.constant 128 : i32
      %add3A_901 = vector.broadcast %add3A_900 : i32 to vector<16xi32>
      %add3A_902 = arith.addi %mul3A_899, %add3A_901 : vector<16xi32>
      %gather3A_903 = tpu.vector_load_idx %arg10[%add3A_902] : memref<640xi32, #tpu.memory_space<vmem>>[vector<16xi32>], vector<16xi32>,
      %add3A_904 = arith.constant 1 : i32
      %add3A_905 = vector.broadcast %add3A_904 : i32 to vector<16xi32>
      %add3A_906 = arith.addi %add3A_902, %add3A_905 : vector<16xi32>
      %gather3A_907 = tpu.vector_load_idx %arg10[%add3A_906] : memref<640xi32, #tpu.memory_space<vmem>>[vector<16xi32>], vector<16xi32>,
      %add3A_908 = arith.constant 2 : i32
      %add3A_909 = vector.broadcast %add3A_908 : i32 to vector<16xi32>
      %add3A_910 = arith.addi %add3A_902, %add3A_909 : vector<16xi32>
      %gather3A_911 = tpu.vector_load_idx %arg10[%add3A_910] : memref<640xi32, #tpu.memory_space<vmem>>[vector<16xi32>], vector<16xi32>,
      %mul3A_912 = arith.constant 245760 : i32
      %mul3A_913 = vector.broadcast %mul3A_912 : i32 to vector<16xi32>
      %mul3A_914 = arith.muli %select_n3A_896, %mul3A_913 : vector<16xi32>
      %mul3A_915 = arith.constant 16384 : i32
      %mul3A_916 = vector.broadcast %mul3A_915 : i32 to vector<16xi32>
      %mul3A_917 = arith.muli %gather3A_903, %mul3A_916 : vector<16xi32>
      %add3A_918 = arith.addi %mul3A_914, %mul3A_917 : vector<16xi32>
      %mul3A_919 = arith.constant 128 : i32
      %mul3A_920 = vector.broadcast %mul3A_919 : i32 to vector<16xi32>
      %mul3A_921 = arith.muli %gather3A_907, %mul3A_920 : vector<16xi32>
      %add3A_922 = arith.addi %add3A_918, %mul3A_921 : vector<16xi32>
      %add3A_923 = arith.addi %add3A_922, %gather3A_911 : vector<16xi32>
      %swap3A_924 = arith.constant 2 : i32
      %swap3A_925 = arith.index_cast %swap3A_924 : i32 to index
      %swap3A_926 = arith.constant 80 : index
      %swap3A_927 = tpu.vector_load %arg12[%swap3A_925, %swap3A_926] {strides = array<i32>} : memref<4x128xi32, #tpu.memory_space<vmem>>, vector<16xi32>,
      tpu.vector_store %arg12[%swap3A_925, %swap3A_926], %add3A_923 {strides = array<i32>} : memref<4x128xi32, #tpu.memory_space<vmem>>, vector<16xi32>,
      %convert_element_type3A_928 = arith.sitofp %gather3A_903 : vector<16xi32> to vector<16xf32>
      %swap3A_929 = arith.constant 5 : i32
      %swap3A_930 = arith.index_cast %swap3A_929 : i32 to index
      %swap3A_931 = arith.constant 80 : index
      %swap3A_932 = tpu.vector_load %arg13[%swap3A_930, %swap3A_931] {strides = array<i32>} : memref<16x128xf32, #tpu.memory_space<vmem>>, vector<16xf32>,
      tpu.vector_store %arg13[%swap3A_930, %swap3A_931], %convert_element_type3A_928 {strides = array<i32>} : memref<16x128xf32, #tpu.memory_space<vmem>>, vector<16xf32>,
      %convert_element_type3A_933 = arith.sitofp %gather3A_907 : vector<16xi32> to vector<16xf32>
      %swap3A_934 = arith.constant 6 : i32
      %swap3A_935 = arith.index_cast %swap3A_934 : i32 to index
      %swap3A_936 = arith.constant 80 : index
      %swap3A_937 = tpu.vector_load %arg13[%swap3A_935, %swap3A_936] {strides = array<i32>} : memref<16x128xf32, #tpu.memory_space<vmem>>, vector<16xf32>,
      tpu.vector_store %arg13[%swap3A_935, %swap3A_936], %convert_element_type3A_933 {strides = array<i32>} : memref<16x128xf32, #tpu.memory_space<vmem>>, vector<16xf32>,
      %convert_element_type3A_938 = arith.sitofp %gather3A_911 : vector<16xi32> to vector<16xf32>
      %swap3A_939 = arith.constant 7 : i32
      %swap3A_940 = arith.index_cast %swap3A_939 : i32 to index
      %swap3A_941 = arith.constant 80 : index
      %swap3A_942 = tpu.vector_load %arg13[%swap3A_940, %swap3A_941] {strides = array<i32>} : memref<16x128xf32, #tpu.memory_space<vmem>>, vector<16xf32>,
      tpu.vector_store %arg13[%swap3A_940, %swap3A_941], %convert_element_type3A_938 {strides = array<i32>} : memref<16x128xf32, #tpu.memory_space<vmem>>, vector<16xf32>,
      %add3A_943 = arith.constant 96 : i32
      %add3A_944 = vector.broadcast %add3A_943 : i32 to vector<16xi32>
      %add3A_945 = arith.addi %iota3A, %add3A_944 : vector<16xi32>
      %jit3A_946 = arith.constant 32 : i32
      %div3A_947 = vector.broadcast %jit3A_946 : i32 to vector<16xi32>
      %div3A_948 = arith.divsi %add3A_945, %div3A_947 : vector<16xi32>
      %sign3A_949 = arith.constant 0 : i32
      %sign3A_950 = vector.broadcast %sign3A_949 : i32 to vector<16xi32>
      %sign3A_951 = arith.cmpi sgt, %add3A_945, %sign3A_950 : vector<16xi32>
      %sign3A_952 = arith.extui %sign3A_951 : vector<16xi1> to vector<16xi32>
      %sign3A_953 = arith.constant 0 : i32
      %sign3A_954 = vector.broadcast %sign3A_953 : i32 to vector<16xi32>
      %sign3A_955 = arith.cmpi slt, %add3A_945, %sign3A_954 : vector<16xi32>
      %sign3A_956 = arith.extui %sign3A_955 : vector<16xi1> to vector<16xi32>
      %sign3A_957 = arith.subi %sign3A_952, %sign3A_956 : vector<16xi32>
      %sign3A_958 = arith.constant 0 : i32
      %sign3A_959 = arith.cmpi sgt, %jit3A_946, %sign3A_958 : i32
      %sign3A_960 = arith.extui %sign3A_959 : i1 to i32
      %sign3A_961 = arith.constant 0 : i32
      %sign3A_962 = arith.cmpi slt, %jit3A_946, %sign3A_961 : i32
      %sign3A_963 = arith.extui %sign3A_962 : i1 to i32
      %sign3A_964 = arith.subi %sign3A_960, %sign3A_963 : i32
      %ne3A_965 = vector.broadcast %sign3A_964 : i32 to vector<16xi32>
      %ne3A_966 = arith.cmpi ne, %sign3A_957, %ne3A_965 : vector<16xi32>
      %rem3A_967 = vector.broadcast %jit3A_946 : i32 to vector<16xi32>
      %rem3A_968 = arith.remsi %add3A_945, %rem3A_967 : vector<16xi32>
      %ne3A_969 = arith.constant 0 : i32
      %ne3A_970 = vector.broadcast %ne3A_969 : i32 to vector<16xi32>
      %ne3A_971 = arith.cmpi ne, %rem3A_968, %ne3A_970 : vector<16xi32>
      %and3A_972 = arith.andi %ne3A_966, %ne3A_971 : vector<16xi1>
      %sub3A_973 = arith.constant 1 : i32
      %sub3A_974 = vector.broadcast %sub3A_973 : i32 to vector<16xi32>
      %sub3A_975 = arith.subi %div3A_948, %sub3A_974 : vector<16xi32>
      %select_n3A_976 = arith.select %and3A_972, %sub3A_975, %div3A_948 : vector<16xi1>, vector<16xi32>
      %mul3A_977 = arith.constant 3 : i32
      %mul3A_978 = vector.broadcast %mul3A_977 : i32 to vector<16xi32>
      %mul3A_979 = arith.muli %mul3A_978, %add3A_945 : vector<16xi32>
      %add3A_980 = arith.constant 128 : i32
      %add3A_981 = vector.broadcast %add3A_980 : i32 to vector<16xi32>
      %add3A_982 = arith.addi %mul3A_979, %add3A_981 : vector<16xi32>
      %gather3A_983 = tpu.vector_load_idx %arg10[%add3A_982] : memref<640xi32, #tpu.memory_space<vmem>>[vector<16xi32>], vector<16xi32>,
      %add3A_984 = arith.constant 1 : i32
      %add3A_985 = vector.broadcast %add3A_984 : i32 to vector<16xi32>
      %add3A_986 = arith.addi %add3A_982, %add3A_985 : vector<16xi32>
      %gather3A_987 = tpu.vector_load_idx %arg10[%add3A_986] : memref<640xi32, #tpu.memory_space<vmem>>[vector<16xi32>], vector<16xi32>,
      %add3A_988 = arith.constant 2 : i32
      %add3A_989 = vector.broadcast %add3A_988 : i32 to vector<16xi32>
      %add3A_990 = arith.addi %add3A_982, %add3A_989 : vector<16xi32>
      %gather3A_991 = tpu.vector_load_idx %arg10[%add3A_990] : memref<640xi32, #tpu.memory_space<vmem>>[vector<16xi32>], vector<16xi32>,
      %mul3A_992 = arith.constant 245760 : i32
      %mul3A_993 = vector.broadcast %mul3A_992 : i32 to vector<16xi32>
      %mul3A_994 = arith.muli %select_n3A_976, %mul3A_993 : vector<16xi32>
      %mul3A_995 = arith.constant 16384 : i32
      %mul3A_996 = vector.broadcast %mul3A_995 : i32 to vector<16xi32>
      %mul3A_997 = arith.muli %gather3A_983, %mul3A_996 : vector<16xi32>
      %add3A_998 = arith.addi %mul3A_994, %mul3A_997 : vector<16xi32>
      %mul3A_999 = arith.constant 128 : i32
      %mul3A_1000 = vector.broadcast %mul3A_999 : i32 to vector<16xi32>
      %mul3A_1001 = arith.muli %gather3A_987, %mul3A_1000 : vector<16xi32>
      %add3A_1002 = arith.addi %add3A_998, %mul3A_1001 : vector<16xi32>
      %add3A_1003 = arith.addi %add3A_1002, %gather3A_991 : vector<16xi32>
      %swap3A_1004 = arith.constant 2 : i32
      %swap3A_1005 = arith.index_cast %swap3A_1004 : i32 to index
      %swap3A_1006 = arith.constant 96 : index
      %swap3A_1007 = tpu.vector_load %arg12[%swap3A_1005, %swap3A_1006] {strides = array<i32>} : memref<4x128xi32, #tpu.memory_space<vmem>>, vector<16xi32>,
      tpu.vector_store %arg12[%swap3A_1005, %swap3A_1006], %add3A_1003 {strides = array<i32>} : memref<4x128xi32, #tpu.memory_space<vmem>>, vector<16xi32>,
      %convert_element_type3A_1008 = arith.sitofp %gather3A_983 : vector<16xi32> to vector<16xf32>
      %swap3A_1009 = arith.constant 5 : i32
      %swap3A_1010 = arith.index_cast %swap3A_1009 : i32 to index
      %swap3A_1011 = arith.constant 96 : index
      %swap3A_1012 = tpu.vector_load %arg13[%swap3A_1010, %swap3A_1011] {strides = array<i32>} : memref<16x128xf32, #tpu.memory_space<vmem>>, vector<16xf32>,
      tpu.vector_store %arg13[%swap3A_1010, %swap3A_1011], %convert_element_type3A_1008 {strides = array<i32>} : memref<16x128xf32, #tpu.memory_space<vmem>>, vector<16xf32>,
      %convert_element_type3A_1013 = arith.sitofp %gather3A_987 : vector<16xi32> to vector<16xf32>
      %swap3A_1014 = arith.constant 6 : i32
      %swap3A_1015 = arith.index_cast %swap3A_1014 : i32 to index
      %swap3A_1016 = arith.constant 96 : index
      %swap3A_1017 = tpu.vector_load %arg13[%swap3A_1015, %swap3A_1016] {strides = array<i32>} : memref<16x128xf32, #tpu.memory_space<vmem>>, vector<16xf32>,
      tpu.vector_store %arg13[%swap3A_1015, %swap3A_1016], %convert_element_type3A_1013 {strides = array<i32>} : memref<16x128xf32, #tpu.memory_space<vmem>>, vector<16xf32>,
      %convert_element_type3A_1018 = arith.sitofp %gather3A_991 : vector<16xi32> to vector<16xf32>
      %swap3A_1019 = arith.constant 7 : i32
      %swap3A_1020 = arith.index_cast %swap3A_1019 : i32 to index
      %swap3A_1021 = arith.constant 96 : index
      %swap3A_1022 = tpu.vector_load %arg13[%swap3A_1020, %swap3A_1021] {strides = array<i32>} : memref<16x128xf32, #tpu.memory_space<vmem>>, vector<16xf32>,
      tpu.vector_store %arg13[%swap3A_1020, %swap3A_1021], %convert_element_type3A_1018 {strides = array<i32>} : memref<16x128xf32, #tpu.memory_space<vmem>>, vector<16xf32>,
      %add3A_1023 = arith.constant 112 : i32
      %add3A_1024 = vector.broadcast %add3A_1023 : i32 to vector<16xi32>
      %add3A_1025 = arith.addi %iota3A, %add3A_1024 : vector<16xi32>
      %jit3A_1026 = arith.constant 32 : i32
      %div3A_1027 = vector.broadcast %jit3A_1026 : i32 to vector<16xi32>
      %div3A_1028 = arith.divsi %add3A_1025, %div3A_1027 : vector<16xi32>
      %sign3A_1029 = arith.constant 0 : i32
      %sign3A_1030 = vector.broadcast %sign3A_1029 : i32 to vector<16xi32>
      %sign3A_1031 = arith.cmpi sgt, %add3A_1025, %sign3A_1030 : vector<16xi32>
      %sign3A_1032 = arith.extui %sign3A_1031 : vector<16xi1> to vector<16xi32>
      %sign3A_1033 = arith.constant 0 : i32
      %sign3A_1034 = vector.broadcast %sign3A_1033 : i32 to vector<16xi32>
      %sign3A_1035 = arith.cmpi slt, %add3A_1025, %sign3A_1034 : vector<16xi32>
      %sign3A_1036 = arith.extui %sign3A_1035 : vector<16xi1> to vector<16xi32>
      %sign3A_1037 = arith.subi %sign3A_1032, %sign3A_1036 : vector<16xi32>
      %sign3A_1038 = arith.constant 0 : i32
      %sign3A_1039 = arith.cmpi sgt, %jit3A_1026, %sign3A_1038 : i32
      %sign3A_1040 = arith.extui %sign3A_1039 : i1 to i32
      %sign3A_1041 = arith.constant 0 : i32
      %sign3A_1042 = arith.cmpi slt, %jit3A_1026, %sign3A_1041 : i32
      %sign3A_1043 = arith.extui %sign3A_1042 : i1 to i32
      %sign3A_1044 = arith.subi %sign3A_1040, %sign3A_1043 : i32
      %ne3A_1045 = vector.broadcast %sign3A_1044 : i32 to vector<16xi32>
      %ne3A_1046 = arith.cmpi ne, %sign3A_1037, %ne3A_1045 : vector<16xi32>
      %rem3A_1047 = vector.broadcast %jit3A_1026 : i32 to vector<16xi32>
      %rem3A_1048 = arith.remsi %add3A_1025, %rem3A_1047 : vector<16xi32>
      %ne3A_1049 = arith.constant 0 : i32
      %ne3A_1050 = vector.broadcast %ne3A_1049 : i32 to vector<16xi32>
      %ne3A_1051 = arith.cmpi ne, %rem3A_1048, %ne3A_1050 : vector<16xi32>
      %and3A_1052 = arith.andi %ne3A_1046, %ne3A_1051 : vector<16xi1>
      %sub3A_1053 = arith.constant 1 : i32
      %sub3A_1054 = vector.broadcast %sub3A_1053 : i32 to vector<16xi32>
      %sub3A_1055 = arith.subi %div3A_1028, %sub3A_1054 : vector<16xi32>
      %select_n3A_1056 = arith.select %and3A_1052, %sub3A_1055, %div3A_1028 : vector<16xi1>, vector<16xi32>
      %mul3A_1057 = arith.constant 3 : i32
      %mul3A_1058 = vector.broadcast %mul3A_1057 : i32 to vector<16xi32>
      %mul3A_1059 = arith.muli %mul3A_1058, %add3A_1025 : vector<16xi32>
      %add3A_1060 = arith.constant 128 : i32
      %add3A_1061 = vector.broadcast %add3A_1060 : i32 to vector<16xi32>
      %add3A_1062 = arith.addi %mul3A_1059, %add3A_1061 : vector<16xi32>
      %gather3A_1063 = tpu.vector_load_idx %arg10[%add3A_1062] : memref<640xi32, #tpu.memory_space<vmem>>[vector<16xi32>], vector<16xi32>,
      %add3A_1064 = arith.constant 1 : i32
      %add3A_1065 = vector.broadcast %add3A_1064 : i32 to vector<16xi32>
      %add3A_1066 = arith.addi %add3A_1062, %add3A_1065 : vector<16xi32>
      %gather3A_1067 = tpu.vector_load_idx %arg10[%add3A_1066] : memref<640xi32, #tpu.memory_space<vmem>>[vector<16xi32>], vector<16xi32>,
      %add3A_1068 = arith.constant 2 : i32
      %add3A_1069 = vector.broadcast %add3A_1068 : i32 to vector<16xi32>
      %add3A_1070 = arith.addi %add3A_1062, %add3A_1069 : vector<16xi32>
      %gather3A_1071 = tpu.vector_load_idx %arg10[%add3A_1070] : memref<640xi32, #tpu.memory_space<vmem>>[vector<16xi32>], vector<16xi32>,
      %mul3A_1072 = arith.constant 245760 : i32
      %mul3A_1073 = vector.broadcast %mul3A_1072 : i32 to vector<16xi32>
      %mul3A_1074 = arith.muli %select_n3A_1056, %mul3A_1073 : vector<16xi32>
      %mul3A_1075 = arith.constant 16384 : i32
      %mul3A_1076 = vector.broadcast %mul3A_1075 : i32 to vector<16xi32>
      %mul3A_1077 = arith.muli %gather3A_1063, %mul3A_1076 : vector<16xi32>
      %add3A_1078 = arith.addi %mul3A_1074, %mul3A_1077 : vector<16xi32>
      %mul3A_1079 = arith.constant 128 : i32
      %mul3A_1080 = vector.broadcast %mul3A_1079 : i32 to vector<16xi32>
      %mul3A_1081 = arith.muli %gather3A_1067, %mul3A_1080 : vector<16xi32>
      %add3A_1082 = arith.addi %add3A_1078, %mul3A_1081 : vector<16xi32>
      %add3A_1083 = arith.addi %add3A_1082, %gather3A_1071 : vector<16xi32>
      %swap3A_1084 = arith.constant 2 : i32
      %swap3A_1085 = arith.index_cast %swap3A_1084 : i32 to index
      %swap3A_1086 = arith.constant 112 : index
      %swap3A_1087 = tpu.vector_load %arg12[%swap3A_1085, %swap3A_1086] {strides = array<i32>} : memref<4x128xi32, #tpu.memory_space<vmem>>, vector<16xi32>,
      tpu.vector_store %arg12[%swap3A_1085, %swap3A_1086], %add3A_1083 {strides = array<i32>} : memref<4x128xi32, #tpu.memory_space<vmem>>, vector<16xi32>,
      %convert_element_type3A_1088 = arith.sitofp %gather3A_1063 : vector<16xi32> to vector<16xf32>
      %swap3A_1089 = arith.constant 5 : i32
      %swap3A_1090 = arith.index_cast %swap3A_1089 : i32 to index
      %swap3A_1091 = arith.constant 112 : index
      %swap3A_1092 = tpu.vector_load %arg13[%swap3A_1090, %swap3A_1091] {strides = array<i32>} : memref<16x128xf32, #tpu.memory_space<vmem>>, vector<16xf32>,
      tpu.vector_store %arg13[%swap3A_1090, %swap3A_1091], %convert_element_type3A_1088 {strides = array<i32>} : memref<16x128xf32, #tpu.memory_space<vmem>>, vector<16xf32>,
      %convert_element_type3A_1093 = arith.sitofp %gather3A_1067 : vector<16xi32> to vector<16xf32>
      %swap3A_1094 = arith.constant 6 : i32
      %swap3A_1095 = arith.index_cast %swap3A_1094 : i32 to index
      %swap3A_1096 = arith.constant 112 : index
      %swap3A_1097 = tpu.vector_load %arg13[%swap3A_1095, %swap3A_1096] {strides = array<i32>} : memref<16x128xf32, #tpu.memory_space<vmem>>, vector<16xf32>,
      tpu.vector_store %arg13[%swap3A_1095, %swap3A_1096], %convert_element_type3A_1093 {strides = array<i32>} : memref<16x128xf32, #tpu.memory_space<vmem>>, vector<16xf32>,
      %convert_element_type3A_1098 = arith.sitofp %gather3A_1071 : vector<16xi32> to vector<16xf32>
      %swap3A_1099 = arith.constant 7 : i32
      %swap3A_1100 = arith.index_cast %swap3A_1099 : i32 to index
      %swap3A_1101 = arith.constant 112 : index
      %swap3A_1102 = tpu.vector_load %arg13[%swap3A_1100, %swap3A_1101] {strides = array<i32>} : memref<16x128xf32, #tpu.memory_space<vmem>>, vector<16xf32>,
      tpu.vector_store %arg13[%swap3A_1100, %swap3A_1101], %convert_element_type3A_1098 {strides = array<i32>} : memref<16x128xf32, #tpu.memory_space<vmem>>, vector<16xf32>,
      %dma_start3A_1103 = arith.constant 2 : i32
      %dma_start3A_1104 = arith.constant 8 : i32
      %dma_start3A_1105 = arith.constant 0 : i32
      %dma_start3A_1106 = tpu.memref_slice %arg13[%dma_start3A_1104, %dma_start3A_1105] : memref<16x128xf32, #tpu.memory_space<vmem>> -> memref<1x128xf32, #tpu.memory_space<vmem>>
      %dma_start3A_1107 = tpu.memref_squeeze %dma_start3A_1106 : memref<1x128xf32, #tpu.memory_space<vmem>> -> memref<128xf32, #tpu.memory_space<vmem>>
      %dma_start3A_1108 = arith.constant 0 : i32
      %dma_start3A_1109 = tpu.memref_slice %arg12[%dma_start3A_1103, %dma_start3A_1108] : memref<4x128xi32, #tpu.memory_space<vmem>> -> memref<1x128xi32, #tpu.memory_space<vmem>>
      %dma_start3A_1110 = tpu.memref_squeeze %dma_start3A_1109 : memref<1x128xi32, #tpu.memory_space<vmem>> -> memref<128xi32, #tpu.memory_space<vmem>>
      %dma_start3A_1111 = arith.constant 0 : i32
      %dma_start3A_1112 = tpu.memref_slice %arg3[%dma_start3A_1111] : memref<983040xf32, #tpu.memory_space<hbm>> -> memref<983040xf32, #tpu.memory_space<hbm>>
      tpu.enqueue_indirect_dma source(%dma_start3A_1112 : memref<983040xf32, #tpu.memory_space<hbm>>) target(%dma_start3A_1107 : memref<128xf32, #tpu.memory_space<vmem>>) offsets(%dma_start3A_1110 : memref<128xi32, #tpu.memory_space<vmem>>) semaphore(%arg17 : memref<!tpu.dma_semaphore, #tpu.memory_space<semaphore_mem>>)
      %dma_start3A_1113 = arith.constant 2 : i32
      %dma_start3A_1114 = arith.constant 9 : i32
      %dma_start3A_1115 = arith.constant 0 : i32
      %dma_start3A_1116 = tpu.memref_slice %arg13[%dma_start3A_1114, %dma_start3A_1115] : memref<16x128xf32, #tpu.memory_space<vmem>> -> memref<1x128xf32, #tpu.memory_space<vmem>>
      %dma_start3A_1117 = tpu.memref_squeeze %dma_start3A_1116 : memref<1x128xf32, #tpu.memory_space<vmem>> -> memref<128xf32, #tpu.memory_space<vmem>>
      %dma_start3A_1118 = arith.constant 0 : i32
      %dma_start3A_1119 = tpu.memref_slice %arg12[%dma_start3A_1113, %dma_start3A_1118] : memref<4x128xi32, #tpu.memory_space<vmem>> -> memref<1x128xi32, #tpu.memory_space<vmem>>
      %dma_start3A_1120 = tpu.memref_squeeze %dma_start3A_1119 : memref<1x128xi32, #tpu.memory_space<vmem>> -> memref<128xi32, #tpu.memory_space<vmem>>
      %dma_start3A_1121 = arith.constant 0 : i32
      %dma_start3A_1122 = tpu.memref_slice %arg4[%dma_start3A_1121] : memref<983040xf32, #tpu.memory_space<hbm>> -> memref<983040xf32, #tpu.memory_space<hbm>>
      tpu.enqueue_indirect_dma source(%dma_start3A_1122 : memref<983040xf32, #tpu.memory_space<hbm>>) target(%dma_start3A_1117 : memref<128xf32, #tpu.memory_space<vmem>>) offsets(%dma_start3A_1120 : memref<128xi32, #tpu.memory_space<vmem>>) semaphore(%arg17 : memref<!tpu.dma_semaphore, #tpu.memory_space<semaphore_mem>>)
      %dma_wait3A_1123 = arith.constant 512 : i32
      %dma_wait3A_1124 = tpu.memref_slice %arg10[%dma_wait3A_1123] : memref<640xi32, #tpu.memory_space<vmem>> -> memref<128xi32, #tpu.memory_space<vmem>>
      %dma_wait3A_1125 = arith.constant 512 : i32
      %dma_wait3A_1126 = tpu.memref_slice %arg10[%dma_wait3A_1125] : memref<640xi32, #tpu.memory_space<vmem>> -> memref<128xi32, #tpu.memory_space<vmem>>
      tpu.wait_dma2 semaphore(%arg16 : memref<!tpu.dma_semaphore, #tpu.memory_space<semaphore_mem>>) src(%arg7 : memref<128xi32, #tpu.memory_space<hbm>>) dst(%dma_wait3A_1126 : memref<128xi32, #tpu.memory_space<vmem>>)
      tpu.wait_dma2 semaphore(%arg16 : memref<!tpu.dma_semaphore, #tpu.memory_space<semaphore_mem>>) src(%arg8 : memref<256xf32, #tpu.memory_space<hbm>>) dst(%arg11 : memref<256xf32, #tpu.memory_space<vmem>>)
      %add3A_1127 = arith.constant 0 : i32
      %add3A_1128 = vector.broadcast %add3A_1127 : i32 to vector<16xi32>
      %add3A_1129 = arith.addi %iota3A, %add3A_1128 : vector<16xi32>
      %add3A_1130 = arith.constant 512 : i32
      %add3A_1131 = vector.broadcast %add3A_1130 : i32 to vector<16xi32>
      %add3A_1132 = arith.addi %add3A_1131, %add3A_1129 : vector<16xi32>
      %gather3A_1133 = tpu.vector_load_idx %arg10[%add3A_1132] : memref<640xi32, #tpu.memory_space<vmem>>[vector<16xi32>], vector<16xi32>,
      %convert_element_type3A_1134 = arith.sitofp %gather3A_1133 : vector<16xi32> to vector<16xf32>
      %swap3A_1135 = arith.constant 4 : i32
      %swap3A_1136 = arith.index_cast %swap3A_1135 : i32 to index
      %swap3A_1137 = arith.constant 0 : index
      %swap3A_1138 = tpu.vector_load %arg13[%swap3A_1136, %swap3A_1137] {strides = array<i32>} : memref<16x128xf32, #tpu.memory_space<vmem>>, vector<16xf32>,
      tpu.vector_store %arg13[%swap3A_1136, %swap3A_1137], %convert_element_type3A_1134 {strides = array<i32>} : memref<16x128xf32, #tpu.memory_space<vmem>>, vector<16xf32>,
      %mul3A_1139 = arith.constant 2 : i32
      %mul3A_1140 = vector.broadcast %mul3A_1139 : i32 to vector<16xi32>
      %mul3A_1141 = arith.muli %mul3A_1140, %add3A_1129 : vector<16xi32>
      %gather3A_1142 = tpu.vector_load_idx %arg11[%mul3A_1141] : memref<256xf32, #tpu.memory_space<vmem>>[vector<16xi32>], vector<16xf32>,
      %swap3A_1143 = arith.constant 2 : i32
      %swap3A_1144 = arith.index_cast %swap3A_1143 : i32 to index
      %swap3A_1145 = arith.constant 0 : index
      %swap3A_1146 = tpu.vector_load %arg13[%swap3A_1144, %swap3A_1145] {strides = array<i32>} : memref<16x128xf32, #tpu.memory_space<vmem>>, vector<16xf32>,
      tpu.vector_store %arg13[%swap3A_1144, %swap3A_1145], %gather3A_1142 {strides = array<i32>} : memref<16x128xf32, #tpu.memory_space<vmem>>, vector<16xf32>,
      %add3A_1147 = arith.constant 1 : i32
      %add3A_1148 = vector.broadcast %add3A_1147 : i32 to vector<16xi32>
      %add3A_1149 = arith.addi %mul3A_1141, %add3A_1148 : vector<16xi32>
      %gather3A_1150 = tpu.vector_load_idx %arg11[%add3A_1149] : memref<256xf32, #tpu.memory_space<vmem>>[vector<16xi32>], vector<16xf32>,
      %swap3A_1151 = arith.constant 3 : i32
      %swap3A_1152 = arith.index_cast %swap3A_1151 : i32 to index
      %swap3A_1153 = arith.constant 0 : index
      %swap3A_1154 = tpu.vector_load %arg13[%swap3A_1152, %swap3A_1153] {strides = array<i32>} : memref<16x128xf32, #tpu.memory_space<vmem>>, vector<16xf32>,
      tpu.vector_store %arg13[%swap3A_1152, %swap3A_1153], %gather3A_1150 {strides = array<i32>} : memref<16x128xf32, #tpu.memory_space<vmem>>, vector<16xf32>,
      %add3A_1155 = arith.constant 16 : i32
      %add3A_1156 = vector.broadcast %add3A_1155 : i32 to vector<16xi32>
      %add3A_1157 = arith.addi %iota3A, %add3A_1156 : vector<16xi32>
      %add3A_1158 = arith.constant 512 : i32
      %add3A_1159 = vector.broadcast %add3A_1158 : i32 to vector<16xi32>
      %add3A_1160 = arith.addi %add3A_1159, %add3A_1157 : vector<16xi32>
      %gather3A_1161 = tpu.vector_load_idx %arg10[%add3A_1160] : memref<640xi32, #tpu.memory_space<vmem>>[vector<16xi32>], vector<16xi32>,
      %convert_element_type3A_1162 = arith.sitofp %gather3A_1161 : vector<16xi32> to vector<16xf32>
      %swap3A_1163 = arith.constant 4 : i32
      %swap3A_1164 = arith.index_cast %swap3A_1163 : i32 to index
      %swap3A_1165 = arith.constant 16 : index
      %swap3A_1166 = tpu.vector_load %arg13[%swap3A_1164, %swap3A_1165] {strides = array<i32>} : memref<16x128xf32, #tpu.memory_space<vmem>>, vector<16xf32>,
      tpu.vector_store %arg13[%swap3A_1164, %swap3A_1165], %convert_element_type3A_1162 {strides = array<i32>} : memref<16x128xf32, #tpu.memory_space<vmem>>, vector<16xf32>,
      %mul3A_1167 = arith.constant 2 : i32
      %mul3A_1168 = vector.broadcast %mul3A_1167 : i32 to vector<16xi32>
      %mul3A_1169 = arith.muli %mul3A_1168, %add3A_1157 : vector<16xi32>
      %gather3A_1170 = tpu.vector_load_idx %arg11[%mul3A_1169] : memref<256xf32, #tpu.memory_space<vmem>>[vector<16xi32>], vector<16xf32>,
      %swap3A_1171 = arith.constant 2 : i32
      %swap3A_1172 = arith.index_cast %swap3A_1171 : i32 to index
      %swap3A_1173 = arith.constant 16 : index
      %swap3A_1174 = tpu.vector_load %arg13[%swap3A_1172, %swap3A_1173] {strides = array<i32>} : memref<16x128xf32, #tpu.memory_space<vmem>>, vector<16xf32>,
      tpu.vector_store %arg13[%swap3A_1172, %swap3A_1173], %gather3A_1170 {strides = array<i32>} : memref<16x128xf32, #tpu.memory_space<vmem>>, vector<16xf32>,
      %add3A_1175 = arith.constant 1 : i32
      %add3A_1176 = vector.broadcast %add3A_1175 : i32 to vector<16xi32>
      %add3A_1177 = arith.addi %mul3A_1169, %add3A_1176 : vector<16xi32>
      %gather3A_1178 = tpu.vector_load_idx %arg11[%add3A_1177] : memref<256xf32, #tpu.memory_space<vmem>>[vector<16xi32>], vector<16xf32>,
      %swap3A_1179 = arith.constant 3 : i32
      %swap3A_1180 = arith.index_cast %swap3A_1179 : i32 to index
      %swap3A_1181 = arith.constant 16 : index
      %swap3A_1182 = tpu.vector_load %arg13[%swap3A_1180, %swap3A_1181] {strides = array<i32>} : memref<16x128xf32, #tpu.memory_space<vmem>>, vector<16xf32>,
      tpu.vector_store %arg13[%swap3A_1180, %swap3A_1181], %gather3A_1178 {strides = array<i32>} : memref<16x128xf32, #tpu.memory_space<vmem>>, vector<16xf32>,
      %add3A_1183 = arith.constant 32 : i32
      %add3A_1184 = vector.broadcast %add3A_1183 : i32 to vector<16xi32>
      %add3A_1185 = arith.addi %iota3A, %add3A_1184 : vector<16xi32>
      %add3A_1186 = arith.constant 512 : i32
      %add3A_1187 = vector.broadcast %add3A_1186 : i32 to vector<16xi32>
      %add3A_1188 = arith.addi %add3A_1187, %add3A_1185 : vector<16xi32>
      %gather3A_1189 = tpu.vector_load_idx %arg10[%add3A_1188] : memref<640xi32, #tpu.memory_space<vmem>>[vector<16xi32>], vector<16xi32>,
      %convert_element_type3A_1190 = arith.sitofp %gather3A_1189 : vector<16xi32> to vector<16xf32>
      %swap3A_1191 = arith.constant 4 : i32
      %swap3A_1192 = arith.index_cast %swap3A_1191 : i32 to index
      %swap3A_1193 = arith.constant 32 : index
      %swap3A_1194 = tpu.vector_load %arg13[%swap3A_1192, %swap3A_1193] {strides = array<i32>} : memref<16x128xf32, #tpu.memory_space<vmem>>, vector<16xf32>,
      tpu.vector_store %arg13[%swap3A_1192, %swap3A_1193], %convert_element_type3A_1190 {strides = array<i32>} : memref<16x128xf32, #tpu.memory_space<vmem>>, vector<16xf32>,
      %mul3A_1195 = arith.constant 2 : i32
      %mul3A_1196 = vector.broadcast %mul3A_1195 : i32 to vector<16xi32>
      %mul3A_1197 = arith.muli %mul3A_1196, %add3A_1185 : vector<16xi32>
      %gather3A_1198 = tpu.vector_load_idx %arg11[%mul3A_1197] : memref<256xf32, #tpu.memory_space<vmem>>[vector<16xi32>], vector<16xf32>,
      %swap3A_1199 = arith.constant 2 : i32
      %swap3A_1200 = arith.index_cast %swap3A_1199 : i32 to index
      %swap3A_1201 = arith.constant 32 : index
      %swap3A_1202 = tpu.vector_load %arg13[%swap3A_1200, %swap3A_1201] {strides = array<i32>} : memref<16x128xf32, #tpu.memory_space<vmem>>, vector<16xf32>,
      tpu.vector_store %arg13[%swap3A_1200, %swap3A_1201], %gather3A_1198 {strides = array<i32>} : memref<16x128xf32, #tpu.memory_space<vmem>>, vector<16xf32>,
      %add3A_1203 = arith.constant 1 : i32
      %add3A_1204 = vector.broadcast %add3A_1203 : i32 to vector<16xi32>
      %add3A_1205 = arith.addi %mul3A_1197, %add3A_1204 : vector<16xi32>
      %gather3A_1206 = tpu.vector_load_idx %arg11[%add3A_1205] : memref<256xf32, #tpu.memory_space<vmem>>[vector<16xi32>], vector<16xf32>,
      %swap3A_1207 = arith.constant 3 : i32
      %swap3A_1208 = arith.index_cast %swap3A_1207 : i32 to index
      %swap3A_1209 = arith.constant 32 : index
      %swap3A_1210 = tpu.vector_load %arg13[%swap3A_1208, %swap3A_1209] {strides = array<i32>} : memref<16x128xf32, #tpu.memory_space<vmem>>, vector<16xf32>,
      tpu.vector_store %arg13[%swap3A_1208, %swap3A_1209], %gather3A_1206 {strides = array<i32>} : memref<16x128xf32, #tpu.memory_space<vmem>>, vector<16xf32>,
      %add3A_1211 = arith.constant 48 : i32
      %add3A_1212 = vector.broadcast %add3A_1211 : i32 to vector<16xi32>
      %add3A_1213 = arith.addi %iota3A, %add3A_1212 : vector<16xi32>
      %add3A_1214 = arith.constant 512 : i32
      %add3A_1215 = vector.broadcast %add3A_1214 : i32 to vector<16xi32>
      %add3A_1216 = arith.addi %add3A_1215, %add3A_1213 : vector<16xi32>
      %gather3A_1217 = tpu.vector_load_idx %arg10[%add3A_1216] : memref<640xi32, #tpu.memory_space<vmem>>[vector<16xi32>], vector<16xi32>,
      %convert_element_type3A_1218 = arith.sitofp %gather3A_1217 : vector<16xi32> to vector<16xf32>
      %swap3A_1219 = arith.constant 4 : i32
      %swap3A_1220 = arith.index_cast %swap3A_1219 : i32 to index
      %swap3A_1221 = arith.constant 48 : index
      %swap3A_1222 = tpu.vector_load %arg13[%swap3A_1220, %swap3A_1221] {strides = array<i32>} : memref<16x128xf32, #tpu.memory_space<vmem>>, vector<16xf32>,
      tpu.vector_store %arg13[%swap3A_1220, %swap3A_1221], %convert_element_type3A_1218 {strides = array<i32>} : memref<16x128xf32, #tpu.memory_space<vmem>>, vector<16xf32>,
      %mul3A_1223 = arith.constant 2 : i32
      %mul3A_1224 = vector.broadcast %mul3A_1223 : i32 to vector<16xi32>
      %mul3A_1225 = arith.muli %mul3A_1224, %add3A_1213 : vector<16xi32>
      %gather3A_1226 = tpu.vector_load_idx %arg11[%mul3A_1225] : memref<256xf32, #tpu.memory_space<vmem>>[vector<16xi32>], vector<16xf32>,
      %swap3A_1227 = arith.constant 2 : i32
      %swap3A_1228 = arith.index_cast %swap3A_1227 : i32 to index
      %swap3A_1229 = arith.constant 48 : index
      %swap3A_1230 = tpu.vector_load %arg13[%swap3A_1228, %swap3A_1229] {strides = array<i32>} : memref<16x128xf32, #tpu.memory_space<vmem>>, vector<16xf32>,
      tpu.vector_store %arg13[%swap3A_1228, %swap3A_1229], %gather3A_1226 {strides = array<i32>} : memref<16x128xf32, #tpu.memory_space<vmem>>, vector<16xf32>,
      %add3A_1231 = arith.constant 1 : i32
      %add3A_1232 = vector.broadcast %add3A_1231 : i32 to vector<16xi32>
      %add3A_1233 = arith.addi %mul3A_1225, %add3A_1232 : vector<16xi32>
      %gather3A_1234 = tpu.vector_load_idx %arg11[%add3A_1233] : memref<256xf32, #tpu.memory_space<vmem>>[vector<16xi32>], vector<16xf32>,
      %swap3A_1235 = arith.constant 3 : i32
      %swap3A_1236 = arith.index_cast %swap3A_1235 : i32 to index
      %swap3A_1237 = arith.constant 48 : index
      %swap3A_1238 = tpu.vector_load %arg13[%swap3A_1236, %swap3A_1237] {strides = array<i32>} : memref<16x128xf32, #tpu.memory_space<vmem>>, vector<16xf32>,
      tpu.vector_store %arg13[%swap3A_1236, %swap3A_1237], %gather3A_1234 {strides = array<i32>} : memref<16x128xf32, #tpu.memory_space<vmem>>, vector<16xf32>,
      %add3A_1239 = arith.constant 64 : i32
      %add3A_1240 = vector.broadcast %add3A_1239 : i32 to vector<16xi32>
      %add3A_1241 = arith.addi %iota3A, %add3A_1240 : vector<16xi32>
      %add3A_1242 = arith.constant 512 : i32
      %add3A_1243 = vector.broadcast %add3A_1242 : i32 to vector<16xi32>
      %add3A_1244 = arith.addi %add3A_1243, %add3A_1241 : vector<16xi32>
      %gather3A_1245 = tpu.vector_load_idx %arg10[%add3A_1244] : memref<640xi32, #tpu.memory_space<vmem>>[vector<16xi32>], vector<16xi32>,
      %convert_element_type3A_1246 = arith.sitofp %gather3A_1245 : vector<16xi32> to vector<16xf32>
      %swap3A_1247 = arith.constant 4 : i32
      %swap3A_1248 = arith.index_cast %swap3A_1247 : i32 to index
      %swap3A_1249 = arith.constant 64 : index
      %swap3A_1250 = tpu.vector_load %arg13[%swap3A_1248, %swap3A_1249] {strides = array<i32>} : memref<16x128xf32, #tpu.memory_space<vmem>>, vector<16xf32>,
      tpu.vector_store %arg13[%swap3A_1248, %swap3A_1249], %convert_element_type3A_1246 {strides = array<i32>} : memref<16x128xf32, #tpu.memory_space<vmem>>, vector<16xf32>,
      %mul3A_1251 = arith.constant 2 : i32
      %mul3A_1252 = vector.broadcast %mul3A_1251 : i32 to vector<16xi32>
      %mul3A_1253 = arith.muli %mul3A_1252, %add3A_1241 : vector<16xi32>
      %gather3A_1254 = tpu.vector_load_idx %arg11[%mul3A_1253] : memref<256xf32, #tpu.memory_space<vmem>>[vector<16xi32>], vector<16xf32>,
      %swap3A_1255 = arith.constant 2 : i32
      %swap3A_1256 = arith.index_cast %swap3A_1255 : i32 to index
      %swap3A_1257 = arith.constant 64 : index
      %swap3A_1258 = tpu.vector_load %arg13[%swap3A_1256, %swap3A_1257] {strides = array<i32>} : memref<16x128xf32, #tpu.memory_space<vmem>>, vector<16xf32>,
      tpu.vector_store %arg13[%swap3A_1256, %swap3A_1257], %gather3A_1254 {strides = array<i32>} : memref<16x128xf32, #tpu.memory_space<vmem>>, vector<16xf32>,
      %add3A_1259 = arith.constant 1 : i32
      %add3A_1260 = vector.broadcast %add3A_1259 : i32 to vector<16xi32>
      %add3A_1261 = arith.addi %mul3A_1253, %add3A_1260 : vector<16xi32>
      %gather3A_1262 = tpu.vector_load_idx %arg11[%add3A_1261] : memref<256xf32, #tpu.memory_space<vmem>>[vector<16xi32>], vector<16xf32>,
      %swap3A_1263 = arith.constant 3 : i32
      %swap3A_1264 = arith.index_cast %swap3A_1263 : i32 to index
      %swap3A_1265 = arith.constant 64 : index
      %swap3A_1266 = tpu.vector_load %arg13[%swap3A_1264, %swap3A_1265] {strides = array<i32>} : memref<16x128xf32, #tpu.memory_space<vmem>>, vector<16xf32>,
      tpu.vector_store %arg13[%swap3A_1264, %swap3A_1265], %gather3A_1262 {strides = array<i32>} : memref<16x128xf32, #tpu.memory_space<vmem>>, vector<16xf32>,
      %add3A_1267 = arith.constant 80 : i32
      %add3A_1268 = vector.broadcast %add3A_1267 : i32 to vector<16xi32>
      %add3A_1269 = arith.addi %iota3A, %add3A_1268 : vector<16xi32>
      %add3A_1270 = arith.constant 512 : i32
      %add3A_1271 = vector.broadcast %add3A_1270 : i32 to vector<16xi32>
      %add3A_1272 = arith.addi %add3A_1271, %add3A_1269 : vector<16xi32>
      %gather3A_1273 = tpu.vector_load_idx %arg10[%add3A_1272] : memref<640xi32, #tpu.memory_space<vmem>>[vector<16xi32>], vector<16xi32>,
      %convert_element_type3A_1274 = arith.sitofp %gather3A_1273 : vector<16xi32> to vector<16xf32>
      %swap3A_1275 = arith.constant 4 : i32
      %swap3A_1276 = arith.index_cast %swap3A_1275 : i32 to index
      %swap3A_1277 = arith.constant 80 : index
      %swap3A_1278 = tpu.vector_load %arg13[%swap3A_1276, %swap3A_1277] {strides = array<i32>} : memref<16x128xf32, #tpu.memory_space<vmem>>, vector<16xf32>,
      tpu.vector_store %arg13[%swap3A_1276, %swap3A_1277], %convert_element_type3A_1274 {strides = array<i32>} : memref<16x128xf32, #tpu.memory_space<vmem>>, vector<16xf32>,
      %mul3A_1279 = arith.constant 2 : i32
      %mul3A_1280 = vector.broadcast %mul3A_1279 : i32 to vector<16xi32>
      %mul3A_1281 = arith.muli %mul3A_1280, %add3A_1269 : vector<16xi32>
      %gather3A_1282 = tpu.vector_load_idx %arg11[%mul3A_1281] : memref<256xf32, #tpu.memory_space<vmem>>[vector<16xi32>], vector<16xf32>,
      %swap3A_1283 = arith.constant 2 : i32
      %swap3A_1284 = arith.index_cast %swap3A_1283 : i32 to index
      %swap3A_1285 = arith.constant 80 : index
      %swap3A_1286 = tpu.vector_load %arg13[%swap3A_1284, %swap3A_1285] {strides = array<i32>} : memref<16x128xf32, #tpu.memory_space<vmem>>, vector<16xf32>,
      tpu.vector_store %arg13[%swap3A_1284, %swap3A_1285], %gather3A_1282 {strides = array<i32>} : memref<16x128xf32, #tpu.memory_space<vmem>>, vector<16xf32>,
      %add3A_1287 = arith.constant 1 : i32
      %add3A_1288 = vector.broadcast %add3A_1287 : i32 to vector<16xi32>
      %add3A_1289 = arith.addi %mul3A_1281, %add3A_1288 : vector<16xi32>
      %gather3A_1290 = tpu.vector_load_idx %arg11[%add3A_1289] : memref<256xf32, #tpu.memory_space<vmem>>[vector<16xi32>], vector<16xf32>,
      %swap3A_1291 = arith.constant 3 : i32
      %swap3A_1292 = arith.index_cast %swap3A_1291 : i32 to index
      %swap3A_1293 = arith.constant 80 : index
      %swap3A_1294 = tpu.vector_load %arg13[%swap3A_1292, %swap3A_1293] {strides = array<i32>} : memref<16x128xf32, #tpu.memory_space<vmem>>, vector<16xf32>,
      tpu.vector_store %arg13[%swap3A_1292, %swap3A_1293], %gather3A_1290 {strides = array<i32>} : memref<16x128xf32, #tpu.memory_space<vmem>>, vector<16xf32>,
      %add3A_1295 = arith.constant 96 : i32
      %add3A_1296 = vector.broadcast %add3A_1295 : i32 to vector<16xi32>
      %add3A_1297 = arith.addi %iota3A, %add3A_1296 : vector<16xi32>
      %add3A_1298 = arith.constant 512 : i32
      %add3A_1299 = vector.broadcast %add3A_1298 : i32 to vector<16xi32>
      %add3A_1300 = arith.addi %add3A_1299, %add3A_1297 : vector<16xi32>
      %gather3A_1301 = tpu.vector_load_idx %arg10[%add3A_1300] : memref<640xi32, #tpu.memory_space<vmem>>[vector<16xi32>], vector<16xi32>,
      %convert_element_type3A_1302 = arith.sitofp %gather3A_1301 : vector<16xi32> to vector<16xf32>
      %swap3A_1303 = arith.constant 4 : i32
      %swap3A_1304 = arith.index_cast %swap3A_1303 : i32 to index
      %swap3A_1305 = arith.constant 96 : index
      %swap3A_1306 = tpu.vector_load %arg13[%swap3A_1304, %swap3A_1305] {strides = array<i32>} : memref<16x128xf32, #tpu.memory_space<vmem>>, vector<16xf32>,
      tpu.vector_store %arg13[%swap3A_1304, %swap3A_1305], %convert_element_type3A_1302 {strides = array<i32>} : memref<16x128xf32, #tpu.memory_space<vmem>>, vector<16xf32>,
      %mul3A_1307 = arith.constant 2 : i32
      %mul3A_1308 = vector.broadcast %mul3A_1307 : i32 to vector<16xi32>
      %mul3A_1309 = arith.muli %mul3A_1308, %add3A_1297 : vector<16xi32>
      %gather3A_1310 = tpu.vector_load_idx %arg11[%mul3A_1309] : memref<256xf32, #tpu.memory_space<vmem>>[vector<16xi32>], vector<16xf32>,
      %swap3A_1311 = arith.constant 2 : i32
      %swap3A_1312 = arith.index_cast %swap3A_1311 : i32 to index
      %swap3A_1313 = arith.constant 96 : index
      %swap3A_1314 = tpu.vector_load %arg13[%swap3A_1312, %swap3A_1313] {strides = array<i32>} : memref<16x128xf32, #tpu.memory_space<vmem>>, vector<16xf32>,
      tpu.vector_store %arg13[%swap3A_1312, %swap3A_1313], %gather3A_1310 {strides = array<i32>} : memref<16x128xf32, #tpu.memory_space<vmem>>, vector<16xf32>,
      %add3A_1315 = arith.constant 1 : i32
      %add3A_1316 = vector.broadcast %add3A_1315 : i32 to vector<16xi32>
      %add3A_1317 = arith.addi %mul3A_1309, %add3A_1316 : vector<16xi32>
      %gather3A_1318 = tpu.vector_load_idx %arg11[%add3A_1317] : memref<256xf32, #tpu.memory_space<vmem>>[vector<16xi32>], vector<16xf32>,
      %swap3A_1319 = arith.constant 3 : i32
      %swap3A_1320 = arith.index_cast %swap3A_1319 : i32 to index
      %swap3A_1321 = arith.constant 96 : index
      %swap3A_1322 = tpu.vector_load %arg13[%swap3A_1320, %swap3A_1321] {strides = array<i32>} : memref<16x128xf32, #tpu.memory_space<vmem>>, vector<16xf32>,
      tpu.vector_store %arg13[%swap3A_1320, %swap3A_1321], %gather3A_1318 {strides = array<i32>} : memref<16x128xf32, #tpu.memory_space<vmem>>, vector<16xf32>,
      %add3A_1323 = arith.constant 112 : i32
      %add3A_1324 = vector.broadcast %add3A_1323 : i32 to vector<16xi32>
      %add3A_1325 = arith.addi %iota3A, %add3A_1324 : vector<16xi32>
      %add3A_1326 = arith.constant 512 : i32
      %add3A_1327 = vector.broadcast %add3A_1326 : i32 to vector<16xi32>
      %add3A_1328 = arith.addi %add3A_1327, %add3A_1325 : vector<16xi32>
      %gather3A_1329 = tpu.vector_load_idx %arg10[%add3A_1328] : memref<640xi32, #tpu.memory_space<vmem>>[vector<16xi32>], vector<16xi32>,
      %convert_element_type3A_1330 = arith.sitofp %gather3A_1329 : vector<16xi32> to vector<16xf32>
      %swap3A_1331 = arith.constant 4 : i32
      %swap3A_1332 = arith.index_cast %swap3A_1331 : i32 to index
      %swap3A_1333 = arith.constant 112 : index
      %swap3A_1334 = tpu.vector_load %arg13[%swap3A_1332, %swap3A_1333] {strides = array<i32>} : memref<16x128xf32, #tpu.memory_space<vmem>>, vector<16xf32>,
      tpu.vector_store %arg13[%swap3A_1332, %swap3A_1333], %convert_element_type3A_1330 {strides = array<i32>} : memref<16x128xf32, #tpu.memory_space<vmem>>, vector<16xf32>,
      %mul3A_1335 = arith.constant 2 : i32
      %mul3A_1336 = vector.broadcast %mul3A_1335 : i32 to vector<16xi32>
      %mul3A_1337 = arith.muli %mul3A_1336, %add3A_1325 : vector<16xi32>
      %gather3A_1338 = tpu.vector_load_idx %arg11[%mul3A_1337] : memref<256xf32, #tpu.memory_space<vmem>>[vector<16xi32>], vector<16xf32>,
      %swap3A_1339 = arith.constant 2 : i32
      %swap3A_1340 = arith.index_cast %swap3A_1339 : i32 to index
      %swap3A_1341 = arith.constant 112 : index
      %swap3A_1342 = tpu.vector_load %arg13[%swap3A_1340, %swap3A_1341] {strides = array<i32>} : memref<16x128xf32, #tpu.memory_space<vmem>>, vector<16xf32>,
      tpu.vector_store %arg13[%swap3A_1340, %swap3A_1341], %gather3A_1338 {strides = array<i32>} : memref<16x128xf32, #tpu.memory_space<vmem>>, vector<16xf32>,
      %add3A_1343 = arith.constant 1 : i32
      %add3A_1344 = vector.broadcast %add3A_1343 : i32 to vector<16xi32>
      %add3A_1345 = arith.addi %mul3A_1337, %add3A_1344 : vector<16xi32>
      %gather3A_1346 = tpu.vector_load_idx %arg11[%add3A_1345] : memref<256xf32, #tpu.memory_space<vmem>>[vector<16xi32>], vector<16xf32>,
      %swap3A_1347 = arith.constant 3 : i32
      %swap3A_1348 = arith.index_cast %swap3A_1347 : i32 to index
      %swap3A_1349 = arith.constant 112 : index
      %swap3A_1350 = tpu.vector_load %arg13[%swap3A_1348, %swap3A_1349] {strides = array<i32>} : memref<16x128xf32, #tpu.memory_space<vmem>>, vector<16xf32>,
      tpu.vector_store %arg13[%swap3A_1348, %swap3A_1349], %gather3A_1346 {strides = array<i32>} : memref<16x128xf32, #tpu.memory_space<vmem>>, vector<16xf32>,
      %dma_wait3A_1351 = arith.constant 0 : i32
      %dma_wait3A_1352 = arith.constant 0 : i32
      %dma_wait3A_1353 = arith.constant 0 : i32
      %dma_wait3A_1354 = tpu.memref_slice %arg13[%dma_wait3A_1352, %dma_wait3A_1353] : memref<16x128xf32, #tpu.memory_space<vmem>> -> memref<1x128xf32, #tpu.memory_space<vmem>>
      %dma_wait3A_1355 = tpu.memref_squeeze %dma_wait3A_1354 : memref<1x128xf32, #tpu.memory_space<vmem>> -> memref<128xf32, #tpu.memory_space<vmem>>
      %dma_wait3A_1356 = arith.constant 0 : i32
      %dma_wait3A_1357 = tpu.memref_slice %arg12[%dma_wait3A_1351, %dma_wait3A_1356] : memref<4x128xi32, #tpu.memory_space<vmem>> -> memref<1x128xi32, #tpu.memory_space<vmem>>
      %dma_wait3A_1358 = tpu.memref_squeeze %dma_wait3A_1357 : memref<1x128xi32, #tpu.memory_space<vmem>> -> memref<128xi32, #tpu.memory_space<vmem>>
      %dma_wait3A_1359 = arith.constant 0 : i32
      %dma_wait3A_1360 = tpu.memref_slice %arg2[%dma_wait3A_1359] : memref<131072xf32, #tpu.memory_space<hbm>> -> memref<131072xf32, #tpu.memory_space<hbm>>
      tpu.wait_indirect_dma semaphore(%arg17 : memref<!tpu.dma_semaphore, #tpu.memory_space<semaphore_mem>>) src(%dma_wait3A_1360 : memref<131072xf32, #tpu.memory_space<hbm>>) dst(%dma_wait3A_1355 : memref<128xf32, #tpu.memory_space<vmem>>)
      %dma_wait3A_1361 = arith.constant 1 : i32
      %dma_wait3A_1362 = arith.constant 1 : i32
      %dma_wait3A_1363 = arith.constant 0 : i32
      %dma_wait3A_1364 = tpu.memref_slice %arg13[%dma_wait3A_1362, %dma_wait3A_1363] : memref<16x128xf32, #tpu.memory_space<vmem>> -> memref<1x128xf32, #tpu.memory_space<vmem>>
      %dma_wait3A_1365 = tpu.memref_squeeze %dma_wait3A_1364 : memref<1x128xf32, #tpu.memory_space<vmem>> -> memref<128xf32, #tpu.memory_space<vmem>>
      %dma_wait3A_1366 = arith.constant 0 : i32
      %dma_wait3A_1367 = tpu.memref_slice %arg12[%dma_wait3A_1361, %dma_wait3A_1366] : memref<4x128xi32, #tpu.memory_space<vmem>> -> memref<1x128xi32, #tpu.memory_space<vmem>>
      %dma_wait3A_1368 = tpu.memref_squeeze %dma_wait3A_1367 : memref<1x128xi32, #tpu.memory_space<vmem>> -> memref<128xi32, #tpu.memory_space<vmem>>
      %dma_wait3A_1369 = arith.constant 0 : i32
      %dma_wait3A_1370 = tpu.memref_slice %arg2[%dma_wait3A_1369] : memref<131072xf32, #tpu.memory_space<hbm>> -> memref<131072xf32, #tpu.memory_space<hbm>>
      tpu.wait_indirect_dma semaphore(%arg17 : memref<!tpu.dma_semaphore, #tpu.memory_space<semaphore_mem>>) src(%dma_wait3A_1370 : memref<131072xf32, #tpu.memory_space<hbm>>) dst(%dma_wait3A_1365 : memref<128xf32, #tpu.memory_space<vmem>>)
      %dma_wait3A_1371 = arith.constant 2 : i32
      %dma_wait3A_1372 = arith.constant 8 : i32
      %dma_wait3A_1373 = arith.constant 0 : i32
      %dma_wait3A_1374 = tpu.memref_slice %arg13[%dma_wait3A_1372, %dma_wait3A_1373] : memref<16x128xf32, #tpu.memory_space<vmem>> -> memref<1x128xf32, #tpu.memory_space<vmem>>
      %dma_wait3A_1375 = tpu.memref_squeeze %dma_wait3A_1374 : memref<1x128xf32, #tpu.memory_space<vmem>> -> memref<128xf32, #tpu.memory_space<vmem>>
      %dma_wait3A_1376 = arith.constant 0 : i32
      %dma_wait3A_1377 = tpu.memref_slice %arg12[%dma_wait3A_1371, %dma_wait3A_1376] : memref<4x128xi32, #tpu.memory_space<vmem>> -> memref<1x128xi32, #tpu.memory_space<vmem>>
      %dma_wait3A_1378 = tpu.memref_squeeze %dma_wait3A_1377 : memref<1x128xi32, #tpu.memory_space<vmem>> -> memref<128xi32, #tpu.memory_space<vmem>>
      %dma_wait3A_1379 = arith.constant 0 : i32
      %dma_wait3A_1380 = tpu.memref_slice %arg3[%dma_wait3A_1379] : memref<983040xf32, #tpu.memory_space<hbm>> -> memref<983040xf32, #tpu.memory_space<hbm>>
      tpu.wait_indirect_dma semaphore(%arg17 : memref<!tpu.dma_semaphore, #tpu.memory_space<semaphore_mem>>) src(%dma_wait3A_1380 : memref<983040xf32, #tpu.memory_space<hbm>>) dst(%dma_wait3A_1375 : memref<128xf32, #tpu.memory_space<vmem>>)
      %dma_wait3A_1381 = arith.constant 2 : i32
      %dma_wait3A_1382 = arith.constant 9 : i32
      %dma_wait3A_1383 = arith.constant 0 : i32
      %dma_wait3A_1384 = tpu.memref_slice %arg13[%dma_wait3A_1382, %dma_wait3A_1383] : memref<16x128xf32, #tpu.memory_space<vmem>> -> memref<1x128xf32, #tpu.memory_space<vmem>>
      %dma_wait3A_1385 = tpu.memref_squeeze %dma_wait3A_1384 : memref<1x128xf32, #tpu.memory_space<vmem>> -> memref<128xf32, #tpu.memory_space<vmem>>
      %dma_wait3A_1386 = arith.constant 0 : i32
      %dma_wait3A_1387 = tpu.memref_slice %arg12[%dma_wait3A_1381, %dma_wait3A_1386] : memref<4x128xi32, #tpu.memory_space<vmem>> -> memref<1x128xi32, #tpu.memory_space<vmem>>
      %dma_wait3A_1388 = tpu.memref_squeeze %dma_wait3A_1387 : memref<1x128xi32, #tpu.memory_space<vmem>> -> memref<128xi32, #tpu.memory_space<vmem>>
      %dma_wait3A_1389 = arith.constant 0 : i32
      %dma_wait3A_1390 = tpu.memref_slice %arg4[%dma_wait3A_1389] : memref<983040xf32, #tpu.memory_space<hbm>> -> memref<983040xf32, #tpu.memory_space<hbm>>
      tpu.wait_indirect_dma semaphore(%arg17 : memref<!tpu.dma_semaphore, #tpu.memory_space<semaphore_mem>>) src(%dma_wait3A_1390 : memref<983040xf32, #tpu.memory_space<hbm>>) dst(%dma_wait3A_1385 : memref<128xf32, #tpu.memory_space<vmem>>)
      "tpu.region"() ({
        %run_scoped3A = tpu.sem_alloc : memref<!tpu.dma_semaphore, #tpu.memory_space<semaphore_mem>>
        tpu.enqueue_dma source(%arg13 : memref<16x128xf32, #tpu.memory_space<vmem>>) target(%arg9 : memref<16x128xf32, #tpu.memory_space<hbm>>) target_semaphore(%run_scoped3A : memref<!tpu.dma_semaphore, #tpu.memory_space<semaphore_mem>>)
        tpu.wait_dma2 semaphore(%run_scoped3A : memref<!tpu.dma_semaphore, #tpu.memory_space<semaphore_mem>>) src(%arg13 : memref<16x128xf32, #tpu.memory_space<vmem>>) dst(%arg9 : memref<16x128xf32, #tpu.memory_space<hbm>>)
        tpu.yield
      }) : () -> ()
    } else {
    }
    return
  }
}

module attributes {stable_mosaic.version = 14 : i64} {
  func.func @_tc_final_body(%arg0: memref<16x128xf32, #tpu.memory_space<vmem>>, %arg1: memref<1x2xf32, #tpu.memory_space<smem>>, %arg2: memref<1x1xf32, #tpu.memory_space<smem>>) attributes {dimension_semantics = [], scalar_prefetch = 0 : i64, scratch_operands = 0 : i64, tpu.core_type = #tpu.core_type<tc>} {
    %get3A = arith.constant 0 : index
    %get3A_0 = arith.constant 0 : index
    %get3A_1 = vector.load %arg0[%get3A, %get3A_0] : memref<16x128xf32, #tpu.memory_space<vmem>>, vector<1x128xf32>
    %get3A_2 = arith.constant 1 : index
    %get3A_3 = arith.constant 0 : index
    %get3A_4 = vector.load %arg0[%get3A_2, %get3A_3] : memref<16x128xf32, #tpu.memory_space<vmem>>, vector<1x128xf32>
    %get3A_5 = arith.constant 2 : index
    %get3A_6 = arith.constant 0 : index
    %get3A_7 = vector.load %arg0[%get3A_5, %get3A_6] : memref<16x128xf32, #tpu.memory_space<vmem>>, vector<1x128xf32>
    %get3A_8 = arith.constant 3 : index
    %get3A_9 = arith.constant 0 : index
    %get3A_10 = vector.load %arg0[%get3A_8, %get3A_9] : memref<16x128xf32, #tpu.memory_space<vmem>>, vector<1x128xf32>
    %get3A_11 = arith.constant 4 : index
    %get3A_12 = arith.constant 0 : index
    %get3A_13 = vector.load %arg0[%get3A_11, %get3A_12] : memref<16x128xf32, #tpu.memory_space<vmem>>, vector<1x128xf32>
    %get3A_14 = arith.constant 5 : index
    %get3A_15 = arith.constant 0 : index
    %get3A_16 = vector.load %arg0[%get3A_14, %get3A_15] : memref<16x128xf32, #tpu.memory_space<vmem>>, vector<1x128xf32>
    %get3A_17 = arith.constant 6 : index
    %get3A_18 = arith.constant 0 : index
    %get3A_19 = vector.load %arg0[%get3A_17, %get3A_18] : memref<16x128xf32, #tpu.memory_space<vmem>>, vector<1x128xf32>
    %get3A_20 = arith.constant 7 : index
    %get3A_21 = arith.constant 0 : index
    %get3A_22 = vector.load %arg0[%get3A_20, %get3A_21] : memref<16x128xf32, #tpu.memory_space<vmem>>, vector<1x128xf32>
    %get3A_23 = arith.constant 8 : index
    %get3A_24 = arith.constant 0 : index
    %get3A_25 = vector.load %arg0[%get3A_23, %get3A_24] : memref<16x128xf32, #tpu.memory_space<vmem>>, vector<1x128xf32>
    %get3A_26 = arith.constant 9 : index
    %get3A_27 = arith.constant 0 : index
    %get3A_28 = vector.load %arg0[%get3A_26, %get3A_27] : memref<16x128xf32, #tpu.memory_space<vmem>>, vector<1x128xf32>
    %sub3A = arith.subf %get3A_1, %get3A_7 : vector<1x128xf32>
    %abs3A = math.absf %sub3A : vector<1x128xf32>
    %lt3A = arith.constant 1.000000e+00 : f32
    %lt3A_29 = vector.broadcast %lt3A : f32 to vector<1x128xf32>
    %lt3A_30 = arith.cmpf olt, %abs3A, %lt3A_29 : vector<1x128xf32>
    %mul3A = arith.constant 5.000000e-01 : f32
    %mul3A_31 = vector.broadcast %mul3A : f32 to vector<1x128xf32>
    %mul3A_32 = arith.mulf %mul3A_31, %sub3A : vector<1x128xf32>
    %mul3A_33 = arith.mulf %mul3A_32, %sub3A : vector<1x128xf32>
    %sub3A_34 = arith.constant 5.000000e-01 : f32
    %sub3A_35 = vector.broadcast %sub3A_34 : f32 to vector<1x128xf32>
    %sub3A_36 = arith.subf %abs3A, %sub3A_35 : vector<1x128xf32>
    %select_n3A = arith.select %lt3A_30, %mul3A_33, %sub3A_36 : vector<1x128xi1>, vector<1x128xf32>
    %sub3A_37 = arith.subf %get3A_4, %get3A_10 : vector<1x128xf32>
    %abs3A_38 = math.absf %sub3A_37 : vector<1x128xf32>
    %lt3A_39 = arith.constant 1.000000e+00 : f32
    %lt3A_40 = vector.broadcast %lt3A_39 : f32 to vector<1x128xf32>
    %lt3A_41 = arith.cmpf olt, %abs3A_38, %lt3A_40 : vector<1x128xf32>
    %mul3A_42 = arith.constant 5.000000e-01 : f32
    %mul3A_43 = vector.broadcast %mul3A_42 : f32 to vector<1x128xf32>
    %mul3A_44 = arith.mulf %mul3A_43, %sub3A_37 : vector<1x128xf32>
    %mul3A_45 = arith.mulf %mul3A_44, %sub3A_37 : vector<1x128xf32>
    %sub3A_46 = arith.constant 5.000000e-01 : f32
    %sub3A_47 = vector.broadcast %sub3A_46 : f32 to vector<1x128xf32>
    %sub3A_48 = arith.subf %abs3A_38, %sub3A_47 : vector<1x128xf32>
    %select_n3A_49 = arith.select %lt3A_41, %mul3A_45, %sub3A_48 : vector<1x128xi1>, vector<1x128xf32>
    %add3A = arith.addf %select_n3A, %select_n3A_49 : vector<1x128xf32>
    %mul3A_50 = arith.constant 5.000000e-01 : f32
    %mul3A_51 = vector.broadcast %mul3A_50 : f32 to vector<1x128xf32>
    %mul3A_52 = arith.mulf %mul3A_51, %add3A : vector<1x128xf32>
    %iota3A = tpu.iota {dimensions = array<i32: 1>} : vector<1x128xi32>
    %convert_element_type3A = arith.sitofp %iota3A : vector<1x128xi32> to vector<1x128xf32>
    %div3A = arith.constant 3.200000e+01 : f32
    %div3A_53 = vector.broadcast %div3A : f32 to vector<1x128xf32>
    %div3A_54 = arith.divf %convert_element_type3A, %div3A_53 : vector<1x128xf32>
    %floor3A = math.floor %div3A_54 : vector<1x128xf32>
    %gt3A = arith.constant 5.000000e-01 : f32
    %gt3A_55 = vector.broadcast %gt3A : f32 to vector<1x128xf32>
    %gt3A_56 = arith.cmpf ogt, %get3A_13, %gt3A_55 : vector<1x128xf32>
    %jit3A = arith.constant -1 : i32
    %broadcast_in_dim3A = vector.broadcast %jit3A : i32 to vector<1x128xi32>
    %select_n3A_57 = arith.select %gt3A_56, %iota3A, %broadcast_in_dim3A : vector<1x128xi1>, vector<1x128xi32>
    %reduce_max3A = vector.shape_cast %select_n3A_57 : vector<1x128xi32> to vector<1x1x128xi32>
    %reduce_max3A_58 = arith.constant dense<-2147483648> : vector<1xi32>
    %reduce_max3A_59 = vector.multi_reduction <maxsi>, %reduce_max3A, %reduce_max3A_58 [1, 2] : vector<1x1x128xi32> to vector<1xi32>
    %reduce_max3A_60 = vector.shape_cast %reduce_max3A_59 : vector<1xi32> to vector<1x1x1xi32>
    %reduce_max3A_61 = vector.extract %reduce_max3A_60[0, 0, 0] : i32 from vector<1x1x1xi32>
    %eq3A = vector.broadcast %reduce_max3A_61 : i32 to vector<1x128xi32>
    %eq3A_62 = arith.cmpi eq, %iota3A, %eq3A : vector<1x128xi32>
    %jit3A_63 = arith.constant 0.000000e+00 : f32
    %broadcast_in_dim3A_64 = vector.broadcast %jit3A_63 : f32 to vector<1x128xf32>
    %select_n3A_65 = arith.select %eq3A_62, %mul3A_52, %broadcast_in_dim3A_64 : vector<1x128xi1>, vector<1x128xf32>
    %reduce_sum3A = vector.shape_cast %select_n3A_65 : vector<1x128xf32> to vector<1x1x128xf32>
    %reduce_sum3A_66 = arith.constant dense<0.000000e+00> : vector<1xf32>
    %reduce_sum3A_67 = vector.multi_reduction <add>, %reduce_sum3A, %reduce_sum3A_66 [1, 2] : vector<1x1x128xf32> to vector<1xf32>
    %reduce_sum3A_68 = vector.shape_cast %reduce_sum3A_67 : vector<1xf32> to vector<1x1x1xf32>
    %reduce_sum3A_69 = vector.extract %reduce_sum3A_68[0, 0, 0] : f32 from vector<1x1x1xf32>
    %gt3A_70 = arith.constant 1.000000e+00 : f32
    %gt3A_71 = vector.broadcast %gt3A_70 : f32 to vector<1x128xf32>
    %gt3A_72 = arith.cmpf ogt, %mul3A_52, %gt3A_71 : vector<1x128xf32>
    %max3A = arith.constant 1.000000e-30 : f32
    %max3A_73 = vector.broadcast %max3A : f32 to vector<1x128xf32>
    %max3A_74 = arith.maximumf %mul3A_52, %max3A_73 : vector<1x128xf32>
    %div3A_75 = arith.constant 1.000000e+00 : f32
    %div3A_76 = vector.broadcast %div3A_75 : f32 to vector<1x128xf32>
    %div3A_77 = arith.divf %div3A_76, %max3A_74 : vector<1x128xf32>
    %select_n3A_78 = arith.select %gt3A_72, %div3A_77, %mul3A_52 : vector<1x128xi1>, vector<1x128xf32>
    %mul3A_79 = arith.mulf %select_n3A_78, %select_n3A_78 : vector<1x128xf32>
    %mul3A_80 = arith.constant 0.00293276203 : f32
    %mul3A_81 = vector.broadcast %mul3A_80 : f32 to vector<1x128xf32>
    %mul3A_82 = arith.mulf %mul3A_81, %mul3A_79 : vector<1x128xf32>
    %add3A_83 = arith.constant -0.0164131895 : f32
    %add3A_84 = vector.broadcast %add3A_83 : f32 to vector<1x128xf32>
    %add3A_85 = arith.addf %mul3A_82, %add3A_84 : vector<1x128xf32>
    %mul3A_86 = arith.mulf %add3A_85, %mul3A_79 : vector<1x128xf32>
    %add3A_87 = arith.constant 0.0432782434 : f32
    %add3A_88 = vector.broadcast %add3A_87 : f32 to vector<1x128xf32>
    %add3A_89 = arith.addf %mul3A_86, %add3A_88 : vector<1x128xf32>
    %mul3A_90 = arith.mulf %add3A_89, %mul3A_79 : vector<1x128xf32>
    %add3A_91 = arith.constant -0.0755690038 : f32
    %add3A_92 = vector.broadcast %add3A_91 : f32 to vector<1x128xf32>
    %add3A_93 = arith.addf %mul3A_90, %add3A_92 : vector<1x128xf32>
    %mul3A_94 = arith.mulf %add3A_93, %mul3A_79 : vector<1x128xf32>
    %add3A_95 = arith.constant 0.106674872 : f32
    %add3A_96 = vector.broadcast %add3A_95 : f32 to vector<1x128xf32>
    %add3A_97 = arith.addf %mul3A_94, %add3A_96 : vector<1x128xf32>
    %mul3A_98 = arith.mulf %add3A_97, %mul3A_79 : vector<1x128xf32>
    %add3A_99 = arith.constant -0.142111063 : f32
    %add3A_100 = vector.broadcast %add3A_99 : f32 to vector<1x128xf32>
    %add3A_101 = arith.addf %mul3A_98, %add3A_100 : vector<1x128xf32>
    %mul3A_102 = arith.mulf %add3A_101, %mul3A_79 : vector<1x128xf32>
    %add3A_103 = arith.constant 0.199936941 : f32
    %add3A_104 = vector.broadcast %add3A_103 : f32 to vector<1x128xf32>
    %add3A_105 = arith.addf %mul3A_102, %add3A_104 : vector<1x128xf32>
    %mul3A_106 = arith.mulf %add3A_105, %mul3A_79 : vector<1x128xf32>
    %add3A_107 = arith.constant -0.333331376 : f32
    %add3A_108 = vector.broadcast %add3A_107 : f32 to vector<1x128xf32>
    %add3A_109 = arith.addf %mul3A_106, %add3A_108 : vector<1x128xf32>
    %mul3A_110 = arith.mulf %add3A_109, %mul3A_79 : vector<1x128xf32>
    %add3A_111 = arith.constant 1.000000e+00 : f32
    %add3A_112 = vector.broadcast %add3A_111 : f32 to vector<1x128xf32>
    %add3A_113 = arith.addf %mul3A_110, %add3A_112 : vector<1x128xf32>
    %mul3A_114 = arith.mulf %select_n3A_78, %add3A_113 : vector<1x128xf32>
    %sub3A_115 = arith.constant 1.57079637 : f32
    %sub3A_116 = vector.broadcast %sub3A_115 : f32 to vector<1x128xf32>
    %sub3A_117 = arith.subf %sub3A_116, %mul3A_114 : vector<1x128xf32>
    %select_n3A_118 = arith.select %gt3A_72, %sub3A_117, %mul3A_114 : vector<1x128xi1>, vector<1x128xf32>
    %mul3A_119 = arith.constant 0.636619746 : f32
    %mul3A_120 = vector.broadcast %mul3A_119 : f32 to vector<1x128xf32>
    %mul3A_121 = arith.mulf %select_n3A_118, %mul3A_120 : vector<1x128xf32>
    %gt3A_122 = arith.constant 5.000000e-01 : f32
    %gt3A_123 = vector.broadcast %gt3A_122 : f32 to vector<1x128xf32>
    %gt3A_124 = arith.cmpf ogt, %get3A_13, %gt3A_123 : vector<1x128xf32>
    %jit3A_125 = arith.constant 1.000000e+00 : f32
    %broadcast_in_dim3A_126 = vector.broadcast %jit3A_125 : f32 to vector<1x128xf32>
    %select_n3A_127 = arith.select %gt3A_124, %mul3A_121, %broadcast_in_dim3A_126 : vector<1x128xi1>, vector<1x128xf32>
    %max3A_128 = arith.constant 9.99999991E-38 : f32
    %max3A_129 = vector.broadcast %max3A_128 : f32 to vector<1x128xf32>
    %max3A_130 = arith.maximumf %select_n3A_127, %max3A_129 : vector<1x128xf32>
    %log3A = math.log %max3A_130 : vector<1x128xf32>
    %mul3A_131 = arith.constant 1.500000e+01 : f32
    %mul3A_132 = vector.broadcast %mul3A_131 : f32 to vector<1x128xf32>
    %mul3A_133 = arith.mulf %floor3A, %mul3A_132 : vector<1x128xf32>
    %add3A_134 = arith.addf %mul3A_133, %get3A_16 : vector<1x128xf32>
    %mul3A_135 = arith.constant 1.500000e+01 : f32
    %mul3A_136 = vector.broadcast %mul3A_135 : f32 to vector<1x128xf32>
    %mul3A_137 = arith.mulf %add3A_134, %mul3A_136 : vector<1x128xf32>
    %add3A_138 = arith.addf %mul3A_137, %get3A_19 : vector<1x128xf32>
    %mul3A_139 = arith.constant 1.500000e+01 : f32
    %mul3A_140 = vector.broadcast %mul3A_139 : f32 to vector<1x128xf32>
    %mul3A_141 = arith.mulf %add3A_138, %mul3A_140 : vector<1x128xf32>
    %add3A_142 = arith.addf %mul3A_141, %get3A_22 : vector<1x128xf32>
    %transpose3A = tpu.transpose %add3A_142, [1, 0] : vector<1x128xf32> -> vector<128x1xf32>
    %broadcast_in_dim3A_143 = vector.shape_cast %add3A_142 : vector<1x128xf32> to vector<1x128xf32>
    %broadcast_in_dim3A_144 = vector.broadcast %broadcast_in_dim3A_143 : vector<1x128xf32> to vector<128x128xf32>
    %eq3A_145 = vector.broadcast %transpose3A : vector<128x1xf32> to vector<128x128xf32>
    %eq3A_146 = arith.cmpf oeq, %eq3A_145, %broadcast_in_dim3A_144 : vector<128x128xf32>
    %broadcast_in_dim3A_147 = vector.shape_cast %log3A : vector<1x128xf32> to vector<1x128xf32>
    %broadcast_in_dim3A_148 = vector.broadcast %broadcast_in_dim3A_147 : vector<1x128xf32> to vector<128x128xf32>
    %jit3A_149 = arith.constant 0.000000e+00 : f32
    %broadcast_in_dim3A_150 = vector.broadcast %jit3A_149 : f32 to vector<128x128xf32>
    %select_n3A_151 = arith.select %eq3A_146, %broadcast_in_dim3A_148, %broadcast_in_dim3A_150 : vector<128x128xi1>, vector<128x128xf32>
    %reduce_sum3A_152 = arith.constant dense<0.000000e+00> : vector<128xf32>
    %reduce_sum3A_153 = vector.multi_reduction <add>, %select_n3A_151, %reduce_sum3A_152 [1] : vector<128x128xf32> to vector<128xf32>
    %broadcast_in_dim3A_154 = vector.shape_cast %reduce_sum3A_153 : vector<128xf32> to vector<128x1xf32>
    %transpose3A_155 = tpu.transpose %broadcast_in_dim3A_154, [1, 0] : vector<128x1xf32> -> vector<1x128xf32>
    %exp3A = math.exp %transpose3A_155 : vector<1x128xf32>
    %broadcast_in_dim3A_156 = vector.shape_cast %iota3A : vector<1x128xi32> to vector<1x128xi32>
    %broadcast_in_dim3A_157 = vector.broadcast %broadcast_in_dim3A_156 : vector<1x128xi32> to vector<128x128xi32>
    %jit3A_158 = arith.constant 128 : i32
    %broadcast_in_dim3A_159 = vector.broadcast %jit3A_158 : i32 to vector<128x128xi32>
    %select_n3A_160 = arith.select %eq3A_146, %broadcast_in_dim3A_157, %broadcast_in_dim3A_159 : vector<128x128xi1>, vector<128x128xi32>
    %reduce_min3A = arith.constant dense<2147483647> : vector<128xi32>
    %reduce_min3A_161 = vector.multi_reduction <minsi>, %select_n3A_160, %reduce_min3A [1] : vector<128x128xi32> to vector<128xi32>
    %broadcast_in_dim3A_162 = vector.shape_cast %reduce_min3A_161 : vector<128xi32> to vector<128x1xi32>
    %transpose3A_163 = tpu.transpose %broadcast_in_dim3A_162, [1, 0] : vector<128x1xi32> -> vector<1x128xi32>
    %eq3A_164 = arith.cmpi eq, %transpose3A_163, %iota3A : vector<1x128xi32>
    %convert_element_type3A_165 = arith.extui %eq3A_164 : vector<1x128xi1> to vector<1x128xi32>
    %convert_element_type3A_166 = arith.sitofp %convert_element_type3A_165 : vector<1x128xi32> to vector<1x128xf32>
    %broadcast_in_dim3A_167 = arith.constant 0.000000e+00 : f32
    %broadcast_in_dim3A_168 = vector.broadcast %broadcast_in_dim3A_167 : f32 to vector<1x128xf32>
    %eq3A_169 = arith.constant 0.000000e+00 : f32
    %eq3A_170 = vector.broadcast %eq3A_169 : f32 to vector<1x128xf32>
    %eq3A_171 = arith.cmpf oeq, %get3A_16, %eq3A_170 : vector<1x128xf32>
    %jit3A_172 = arith.constant 2.700000e+00 : f32
    %broadcast_in_dim3A_173 = vector.broadcast %jit3A_172 : f32 to vector<1x128xf32>
    %select_n3A_174 = arith.select %eq3A_171, %broadcast_in_dim3A_173, %broadcast_in_dim3A_168 : vector<1x128xi1>, vector<1x128xf32>
    %eq3A_175 = arith.constant 1.000000e+00 : f32
    %eq3A_176 = vector.broadcast %eq3A_175 : f32 to vector<1x128xf32>
    %eq3A_177 = arith.cmpf oeq, %get3A_16, %eq3A_176 : vector<1x128xf32>
    %jit3A_178 = arith.constant 2.100000e+00 : f32
    %broadcast_in_dim3A_179 = vector.broadcast %jit3A_178 : f32 to vector<1x128xf32>
    %select_n3A_180 = arith.select %eq3A_177, %broadcast_in_dim3A_179, %select_n3A_174 : vector<1x128xi1>, vector<1x128xf32>
    %eq3A_181 = arith.constant 2.000000e+00 : f32
    %eq3A_182 = vector.broadcast %eq3A_181 : f32 to vector<1x128xf32>
    %eq3A_183 = arith.cmpf oeq, %get3A_16, %eq3A_182 : vector<1x128xf32>
    %jit3A_184 = arith.constant 2.400000e+00 : f32
    %broadcast_in_dim3A_185 = vector.broadcast %jit3A_184 : f32 to vector<1x128xf32>
    %select_n3A_186 = arith.select %eq3A_183, %broadcast_in_dim3A_185, %select_n3A_180 : vector<1x128xi1>, vector<1x128xf32>
    %eq3A_187 = arith.constant 3.000000e+00 : f32
    %eq3A_188 = vector.broadcast %eq3A_187 : f32 to vector<1x128xf32>
    %eq3A_189 = arith.cmpf oeq, %get3A_16, %eq3A_188 : vector<1x128xf32>
    %jit3A_190 = arith.constant 2.000000e+00 : f32
    %broadcast_in_dim3A_191 = vector.broadcast %jit3A_190 : f32 to vector<1x128xf32>
    %select_n3A_192 = arith.select %eq3A_189, %broadcast_in_dim3A_191, %select_n3A_186 : vector<1x128xi1>, vector<1x128xf32>
    %eq3A_193 = arith.constant 4.000000e+00 : f32
    %eq3A_194 = vector.broadcast %eq3A_193 : f32 to vector<1x128xf32>
    %eq3A_195 = arith.cmpf oeq, %get3A_16, %eq3A_194 : vector<1x128xf32>
    %jit3A_196 = arith.constant 3.000000e+00 : f32
    %broadcast_in_dim3A_197 = vector.broadcast %jit3A_196 : f32 to vector<1x128xf32>
    %select_n3A_198 = arith.select %eq3A_195, %broadcast_in_dim3A_197, %select_n3A_192 : vector<1x128xi1>, vector<1x128xf32>
    %eq3A_199 = arith.constant 5.000000e+00 : f32
    %eq3A_200 = vector.broadcast %eq3A_199 : f32 to vector<1x128xf32>
    %eq3A_201 = arith.cmpf oeq, %get3A_16, %eq3A_200 : vector<1x128xf32>
    %jit3A_202 = arith.constant 2.900000e+00 : f32
    %broadcast_in_dim3A_203 = vector.broadcast %jit3A_202 : f32 to vector<1x128xf32>
    %select_n3A_204 = arith.select %eq3A_201, %broadcast_in_dim3A_203, %select_n3A_198 : vector<1x128xi1>, vector<1x128xf32>
    %eq3A_205 = arith.constant 6.000000e+00 : f32
    %eq3A_206 = vector.broadcast %eq3A_205 : f32 to vector<1x128xf32>
    %eq3A_207 = arith.cmpf oeq, %get3A_16, %eq3A_206 : vector<1x128xf32>
    %jit3A_208 = arith.constant 3.000000e+00 : f32
    %broadcast_in_dim3A_209 = vector.broadcast %jit3A_208 : f32 to vector<1x128xf32>
    %select_n3A_210 = arith.select %eq3A_207, %broadcast_in_dim3A_209, %select_n3A_204 : vector<1x128xi1>, vector<1x128xf32>
    %eq3A_211 = arith.constant 7.000000e+00 : f32
    %eq3A_212 = vector.broadcast %eq3A_211 : f32 to vector<1x128xf32>
    %eq3A_213 = arith.cmpf oeq, %get3A_16, %eq3A_212 : vector<1x128xf32>
    %jit3A_214 = arith.constant 2.500000e+00 : f32
    %broadcast_in_dim3A_215 = vector.broadcast %jit3A_214 : f32 to vector<1x128xf32>
    %select_n3A_216 = arith.select %eq3A_213, %broadcast_in_dim3A_215, %select_n3A_210 : vector<1x128xi1>, vector<1x128xf32>
    %eq3A_217 = arith.constant 8.000000e+00 : f32
    %eq3A_218 = vector.broadcast %eq3A_217 : f32 to vector<1x128xf32>
    %eq3A_219 = arith.cmpf oeq, %get3A_16, %eq3A_218 : vector<1x128xf32>
    %jit3A_220 = arith.constant 2.100000e+00 : f32
    %broadcast_in_dim3A_221 = vector.broadcast %jit3A_220 : f32 to vector<1x128xf32>
    %select_n3A_222 = arith.select %eq3A_219, %broadcast_in_dim3A_221, %select_n3A_216 : vector<1x128xi1>, vector<1x128xf32>
    %eq3A_223 = arith.constant 9.000000e+00 : f32
    %eq3A_224 = vector.broadcast %eq3A_223 : f32 to vector<1x128xf32>
    %eq3A_225 = arith.cmpf oeq, %get3A_16, %eq3A_224 : vector<1x128xf32>
    %jit3A_226 = arith.constant 2.600000e+00 : f32
    %broadcast_in_dim3A_227 = vector.broadcast %jit3A_226 : f32 to vector<1x128xf32>
    %select_n3A_228 = arith.select %eq3A_225, %broadcast_in_dim3A_227, %select_n3A_222 : vector<1x128xi1>, vector<1x128xf32>
    %eq3A_229 = arith.constant 1.000000e+01 : f32
    %eq3A_230 = vector.broadcast %eq3A_229 : f32 to vector<1x128xf32>
    %eq3A_231 = arith.cmpf oeq, %get3A_16, %eq3A_230 : vector<1x128xf32>
    %jit3A_232 = arith.constant 2.000000e+00 : f32
    %broadcast_in_dim3A_233 = vector.broadcast %jit3A_232 : f32 to vector<1x128xf32>
    %select_n3A_234 = arith.select %eq3A_231, %broadcast_in_dim3A_233, %select_n3A_228 : vector<1x128xi1>, vector<1x128xf32>
    %eq3A_235 = arith.constant 1.100000e+01 : f32
    %eq3A_236 = vector.broadcast %eq3A_235 : f32 to vector<1x128xf32>
    %eq3A_237 = arith.cmpf oeq, %get3A_16, %eq3A_236 : vector<1x128xf32>
    %jit3A_238 = arith.constant 2.100000e+00 : f32
    %broadcast_in_dim3A_239 = vector.broadcast %jit3A_238 : f32 to vector<1x128xf32>
    %select_n3A_240 = arith.select %eq3A_237, %broadcast_in_dim3A_239, %select_n3A_234 : vector<1x128xi1>, vector<1x128xf32>
    %eq3A_241 = arith.constant 1.200000e+01 : f32
    %eq3A_242 = vector.broadcast %eq3A_241 : f32 to vector<1x128xf32>
    %eq3A_243 = arith.cmpf oeq, %get3A_16, %eq3A_242 : vector<1x128xf32>
    %jit3A_244 = arith.constant 2.700000e+00 : f32
    %broadcast_in_dim3A_245 = vector.broadcast %jit3A_244 : f32 to vector<1x128xf32>
    %select_n3A_246 = arith.select %eq3A_243, %broadcast_in_dim3A_245, %select_n3A_240 : vector<1x128xi1>, vector<1x128xf32>
    %eq3A_247 = arith.constant 1.300000e+01 : f32
    %eq3A_248 = vector.broadcast %eq3A_247 : f32 to vector<1x128xf32>
    %eq3A_249 = arith.cmpf oeq, %get3A_16, %eq3A_248 : vector<1x128xf32>
    %jit3A_250 = arith.constant 2.400000e+00 : f32
    %broadcast_in_dim3A_251 = vector.broadcast %jit3A_250 : f32 to vector<1x128xf32>
    %select_n3A_252 = arith.select %eq3A_249, %broadcast_in_dim3A_251, %select_n3A_246 : vector<1x128xi1>, vector<1x128xf32>
    %eq3A_253 = arith.constant 1.400000e+01 : f32
    %eq3A_254 = vector.broadcast %eq3A_253 : f32 to vector<1x128xf32>
    %eq3A_255 = arith.cmpf oeq, %get3A_16, %eq3A_254 : vector<1x128xf32>
    %jit3A_256 = arith.constant 2.200000e+00 : f32
    %broadcast_in_dim3A_257 = vector.broadcast %jit3A_256 : f32 to vector<1x128xf32>
    %select_n3A_258 = arith.select %eq3A_255, %broadcast_in_dim3A_257, %select_n3A_252 : vector<1x128xi1>, vector<1x128xf32>
    %eq3A_259 = arith.constant 1.000000e+00 : f32
    %eq3A_260 = vector.broadcast %eq3A_259 : f32 to vector<1x128xf32>
    %eq3A_261 = arith.cmpf oeq, %get3A_28, %eq3A_260 : vector<1x128xf32>
    %convert_element_type3A_262 = arith.extui %eq3A_261 : vector<1x128xi1> to vector<1x128xi32>
    %convert_element_type3A_263 = arith.sitofp %convert_element_type3A_262 : vector<1x128xi32> to vector<1x128xf32>
    %lt3A_264 = arith.constant 1.000000e+00 : f32
    %lt3A_265 = vector.broadcast %lt3A_264 : f32 to vector<1x128xf32>
    %lt3A_266 = arith.cmpf olt, %get3A_28, %lt3A_265 : vector<1x128xf32>
    %convert_element_type3A_267 = arith.extui %lt3A_266 : vector<1x128xi1> to vector<1x128xi32>
    %convert_element_type3A_268 = arith.sitofp %convert_element_type3A_267 : vector<1x128xi32> to vector<1x128xf32>
    %sub3A_269 = arith.constant 1.000000e+00 : f32
    %sub3A_270 = vector.broadcast %sub3A_269 : f32 to vector<1x128xf32>
    %sub3A_271 = arith.subf %sub3A_270, %get3A_28 : vector<1x128xf32>
    %mul3A_272 = arith.mulf %sub3A_271, %sub3A_271 : vector<1x128xf32>
    %mul3A_273 = arith.mulf %sub3A_271, %sub3A_271 : vector<1x128xf32>
    %mul3A_274 = arith.mulf %mul3A_272, %mul3A_273 : vector<1x128xf32>
    %mul3A_275 = arith.mulf %get3A_25, %exp3A : vector<1x128xf32>
    %add3A_276 = arith.constant 9.99999996E-13 : f32
    %add3A_277 = vector.broadcast %add3A_276 : f32 to vector<1x128xf32>
    %add3A_278 = arith.addf %mul3A_275, %add3A_277 : vector<1x128xf32>
    %log3A_279 = math.log %add3A_278 : vector<1x128xf32>
    %sub3A_280 = arith.constant 1.000000e+00 : f32
    %sub3A_281 = vector.broadcast %sub3A_280 : f32 to vector<1x128xf32>
    %sub3A_282 = arith.subf %sub3A_281, %mul3A_275 : vector<1x128xf32>
    %max3A_283 = arith.constant 1.000000e-30 : f32
    %max3A_284 = vector.broadcast %max3A_283 : f32 to vector<1x128xf32>
    %max3A_285 = arith.maximumf %sub3A_282, %max3A_284 : vector<1x128xf32>
    %log3A_286 = math.log %max3A_285 : vector<1x128xf32>
    %mul3A_287 = arith.mulf %select_n3A_258, %log3A_286 : vector<1x128xf32>
    %exp3A_288 = math.exp %mul3A_287 : vector<1x128xf32>
    %mul3A_289 = arith.mulf %log3A_279, %exp3A_288 : vector<1x128xf32>
    %mul3A_290 = arith.mulf %mul3A_289, %convert_element_type3A_263 : vector<1x128xf32>
    %sub3A_291 = arith.constant 1.000000e+00 : f32
    %sub3A_292 = vector.broadcast %sub3A_291 : f32 to vector<1x128xf32>
    %sub3A_293 = arith.subf %sub3A_292, %mul3A_275 : vector<1x128xf32>
    %add3A_294 = arith.constant 9.99999996E-13 : f32
    %add3A_295 = vector.broadcast %add3A_294 : f32 to vector<1x128xf32>
    %add3A_296 = arith.addf %sub3A_293, %add3A_295 : vector<1x128xf32>
    %log3A_297 = math.log %add3A_296 : vector<1x128xf32>
    %max3A_298 = arith.constant 1.000000e-30 : f32
    %max3A_299 = vector.broadcast %max3A_298 : f32 to vector<1x128xf32>
    %max3A_300 = arith.maximumf %mul3A_275, %max3A_299 : vector<1x128xf32>
    %log3A_301 = math.log %max3A_300 : vector<1x128xf32>
    %mul3A_302 = arith.mulf %select_n3A_258, %log3A_301 : vector<1x128xf32>
    %exp3A_303 = math.exp %mul3A_302 : vector<1x128xf32>
    %mul3A_304 = arith.mulf %log3A_297, %exp3A_303 : vector<1x128xf32>
    %mul3A_305 = arith.mulf %mul3A_304, %mul3A_274 : vector<1x128xf32>
    %mul3A_306 = arith.mulf %mul3A_305, %convert_element_type3A_268 : vector<1x128xf32>
    %add3A_307 = arith.addf %mul3A_290, %mul3A_306 : vector<1x128xf32>
    %add3A_308 = arith.constant 9.99999996E-13 : f32
    %add3A_309 = vector.broadcast %add3A_308 : f32 to vector<1x128xf32>
    %add3A_310 = arith.addf %get3A_25, %add3A_309 : vector<1x128xf32>
    %log3A_311 = math.log %add3A_310 : vector<1x128xf32>
    %sub3A_312 = arith.constant 1.000000e+00 : f32
    %sub3A_313 = vector.broadcast %sub3A_312 : f32 to vector<1x128xf32>
    %sub3A_314 = arith.subf %sub3A_313, %get3A_25 : vector<1x128xf32>
    %max3A_315 = arith.constant 1.000000e-30 : f32
    %max3A_316 = vector.broadcast %max3A_315 : f32 to vector<1x128xf32>
    %max3A_317 = arith.maximumf %sub3A_314, %max3A_316 : vector<1x128xf32>
    %log3A_318 = math.log %max3A_317 : vector<1x128xf32>
    %mul3A_319 = arith.mulf %select_n3A_258, %log3A_318 : vector<1x128xf32>
    %exp3A_320 = math.exp %mul3A_319 : vector<1x128xf32>
    %mul3A_321 = arith.mulf %log3A_311, %exp3A_320 : vector<1x128xf32>
    %mul3A_322 = arith.mulf %mul3A_321, %convert_element_type3A_263 : vector<1x128xf32>
    %sub3A_323 = arith.constant 1.000000e+00 : f32
    %sub3A_324 = vector.broadcast %sub3A_323 : f32 to vector<1x128xf32>
    %sub3A_325 = arith.subf %sub3A_324, %get3A_25 : vector<1x128xf32>
    %add3A_326 = arith.constant 9.99999996E-13 : f32
    %add3A_327 = vector.broadcast %add3A_326 : f32 to vector<1x128xf32>
    %add3A_328 = arith.addf %sub3A_325, %add3A_327 : vector<1x128xf32>
    %log3A_329 = math.log %add3A_328 : vector<1x128xf32>
    %max3A_330 = arith.constant 1.000000e-30 : f32
    %max3A_331 = vector.broadcast %max3A_330 : f32 to vector<1x128xf32>
    %max3A_332 = arith.maximumf %get3A_25, %max3A_331 : vector<1x128xf32>
    %log3A_333 = math.log %max3A_332 : vector<1x128xf32>
    %mul3A_334 = arith.mulf %select_n3A_258, %log3A_333 : vector<1x128xf32>
    %exp3A_335 = math.exp %mul3A_334 : vector<1x128xf32>
    %mul3A_336 = arith.mulf %log3A_329, %exp3A_335 : vector<1x128xf32>
    %mul3A_337 = arith.mulf %mul3A_336, %mul3A_274 : vector<1x128xf32>
    %mul3A_338 = arith.mulf %mul3A_337, %convert_element_type3A_268 : vector<1x128xf32>
    %add3A_339 = arith.addf %mul3A_322, %mul3A_338 : vector<1x128xf32>
    %sub3A_340 = arith.subf %add3A_307, %add3A_339 : vector<1x128xf32>
    %mul3A_341 = arith.constant -5.000000e-01 : f32
    %mul3A_342 = vector.broadcast %mul3A_341 : f32 to vector<1x128xf32>
    %mul3A_343 = arith.mulf %mul3A_342, %select_n3A_258 : vector<1x128xf32>
    %mul3A_344 = arith.mulf %convert_element_type3A_166, %mul3A_343 : vector<1x128xf32>
    %mul3A_345 = arith.mulf %mul3A_344, %sub3A_340 : vector<1x128xf32>
    %reduce_sum3A_346 = vector.shape_cast %mul3A_345 : vector<1x128xf32> to vector<1x1x128xf32>
    %reduce_sum3A_347 = arith.constant dense<0.000000e+00> : vector<1xf32>
    %reduce_sum3A_348 = vector.multi_reduction <add>, %reduce_sum3A_346, %reduce_sum3A_347 [1, 2] : vector<1x1x128xf32> to vector<1xf32>
    %reduce_sum3A_349 = vector.shape_cast %reduce_sum3A_348 : vector<1xf32> to vector<1x1x1xf32>
    %reduce_sum3A_350 = vector.extract %reduce_sum3A_349[0, 0, 0] : f32 from vector<1x1x1xf32>
    %get3A_351 = arith.constant 0 : index
    %get3A_352 = arith.constant 0 : index
    %get3A_353 = memref.load %arg1[%get3A_351, %get3A_352] : memref<1x2xf32, #tpu.memory_space<smem>>
    %add3A_354 = arith.addf %get3A_353, %reduce_sum3A_69 : f32
    %add3A_355 = arith.addf %add3A_354, %reduce_sum3A_350 : f32
    %get3A_356 = arith.constant 0 : index
    %get3A_357 = arith.constant 1 : index
    %get3A_358 = memref.load %arg1[%get3A_356, %get3A_357] : memref<1x2xf32, #tpu.memory_space<smem>>
    %eq3A_359 = arith.constant 0.000000e+00 : f32
    %eq3A_360 = arith.cmpf oeq, %get3A_358, %eq3A_359 : f32
    %div3A_361 = arith.divf %add3A_355, %get3A_358 : f32
    %select_n3A_362 = arith.select %eq3A_360, %add3A_355, %div3A_361 : f32
    %swap3A = arith.constant 0 : index
    %swap3A_363 = arith.constant 0 : index
    %swap3A_364 = memref.load %arg2[%swap3A, %swap3A_363] : memref<1x1xf32, #tpu.memory_space<smem>>
    memref.store %select_n3A_362, %arg2[%swap3A, %swap3A_363] : memref<1x1xf32, #tpu.memory_space<smem>>
    return
  }
}

module attributes {stable_mosaic.version = 14 : i64} {
  func.func @_tc_dense_body(%arg0: i32, %arg1: memref<15x128x128xf32, #tpu.memory_space<vmem>>, %arg2: memref<15x128x128xf32, #tpu.memory_space<vmem>>, %arg3: memref<1x2xf32, #tpu.memory_space<smem>>, %arg4: memref<2xf32, #tpu.memory_space<smem>>) attributes {dimension_semantics = [#tpu.dimension_semantics<arbitrary>], iteration_bounds = array<i64: 4>, scalar_prefetch = 0 : i64, scratch_operands = 1 : i64, tpu.core_type = #tpu.core_type<tc>, window_params = [{transform_indices = @transform_0, window_bounds = array<i64: 15, 128, 128>}, {transform_indices = @transform_1, window_bounds = array<i64: 15, 128, 128>}, {transform_indices = @transform_2, window_bounds = array<i64: 1, 2>}]} {
    %eq3A = arith.constant 0 : i32
    %eq3A_0 = arith.cmpi eq, %arg0, %eq3A : i32
    %convert_element_type3A = arith.extui %eq3A_0 : i1 to i32
    %cond3A = arith.constant 0 : i32
    %cond3A_1 = arith.cmpi ne, %convert_element_type3A, %cond3A : i32
    scf.if %cond3A_1 {
      %swap3A_802 = arith.constant 0.000000e+00 : f32
      %swap3A_803 = arith.constant 0 : index
      %swap3A_804 = memref.load %arg4[%swap3A_803] : memref<2xf32, #tpu.memory_space<smem>>
      memref.store %swap3A_802, %arg4[%swap3A_803] : memref<2xf32, #tpu.memory_space<smem>>
      %swap3A_805 = arith.constant 0.000000e+00 : f32
      %swap3A_806 = arith.constant 1 : index
      %swap3A_807 = memref.load %arg4[%swap3A_806] : memref<2xf32, #tpu.memory_space<smem>>
      memref.store %swap3A_805, %arg4[%swap3A_806] : memref<2xf32, #tpu.memory_space<smem>>
    } else {
    }
    %broadcast_in_dim3A = arith.constant 0.000000e+00 : f32
    %broadcast_in_dim3A_2 = vector.broadcast %broadcast_in_dim3A : f32 to vector<128x128xf32>
    %broadcast_in_dim3A_3 = arith.constant 0.000000e+00 : f32
    %broadcast_in_dim3A_4 = vector.broadcast %broadcast_in_dim3A_3 : f32 to vector<128x128xf32>
    %get3A = arith.constant 0 : index
    %get3A_5 = arith.constant 0 : index
    %get3A_6 = arith.constant 0 : index
    %get3A_7 = vector.load %arg1[%get3A, %get3A_5, %get3A_6] : memref<15x128x128xf32, #tpu.memory_space<vmem>>, vector<1x128x128xf32>
    %get3A_8 = vector.shape_cast %get3A_7 : vector<1x128x128xf32> to vector<128x128xf32>
    %get3A_9 = arith.constant 0 : index
    %get3A_10 = arith.constant 0 : index
    %get3A_11 = arith.constant 0 : index
    %get3A_12 = vector.load %arg2[%get3A_9, %get3A_10, %get3A_11] : memref<15x128x128xf32, #tpu.memory_space<vmem>>, vector<1x128x128xf32>
    %get3A_13 = vector.shape_cast %get3A_12 : vector<1x128x128xf32> to vector<128x128xf32>
    %add3A = arith.constant 9.99999996E-13 : f32
    %add3A_14 = vector.broadcast %add3A : f32 to vector<128x128xf32>
    %add3A_15 = arith.addf %get3A_8, %add3A_14 : vector<128x128xf32>
    %log3A = math.log %add3A_15 : vector<128x128xf32>
    %sub3A = arith.constant 1.000000e+00 : f32
    %sub3A_16 = vector.broadcast %sub3A : f32 to vector<128x128xf32>
    %sub3A_17 = arith.subf %sub3A_16, %get3A_8 : vector<128x128xf32>
    %add3A_18 = arith.constant 9.99999996E-13 : f32
    %add3A_19 = vector.broadcast %add3A_18 : f32 to vector<128x128xf32>
    %add3A_20 = arith.addf %sub3A_17, %add3A_19 : vector<128x128xf32>
    %log3A_21 = math.log %add3A_20 : vector<128x128xf32>
    %eq3A_22 = arith.constant 1.000000e+00 : f32
    %eq3A_23 = vector.broadcast %eq3A_22 : f32 to vector<128x128xf32>
    %eq3A_24 = arith.cmpf oeq, %get3A_13, %eq3A_23 : vector<128x128xf32>
    %sub3A_25 = arith.constant 1.000000e+00 : f32
    %sub3A_26 = vector.broadcast %sub3A_25 : f32 to vector<128x128xf32>
    %sub3A_27 = arith.subf %sub3A_26, %get3A_13 : vector<128x128xf32>
    %mul3A = arith.mulf %sub3A_27, %sub3A_27 : vector<128x128xf32>
    %mul3A_28 = arith.mulf %sub3A_27, %sub3A_27 : vector<128x128xf32>
    %mul3A_29 = arith.mulf %mul3A, %mul3A_28 : vector<128x128xf32>
    %mul3A_30 = arith.constant 2.700000e+00 : f32
    %mul3A_31 = vector.broadcast %mul3A_30 : f32 to vector<128x128xf32>
    %mul3A_32 = arith.mulf %mul3A_31, %log3A_21 : vector<128x128xf32>
    %exp3A = math.exp %mul3A_32 : vector<128x128xf32>
    %mul3A_33 = arith.mulf %log3A, %exp3A : vector<128x128xf32>
    %mul3A_34 = arith.constant 2.700000e+00 : f32
    %mul3A_35 = vector.broadcast %mul3A_34 : f32 to vector<128x128xf32>
    %mul3A_36 = arith.mulf %mul3A_35, %log3A : vector<128x128xf32>
    %exp3A_37 = math.exp %mul3A_36 : vector<128x128xf32>
    %mul3A_38 = arith.mulf %log3A_21, %exp3A_37 : vector<128x128xf32>
    %mul3A_39 = arith.mulf %mul3A_38, %mul3A_29 : vector<128x128xf32>
    %select_n3A = arith.select %eq3A_24, %mul3A_33, %mul3A_39 : vector<128x128xi1>, vector<128x128xf32>
    %mul3A_40 = arith.constant 2.700000e+00 : f32
    %mul3A_41 = vector.broadcast %mul3A_40 : f32 to vector<128x128xf32>
    %mul3A_42 = arith.mulf %mul3A_41, %select_n3A : vector<128x128xf32>
    %add3A_43 = arith.addf %broadcast_in_dim3A_2, %mul3A_42 : vector<128x128xf32>
    %jit3A = arith.constant 1.000000e+00 : f32
    %jit3A_44 = arith.constant 0.000000e+00 : f32
    %broadcast_in_dim3A_45 = vector.broadcast %jit3A : f32 to vector<128x128xf32>
    %broadcast_in_dim3A_46 = vector.broadcast %jit3A_44 : f32 to vector<128x128xf32>
    %select_n3A_47 = arith.select %eq3A_24, %broadcast_in_dim3A_45, %broadcast_in_dim3A_46 : vector<128x128xi1>, vector<128x128xf32>
    %add3A_48 = arith.addf %broadcast_in_dim3A_4, %select_n3A_47 : vector<128x128xf32>
    %get3A_49 = arith.constant 1 : index
    %get3A_50 = arith.constant 0 : index
    %get3A_51 = arith.constant 0 : index
    %get3A_52 = vector.load %arg1[%get3A_49, %get3A_50, %get3A_51] : memref<15x128x128xf32, #tpu.memory_space<vmem>>, vector<1x128x128xf32>
    %get3A_53 = vector.shape_cast %get3A_52 : vector<1x128x128xf32> to vector<128x128xf32>
    %get3A_54 = arith.constant 1 : index
    %get3A_55 = arith.constant 0 : index
    %get3A_56 = arith.constant 0 : index
    %get3A_57 = vector.load %arg2[%get3A_54, %get3A_55, %get3A_56] : memref<15x128x128xf32, #tpu.memory_space<vmem>>, vector<1x128x128xf32>
    %get3A_58 = vector.shape_cast %get3A_57 : vector<1x128x128xf32> to vector<128x128xf32>
    %add3A_59 = arith.constant 9.99999996E-13 : f32
    %add3A_60 = vector.broadcast %add3A_59 : f32 to vector<128x128xf32>
    %add3A_61 = arith.addf %get3A_53, %add3A_60 : vector<128x128xf32>
    %log3A_62 = math.log %add3A_61 : vector<128x128xf32>
    %sub3A_63 = arith.constant 1.000000e+00 : f32
    %sub3A_64 = vector.broadcast %sub3A_63 : f32 to vector<128x128xf32>
    %sub3A_65 = arith.subf %sub3A_64, %get3A_53 : vector<128x128xf32>
    %add3A_66 = arith.constant 9.99999996E-13 : f32
    %add3A_67 = vector.broadcast %add3A_66 : f32 to vector<128x128xf32>
    %add3A_68 = arith.addf %sub3A_65, %add3A_67 : vector<128x128xf32>
    %log3A_69 = math.log %add3A_68 : vector<128x128xf32>
    %eq3A_70 = arith.constant 1.000000e+00 : f32
    %eq3A_71 = vector.broadcast %eq3A_70 : f32 to vector<128x128xf32>
    %eq3A_72 = arith.cmpf oeq, %get3A_58, %eq3A_71 : vector<128x128xf32>
    %sub3A_73 = arith.constant 1.000000e+00 : f32
    %sub3A_74 = vector.broadcast %sub3A_73 : f32 to vector<128x128xf32>
    %sub3A_75 = arith.subf %sub3A_74, %get3A_58 : vector<128x128xf32>
    %mul3A_76 = arith.mulf %sub3A_75, %sub3A_75 : vector<128x128xf32>
    %mul3A_77 = arith.mulf %sub3A_75, %sub3A_75 : vector<128x128xf32>
    %mul3A_78 = arith.mulf %mul3A_76, %mul3A_77 : vector<128x128xf32>
    %mul3A_79 = arith.constant 2.100000e+00 : f32
    %mul3A_80 = vector.broadcast %mul3A_79 : f32 to vector<128x128xf32>
    %mul3A_81 = arith.mulf %mul3A_80, %log3A_69 : vector<128x128xf32>
    %exp3A_82 = math.exp %mul3A_81 : vector<128x128xf32>
    %mul3A_83 = arith.mulf %log3A_62, %exp3A_82 : vector<128x128xf32>
    %mul3A_84 = arith.constant 2.100000e+00 : f32
    %mul3A_85 = vector.broadcast %mul3A_84 : f32 to vector<128x128xf32>
    %mul3A_86 = arith.mulf %mul3A_85, %log3A_62 : vector<128x128xf32>
    %exp3A_87 = math.exp %mul3A_86 : vector<128x128xf32>
    %mul3A_88 = arith.mulf %log3A_69, %exp3A_87 : vector<128x128xf32>
    %mul3A_89 = arith.mulf %mul3A_88, %mul3A_78 : vector<128x128xf32>
    %select_n3A_90 = arith.select %eq3A_72, %mul3A_83, %mul3A_89 : vector<128x128xi1>, vector<128x128xf32>
    %mul3A_91 = arith.constant 2.100000e+00 : f32
    %mul3A_92 = vector.broadcast %mul3A_91 : f32 to vector<128x128xf32>
    %mul3A_93 = arith.mulf %mul3A_92, %select_n3A_90 : vector<128x128xf32>
    %add3A_94 = arith.addf %add3A_43, %mul3A_93 : vector<128x128xf32>
    %jit3A_95 = arith.constant 1.000000e+00 : f32
    %jit3A_96 = arith.constant 0.000000e+00 : f32
    %broadcast_in_dim3A_97 = vector.broadcast %jit3A_95 : f32 to vector<128x128xf32>
    %broadcast_in_dim3A_98 = vector.broadcast %jit3A_96 : f32 to vector<128x128xf32>
    %select_n3A_99 = arith.select %eq3A_72, %broadcast_in_dim3A_97, %broadcast_in_dim3A_98 : vector<128x128xi1>, vector<128x128xf32>
    %add3A_100 = arith.addf %add3A_48, %select_n3A_99 : vector<128x128xf32>
    %get3A_101 = arith.constant 2 : index
    %get3A_102 = arith.constant 0 : index
    %get3A_103 = arith.constant 0 : index
    %get3A_104 = vector.load %arg1[%get3A_101, %get3A_102, %get3A_103] : memref<15x128x128xf32, #tpu.memory_space<vmem>>, vector<1x128x128xf32>
    %get3A_105 = vector.shape_cast %get3A_104 : vector<1x128x128xf32> to vector<128x128xf32>
    %get3A_106 = arith.constant 2 : index
    %get3A_107 = arith.constant 0 : index
    %get3A_108 = arith.constant 0 : index
    %get3A_109 = vector.load %arg2[%get3A_106, %get3A_107, %get3A_108] : memref<15x128x128xf32, #tpu.memory_space<vmem>>, vector<1x128x128xf32>
    %get3A_110 = vector.shape_cast %get3A_109 : vector<1x128x128xf32> to vector<128x128xf32>
    %add3A_111 = arith.constant 9.99999996E-13 : f32
    %add3A_112 = vector.broadcast %add3A_111 : f32 to vector<128x128xf32>
    %add3A_113 = arith.addf %get3A_105, %add3A_112 : vector<128x128xf32>
    %log3A_114 = math.log %add3A_113 : vector<128x128xf32>
    %sub3A_115 = arith.constant 1.000000e+00 : f32
    %sub3A_116 = vector.broadcast %sub3A_115 : f32 to vector<128x128xf32>
    %sub3A_117 = arith.subf %sub3A_116, %get3A_105 : vector<128x128xf32>
    %add3A_118 = arith.constant 9.99999996E-13 : f32
    %add3A_119 = vector.broadcast %add3A_118 : f32 to vector<128x128xf32>
    %add3A_120 = arith.addf %sub3A_117, %add3A_119 : vector<128x128xf32>
    %log3A_121 = math.log %add3A_120 : vector<128x128xf32>
    %eq3A_122 = arith.constant 1.000000e+00 : f32
    %eq3A_123 = vector.broadcast %eq3A_122 : f32 to vector<128x128xf32>
    %eq3A_124 = arith.cmpf oeq, %get3A_110, %eq3A_123 : vector<128x128xf32>
    %sub3A_125 = arith.constant 1.000000e+00 : f32
    %sub3A_126 = vector.broadcast %sub3A_125 : f32 to vector<128x128xf32>
    %sub3A_127 = arith.subf %sub3A_126, %get3A_110 : vector<128x128xf32>
    %mul3A_128 = arith.mulf %sub3A_127, %sub3A_127 : vector<128x128xf32>
    %mul3A_129 = arith.mulf %sub3A_127, %sub3A_127 : vector<128x128xf32>
    %mul3A_130 = arith.mulf %mul3A_128, %mul3A_129 : vector<128x128xf32>
    %mul3A_131 = arith.constant 2.400000e+00 : f32
    %mul3A_132 = vector.broadcast %mul3A_131 : f32 to vector<128x128xf32>
    %mul3A_133 = arith.mulf %mul3A_132, %log3A_121 : vector<128x128xf32>
    %exp3A_134 = math.exp %mul3A_133 : vector<128x128xf32>
    %mul3A_135 = arith.mulf %log3A_114, %exp3A_134 : vector<128x128xf32>
    %mul3A_136 = arith.constant 2.400000e+00 : f32
    %mul3A_137 = vector.broadcast %mul3A_136 : f32 to vector<128x128xf32>
    %mul3A_138 = arith.mulf %mul3A_137, %log3A_114 : vector<128x128xf32>
    %exp3A_139 = math.exp %mul3A_138 : vector<128x128xf32>
    %mul3A_140 = arith.mulf %log3A_121, %exp3A_139 : vector<128x128xf32>
    %mul3A_141 = arith.mulf %mul3A_140, %mul3A_130 : vector<128x128xf32>
    %select_n3A_142 = arith.select %eq3A_124, %mul3A_135, %mul3A_141 : vector<128x128xi1>, vector<128x128xf32>
    %mul3A_143 = arith.constant 2.400000e+00 : f32
    %mul3A_144 = vector.broadcast %mul3A_143 : f32 to vector<128x128xf32>
    %mul3A_145 = arith.mulf %mul3A_144, %select_n3A_142 : vector<128x128xf32>
    %add3A_146 = arith.addf %add3A_94, %mul3A_145 : vector<128x128xf32>
    %jit3A_147 = arith.constant 1.000000e+00 : f32
    %jit3A_148 = arith.constant 0.000000e+00 : f32
    %broadcast_in_dim3A_149 = vector.broadcast %jit3A_147 : f32 to vector<128x128xf32>
    %broadcast_in_dim3A_150 = vector.broadcast %jit3A_148 : f32 to vector<128x128xf32>
    %select_n3A_151 = arith.select %eq3A_124, %broadcast_in_dim3A_149, %broadcast_in_dim3A_150 : vector<128x128xi1>, vector<128x128xf32>
    %add3A_152 = arith.addf %add3A_100, %select_n3A_151 : vector<128x128xf32>
    %get3A_153 = arith.constant 3 : index
    %get3A_154 = arith.constant 0 : index
    %get3A_155 = arith.constant 0 : index
    %get3A_156 = vector.load %arg1[%get3A_153, %get3A_154, %get3A_155] : memref<15x128x128xf32, #tpu.memory_space<vmem>>, vector<1x128x128xf32>
    %get3A_157 = vector.shape_cast %get3A_156 : vector<1x128x128xf32> to vector<128x128xf32>
    %get3A_158 = arith.constant 3 : index
    %get3A_159 = arith.constant 0 : index
    %get3A_160 = arith.constant 0 : index
    %get3A_161 = vector.load %arg2[%get3A_158, %get3A_159, %get3A_160] : memref<15x128x128xf32, #tpu.memory_space<vmem>>, vector<1x128x128xf32>
    %get3A_162 = vector.shape_cast %get3A_161 : vector<1x128x128xf32> to vector<128x128xf32>
    %add3A_163 = arith.constant 9.99999996E-13 : f32
    %add3A_164 = vector.broadcast %add3A_163 : f32 to vector<128x128xf32>
    %add3A_165 = arith.addf %get3A_157, %add3A_164 : vector<128x128xf32>
    %log3A_166 = math.log %add3A_165 : vector<128x128xf32>
    %sub3A_167 = arith.constant 1.000000e+00 : f32
    %sub3A_168 = vector.broadcast %sub3A_167 : f32 to vector<128x128xf32>
    %sub3A_169 = arith.subf %sub3A_168, %get3A_157 : vector<128x128xf32>
    %add3A_170 = arith.constant 9.99999996E-13 : f32
    %add3A_171 = vector.broadcast %add3A_170 : f32 to vector<128x128xf32>
    %add3A_172 = arith.addf %sub3A_169, %add3A_171 : vector<128x128xf32>
    %log3A_173 = math.log %add3A_172 : vector<128x128xf32>
    %eq3A_174 = arith.constant 1.000000e+00 : f32
    %eq3A_175 = vector.broadcast %eq3A_174 : f32 to vector<128x128xf32>
    %eq3A_176 = arith.cmpf oeq, %get3A_162, %eq3A_175 : vector<128x128xf32>
    %sub3A_177 = arith.constant 1.000000e+00 : f32
    %sub3A_178 = vector.broadcast %sub3A_177 : f32 to vector<128x128xf32>
    %sub3A_179 = arith.subf %sub3A_178, %get3A_162 : vector<128x128xf32>
    %mul3A_180 = arith.mulf %sub3A_179, %sub3A_179 : vector<128x128xf32>
    %mul3A_181 = arith.mulf %sub3A_179, %sub3A_179 : vector<128x128xf32>
    %mul3A_182 = arith.mulf %mul3A_180, %mul3A_181 : vector<128x128xf32>
    %mul3A_183 = arith.constant 2.000000e+00 : f32
    %mul3A_184 = vector.broadcast %mul3A_183 : f32 to vector<128x128xf32>
    %mul3A_185 = arith.mulf %mul3A_184, %log3A_173 : vector<128x128xf32>
    %exp3A_186 = math.exp %mul3A_185 : vector<128x128xf32>
    %mul3A_187 = arith.mulf %log3A_166, %exp3A_186 : vector<128x128xf32>
    %mul3A_188 = arith.constant 2.000000e+00 : f32
    %mul3A_189 = vector.broadcast %mul3A_188 : f32 to vector<128x128xf32>
    %mul3A_190 = arith.mulf %mul3A_189, %log3A_166 : vector<128x128xf32>
    %exp3A_191 = math.exp %mul3A_190 : vector<128x128xf32>
    %mul3A_192 = arith.mulf %log3A_173, %exp3A_191 : vector<128x128xf32>
    %mul3A_193 = arith.mulf %mul3A_192, %mul3A_182 : vector<128x128xf32>
    %select_n3A_194 = arith.select %eq3A_176, %mul3A_187, %mul3A_193 : vector<128x128xi1>, vector<128x128xf32>
    %mul3A_195 = arith.constant 2.000000e+00 : f32
    %mul3A_196 = vector.broadcast %mul3A_195 : f32 to vector<128x128xf32>
    %mul3A_197 = arith.mulf %mul3A_196, %select_n3A_194 : vector<128x128xf32>
    %add3A_198 = arith.addf %add3A_146, %mul3A_197 : vector<128x128xf32>
    %jit3A_199 = arith.constant 1.000000e+00 : f32
    %jit3A_200 = arith.constant 0.000000e+00 : f32
    %broadcast_in_dim3A_201 = vector.broadcast %jit3A_199 : f32 to vector<128x128xf32>
    %broadcast_in_dim3A_202 = vector.broadcast %jit3A_200 : f32 to vector<128x128xf32>
    %select_n3A_203 = arith.select %eq3A_176, %broadcast_in_dim3A_201, %broadcast_in_dim3A_202 : vector<128x128xi1>, vector<128x128xf32>
    %add3A_204 = arith.addf %add3A_152, %select_n3A_203 : vector<128x128xf32>
    %get3A_205 = arith.constant 4 : index
    %get3A_206 = arith.constant 0 : index
    %get3A_207 = arith.constant 0 : index
    %get3A_208 = vector.load %arg1[%get3A_205, %get3A_206, %get3A_207] : memref<15x128x128xf32, #tpu.memory_space<vmem>>, vector<1x128x128xf32>
    %get3A_209 = vector.shape_cast %get3A_208 : vector<1x128x128xf32> to vector<128x128xf32>
    %get3A_210 = arith.constant 4 : index
    %get3A_211 = arith.constant 0 : index
    %get3A_212 = arith.constant 0 : index
    %get3A_213 = vector.load %arg2[%get3A_210, %get3A_211, %get3A_212] : memref<15x128x128xf32, #tpu.memory_space<vmem>>, vector<1x128x128xf32>
    %get3A_214 = vector.shape_cast %get3A_213 : vector<1x128x128xf32> to vector<128x128xf32>
    %add3A_215 = arith.constant 9.99999996E-13 : f32
    %add3A_216 = vector.broadcast %add3A_215 : f32 to vector<128x128xf32>
    %add3A_217 = arith.addf %get3A_209, %add3A_216 : vector<128x128xf32>
    %log3A_218 = math.log %add3A_217 : vector<128x128xf32>
    %sub3A_219 = arith.constant 1.000000e+00 : f32
    %sub3A_220 = vector.broadcast %sub3A_219 : f32 to vector<128x128xf32>
    %sub3A_221 = arith.subf %sub3A_220, %get3A_209 : vector<128x128xf32>
    %add3A_222 = arith.constant 9.99999996E-13 : f32
    %add3A_223 = vector.broadcast %add3A_222 : f32 to vector<128x128xf32>
    %add3A_224 = arith.addf %sub3A_221, %add3A_223 : vector<128x128xf32>
    %log3A_225 = math.log %add3A_224 : vector<128x128xf32>
    %eq3A_226 = arith.constant 1.000000e+00 : f32
    %eq3A_227 = vector.broadcast %eq3A_226 : f32 to vector<128x128xf32>
    %eq3A_228 = arith.cmpf oeq, %get3A_214, %eq3A_227 : vector<128x128xf32>
    %sub3A_229 = arith.constant 1.000000e+00 : f32
    %sub3A_230 = vector.broadcast %sub3A_229 : f32 to vector<128x128xf32>
    %sub3A_231 = arith.subf %sub3A_230, %get3A_214 : vector<128x128xf32>
    %mul3A_232 = arith.mulf %sub3A_231, %sub3A_231 : vector<128x128xf32>
    %mul3A_233 = arith.mulf %sub3A_231, %sub3A_231 : vector<128x128xf32>
    %mul3A_234 = arith.mulf %mul3A_232, %mul3A_233 : vector<128x128xf32>
    %mul3A_235 = arith.constant 3.000000e+00 : f32
    %mul3A_236 = vector.broadcast %mul3A_235 : f32 to vector<128x128xf32>
    %mul3A_237 = arith.mulf %mul3A_236, %log3A_225 : vector<128x128xf32>
    %exp3A_238 = math.exp %mul3A_237 : vector<128x128xf32>
    %mul3A_239 = arith.mulf %log3A_218, %exp3A_238 : vector<128x128xf32>
    %mul3A_240 = arith.constant 3.000000e+00 : f32
    %mul3A_241 = vector.broadcast %mul3A_240 : f32 to vector<128x128xf32>
    %mul3A_242 = arith.mulf %mul3A_241, %log3A_218 : vector<128x128xf32>
    %exp3A_243 = math.exp %mul3A_242 : vector<128x128xf32>
    %mul3A_244 = arith.mulf %log3A_225, %exp3A_243 : vector<128x128xf32>
    %mul3A_245 = arith.mulf %mul3A_244, %mul3A_234 : vector<128x128xf32>
    %select_n3A_246 = arith.select %eq3A_228, %mul3A_239, %mul3A_245 : vector<128x128xi1>, vector<128x128xf32>
    %mul3A_247 = arith.constant 3.000000e+00 : f32
    %mul3A_248 = vector.broadcast %mul3A_247 : f32 to vector<128x128xf32>
    %mul3A_249 = arith.mulf %mul3A_248, %select_n3A_246 : vector<128x128xf32>
    %add3A_250 = arith.addf %add3A_198, %mul3A_249 : vector<128x128xf32>
    %jit3A_251 = arith.constant 1.000000e+00 : f32
    %jit3A_252 = arith.constant 0.000000e+00 : f32
    %broadcast_in_dim3A_253 = vector.broadcast %jit3A_251 : f32 to vector<128x128xf32>
    %broadcast_in_dim3A_254 = vector.broadcast %jit3A_252 : f32 to vector<128x128xf32>
    %select_n3A_255 = arith.select %eq3A_228, %broadcast_in_dim3A_253, %broadcast_in_dim3A_254 : vector<128x128xi1>, vector<128x128xf32>
    %add3A_256 = arith.addf %add3A_204, %select_n3A_255 : vector<128x128xf32>
    %get3A_257 = arith.constant 5 : index
    %get3A_258 = arith.constant 0 : index
    %get3A_259 = arith.constant 0 : index
    %get3A_260 = vector.load %arg1[%get3A_257, %get3A_258, %get3A_259] : memref<15x128x128xf32, #tpu.memory_space<vmem>>, vector<1x128x128xf32>
    %get3A_261 = vector.shape_cast %get3A_260 : vector<1x128x128xf32> to vector<128x128xf32>
    %get3A_262 = arith.constant 5 : index
    %get3A_263 = arith.constant 0 : index
    %get3A_264 = arith.constant 0 : index
    %get3A_265 = vector.load %arg2[%get3A_262, %get3A_263, %get3A_264] : memref<15x128x128xf32, #tpu.memory_space<vmem>>, vector<1x128x128xf32>
    %get3A_266 = vector.shape_cast %get3A_265 : vector<1x128x128xf32> to vector<128x128xf32>
    %add3A_267 = arith.constant 9.99999996E-13 : f32
    %add3A_268 = vector.broadcast %add3A_267 : f32 to vector<128x128xf32>
    %add3A_269 = arith.addf %get3A_261, %add3A_268 : vector<128x128xf32>
    %log3A_270 = math.log %add3A_269 : vector<128x128xf32>
    %sub3A_271 = arith.constant 1.000000e+00 : f32
    %sub3A_272 = vector.broadcast %sub3A_271 : f32 to vector<128x128xf32>
    %sub3A_273 = arith.subf %sub3A_272, %get3A_261 : vector<128x128xf32>
    %add3A_274 = arith.constant 9.99999996E-13 : f32
    %add3A_275 = vector.broadcast %add3A_274 : f32 to vector<128x128xf32>
    %add3A_276 = arith.addf %sub3A_273, %add3A_275 : vector<128x128xf32>
    %log3A_277 = math.log %add3A_276 : vector<128x128xf32>
    %eq3A_278 = arith.constant 1.000000e+00 : f32
    %eq3A_279 = vector.broadcast %eq3A_278 : f32 to vector<128x128xf32>
    %eq3A_280 = arith.cmpf oeq, %get3A_266, %eq3A_279 : vector<128x128xf32>
    %sub3A_281 = arith.constant 1.000000e+00 : f32
    %sub3A_282 = vector.broadcast %sub3A_281 : f32 to vector<128x128xf32>
    %sub3A_283 = arith.subf %sub3A_282, %get3A_266 : vector<128x128xf32>
    %mul3A_284 = arith.mulf %sub3A_283, %sub3A_283 : vector<128x128xf32>
    %mul3A_285 = arith.mulf %sub3A_283, %sub3A_283 : vector<128x128xf32>
    %mul3A_286 = arith.mulf %mul3A_284, %mul3A_285 : vector<128x128xf32>
    %mul3A_287 = arith.constant 2.900000e+00 : f32
    %mul3A_288 = vector.broadcast %mul3A_287 : f32 to vector<128x128xf32>
    %mul3A_289 = arith.mulf %mul3A_288, %log3A_277 : vector<128x128xf32>
    %exp3A_290 = math.exp %mul3A_289 : vector<128x128xf32>
    %mul3A_291 = arith.mulf %log3A_270, %exp3A_290 : vector<128x128xf32>
    %mul3A_292 = arith.constant 2.900000e+00 : f32
    %mul3A_293 = vector.broadcast %mul3A_292 : f32 to vector<128x128xf32>
    %mul3A_294 = arith.mulf %mul3A_293, %log3A_270 : vector<128x128xf32>
    %exp3A_295 = math.exp %mul3A_294 : vector<128x128xf32>
    %mul3A_296 = arith.mulf %log3A_277, %exp3A_295 : vector<128x128xf32>
    %mul3A_297 = arith.mulf %mul3A_296, %mul3A_286 : vector<128x128xf32>
    %select_n3A_298 = arith.select %eq3A_280, %mul3A_291, %mul3A_297 : vector<128x128xi1>, vector<128x128xf32>
    %mul3A_299 = arith.constant 2.900000e+00 : f32
    %mul3A_300 = vector.broadcast %mul3A_299 : f32 to vector<128x128xf32>
    %mul3A_301 = arith.mulf %mul3A_300, %select_n3A_298 : vector<128x128xf32>
    %add3A_302 = arith.addf %add3A_250, %mul3A_301 : vector<128x128xf32>
    %jit3A_303 = arith.constant 1.000000e+00 : f32
    %jit3A_304 = arith.constant 0.000000e+00 : f32
    %broadcast_in_dim3A_305 = vector.broadcast %jit3A_303 : f32 to vector<128x128xf32>
    %broadcast_in_dim3A_306 = vector.broadcast %jit3A_304 : f32 to vector<128x128xf32>
    %select_n3A_307 = arith.select %eq3A_280, %broadcast_in_dim3A_305, %broadcast_in_dim3A_306 : vector<128x128xi1>, vector<128x128xf32>
    %add3A_308 = arith.addf %add3A_256, %select_n3A_307 : vector<128x128xf32>
    %get3A_309 = arith.constant 6 : index
    %get3A_310 = arith.constant 0 : index
    %get3A_311 = arith.constant 0 : index
    %get3A_312 = vector.load %arg1[%get3A_309, %get3A_310, %get3A_311] : memref<15x128x128xf32, #tpu.memory_space<vmem>>, vector<1x128x128xf32>
    %get3A_313 = vector.shape_cast %get3A_312 : vector<1x128x128xf32> to vector<128x128xf32>
    %get3A_314 = arith.constant 6 : index
    %get3A_315 = arith.constant 0 : index
    %get3A_316 = arith.constant 0 : index
    %get3A_317 = vector.load %arg2[%get3A_314, %get3A_315, %get3A_316] : memref<15x128x128xf32, #tpu.memory_space<vmem>>, vector<1x128x128xf32>
    %get3A_318 = vector.shape_cast %get3A_317 : vector<1x128x128xf32> to vector<128x128xf32>
    %add3A_319 = arith.constant 9.99999996E-13 : f32
    %add3A_320 = vector.broadcast %add3A_319 : f32 to vector<128x128xf32>
    %add3A_321 = arith.addf %get3A_313, %add3A_320 : vector<128x128xf32>
    %log3A_322 = math.log %add3A_321 : vector<128x128xf32>
    %sub3A_323 = arith.constant 1.000000e+00 : f32
    %sub3A_324 = vector.broadcast %sub3A_323 : f32 to vector<128x128xf32>
    %sub3A_325 = arith.subf %sub3A_324, %get3A_313 : vector<128x128xf32>
    %add3A_326 = arith.constant 9.99999996E-13 : f32
    %add3A_327 = vector.broadcast %add3A_326 : f32 to vector<128x128xf32>
    %add3A_328 = arith.addf %sub3A_325, %add3A_327 : vector<128x128xf32>
    %log3A_329 = math.log %add3A_328 : vector<128x128xf32>
    %eq3A_330 = arith.constant 1.000000e+00 : f32
    %eq3A_331 = vector.broadcast %eq3A_330 : f32 to vector<128x128xf32>
    %eq3A_332 = arith.cmpf oeq, %get3A_318, %eq3A_331 : vector<128x128xf32>
    %sub3A_333 = arith.constant 1.000000e+00 : f32
    %sub3A_334 = vector.broadcast %sub3A_333 : f32 to vector<128x128xf32>
    %sub3A_335 = arith.subf %sub3A_334, %get3A_318 : vector<128x128xf32>
    %mul3A_336 = arith.mulf %sub3A_335, %sub3A_335 : vector<128x128xf32>
    %mul3A_337 = arith.mulf %sub3A_335, %sub3A_335 : vector<128x128xf32>
    %mul3A_338 = arith.mulf %mul3A_336, %mul3A_337 : vector<128x128xf32>
    %mul3A_339 = arith.constant 3.000000e+00 : f32
    %mul3A_340 = vector.broadcast %mul3A_339 : f32 to vector<128x128xf32>
    %mul3A_341 = arith.mulf %mul3A_340, %log3A_329 : vector<128x128xf32>
    %exp3A_342 = math.exp %mul3A_341 : vector<128x128xf32>
    %mul3A_343 = arith.mulf %log3A_322, %exp3A_342 : vector<128x128xf32>
    %mul3A_344 = arith.constant 3.000000e+00 : f32
    %mul3A_345 = vector.broadcast %mul3A_344 : f32 to vector<128x128xf32>
    %mul3A_346 = arith.mulf %mul3A_345, %log3A_322 : vector<128x128xf32>
    %exp3A_347 = math.exp %mul3A_346 : vector<128x128xf32>
    %mul3A_348 = arith.mulf %log3A_329, %exp3A_347 : vector<128x128xf32>
    %mul3A_349 = arith.mulf %mul3A_348, %mul3A_338 : vector<128x128xf32>
    %select_n3A_350 = arith.select %eq3A_332, %mul3A_343, %mul3A_349 : vector<128x128xi1>, vector<128x128xf32>
    %mul3A_351 = arith.constant 3.000000e+00 : f32
    %mul3A_352 = vector.broadcast %mul3A_351 : f32 to vector<128x128xf32>
    %mul3A_353 = arith.mulf %mul3A_352, %select_n3A_350 : vector<128x128xf32>
    %add3A_354 = arith.addf %add3A_302, %mul3A_353 : vector<128x128xf32>
    %jit3A_355 = arith.constant 1.000000e+00 : f32
    %jit3A_356 = arith.constant 0.000000e+00 : f32
    %broadcast_in_dim3A_357 = vector.broadcast %jit3A_355 : f32 to vector<128x128xf32>
    %broadcast_in_dim3A_358 = vector.broadcast %jit3A_356 : f32 to vector<128x128xf32>
    %select_n3A_359 = arith.select %eq3A_332, %broadcast_in_dim3A_357, %broadcast_in_dim3A_358 : vector<128x128xi1>, vector<128x128xf32>
    %add3A_360 = arith.addf %add3A_308, %select_n3A_359 : vector<128x128xf32>
    %get3A_361 = arith.constant 7 : index
    %get3A_362 = arith.constant 0 : index
    %get3A_363 = arith.constant 0 : index
    %get3A_364 = vector.load %arg1[%get3A_361, %get3A_362, %get3A_363] : memref<15x128x128xf32, #tpu.memory_space<vmem>>, vector<1x128x128xf32>
    %get3A_365 = vector.shape_cast %get3A_364 : vector<1x128x128xf32> to vector<128x128xf32>
    %get3A_366 = arith.constant 7 : index
    %get3A_367 = arith.constant 0 : index
    %get3A_368 = arith.constant 0 : index
    %get3A_369 = vector.load %arg2[%get3A_366, %get3A_367, %get3A_368] : memref<15x128x128xf32, #tpu.memory_space<vmem>>, vector<1x128x128xf32>
    %get3A_370 = vector.shape_cast %get3A_369 : vector<1x128x128xf32> to vector<128x128xf32>
    %add3A_371 = arith.constant 9.99999996E-13 : f32
    %add3A_372 = vector.broadcast %add3A_371 : f32 to vector<128x128xf32>
    %add3A_373 = arith.addf %get3A_365, %add3A_372 : vector<128x128xf32>
    %log3A_374 = math.log %add3A_373 : vector<128x128xf32>
    %sub3A_375 = arith.constant 1.000000e+00 : f32
    %sub3A_376 = vector.broadcast %sub3A_375 : f32 to vector<128x128xf32>
    %sub3A_377 = arith.subf %sub3A_376, %get3A_365 : vector<128x128xf32>
    %add3A_378 = arith.constant 9.99999996E-13 : f32
    %add3A_379 = vector.broadcast %add3A_378 : f32 to vector<128x128xf32>
    %add3A_380 = arith.addf %sub3A_377, %add3A_379 : vector<128x128xf32>
    %log3A_381 = math.log %add3A_380 : vector<128x128xf32>
    %eq3A_382 = arith.constant 1.000000e+00 : f32
    %eq3A_383 = vector.broadcast %eq3A_382 : f32 to vector<128x128xf32>
    %eq3A_384 = arith.cmpf oeq, %get3A_370, %eq3A_383 : vector<128x128xf32>
    %sub3A_385 = arith.constant 1.000000e+00 : f32
    %sub3A_386 = vector.broadcast %sub3A_385 : f32 to vector<128x128xf32>
    %sub3A_387 = arith.subf %sub3A_386, %get3A_370 : vector<128x128xf32>
    %mul3A_388 = arith.mulf %sub3A_387, %sub3A_387 : vector<128x128xf32>
    %mul3A_389 = arith.mulf %sub3A_387, %sub3A_387 : vector<128x128xf32>
    %mul3A_390 = arith.mulf %mul3A_388, %mul3A_389 : vector<128x128xf32>
    %mul3A_391 = arith.constant 2.500000e+00 : f32
    %mul3A_392 = vector.broadcast %mul3A_391 : f32 to vector<128x128xf32>
    %mul3A_393 = arith.mulf %mul3A_392, %log3A_381 : vector<128x128xf32>
    %exp3A_394 = math.exp %mul3A_393 : vector<128x128xf32>
    %mul3A_395 = arith.mulf %log3A_374, %exp3A_394 : vector<128x128xf32>
    %mul3A_396 = arith.constant 2.500000e+00 : f32
    %mul3A_397 = vector.broadcast %mul3A_396 : f32 to vector<128x128xf32>
    %mul3A_398 = arith.mulf %mul3A_397, %log3A_374 : vector<128x128xf32>
    %exp3A_399 = math.exp %mul3A_398 : vector<128x128xf32>
    %mul3A_400 = arith.mulf %log3A_381, %exp3A_399 : vector<128x128xf32>
    %mul3A_401 = arith.mulf %mul3A_400, %mul3A_390 : vector<128x128xf32>
    %select_n3A_402 = arith.select %eq3A_384, %mul3A_395, %mul3A_401 : vector<128x128xi1>, vector<128x128xf32>
    %mul3A_403 = arith.constant 2.500000e+00 : f32
    %mul3A_404 = vector.broadcast %mul3A_403 : f32 to vector<128x128xf32>
    %mul3A_405 = arith.mulf %mul3A_404, %select_n3A_402 : vector<128x128xf32>
    %add3A_406 = arith.addf %add3A_354, %mul3A_405 : vector<128x128xf32>
    %jit3A_407 = arith.constant 1.000000e+00 : f32
    %jit3A_408 = arith.constant 0.000000e+00 : f32
    %broadcast_in_dim3A_409 = vector.broadcast %jit3A_407 : f32 to vector<128x128xf32>
    %broadcast_in_dim3A_410 = vector.broadcast %jit3A_408 : f32 to vector<128x128xf32>
    %select_n3A_411 = arith.select %eq3A_384, %broadcast_in_dim3A_409, %broadcast_in_dim3A_410 : vector<128x128xi1>, vector<128x128xf32>
    %add3A_412 = arith.addf %add3A_360, %select_n3A_411 : vector<128x128xf32>
    %get3A_413 = arith.constant 8 : index
    %get3A_414 = arith.constant 0 : index
    %get3A_415 = arith.constant 0 : index
    %get3A_416 = vector.load %arg1[%get3A_413, %get3A_414, %get3A_415] : memref<15x128x128xf32, #tpu.memory_space<vmem>>, vector<1x128x128xf32>
    %get3A_417 = vector.shape_cast %get3A_416 : vector<1x128x128xf32> to vector<128x128xf32>
    %get3A_418 = arith.constant 8 : index
    %get3A_419 = arith.constant 0 : index
    %get3A_420 = arith.constant 0 : index
    %get3A_421 = vector.load %arg2[%get3A_418, %get3A_419, %get3A_420] : memref<15x128x128xf32, #tpu.memory_space<vmem>>, vector<1x128x128xf32>
    %get3A_422 = vector.shape_cast %get3A_421 : vector<1x128x128xf32> to vector<128x128xf32>
    %add3A_423 = arith.constant 9.99999996E-13 : f32
    %add3A_424 = vector.broadcast %add3A_423 : f32 to vector<128x128xf32>
    %add3A_425 = arith.addf %get3A_417, %add3A_424 : vector<128x128xf32>
    %log3A_426 = math.log %add3A_425 : vector<128x128xf32>
    %sub3A_427 = arith.constant 1.000000e+00 : f32
    %sub3A_428 = vector.broadcast %sub3A_427 : f32 to vector<128x128xf32>
    %sub3A_429 = arith.subf %sub3A_428, %get3A_417 : vector<128x128xf32>
    %add3A_430 = arith.constant 9.99999996E-13 : f32
    %add3A_431 = vector.broadcast %add3A_430 : f32 to vector<128x128xf32>
    %add3A_432 = arith.addf %sub3A_429, %add3A_431 : vector<128x128xf32>
    %log3A_433 = math.log %add3A_432 : vector<128x128xf32>
    %eq3A_434 = arith.constant 1.000000e+00 : f32
    %eq3A_435 = vector.broadcast %eq3A_434 : f32 to vector<128x128xf32>
    %eq3A_436 = arith.cmpf oeq, %get3A_422, %eq3A_435 : vector<128x128xf32>
    %sub3A_437 = arith.constant 1.000000e+00 : f32
    %sub3A_438 = vector.broadcast %sub3A_437 : f32 to vector<128x128xf32>
    %sub3A_439 = arith.subf %sub3A_438, %get3A_422 : vector<128x128xf32>
    %mul3A_440 = arith.mulf %sub3A_439, %sub3A_439 : vector<128x128xf32>
    %mul3A_441 = arith.mulf %sub3A_439, %sub3A_439 : vector<128x128xf32>
    %mul3A_442 = arith.mulf %mul3A_440, %mul3A_441 : vector<128x128xf32>
    %mul3A_443 = arith.constant 2.100000e+00 : f32
    %mul3A_444 = vector.broadcast %mul3A_443 : f32 to vector<128x128xf32>
    %mul3A_445 = arith.mulf %mul3A_444, %log3A_433 : vector<128x128xf32>
    %exp3A_446 = math.exp %mul3A_445 : vector<128x128xf32>
    %mul3A_447 = arith.mulf %log3A_426, %exp3A_446 : vector<128x128xf32>
    %mul3A_448 = arith.constant 2.100000e+00 : f32
    %mul3A_449 = vector.broadcast %mul3A_448 : f32 to vector<128x128xf32>
    %mul3A_450 = arith.mulf %mul3A_449, %log3A_426 : vector<128x128xf32>
    %exp3A_451 = math.exp %mul3A_450 : vector<128x128xf32>
    %mul3A_452 = arith.mulf %log3A_433, %exp3A_451 : vector<128x128xf32>
    %mul3A_453 = arith.mulf %mul3A_452, %mul3A_442 : vector<128x128xf32>
    %select_n3A_454 = arith.select %eq3A_436, %mul3A_447, %mul3A_453 : vector<128x128xi1>, vector<128x128xf32>
    %mul3A_455 = arith.constant 2.100000e+00 : f32
    %mul3A_456 = vector.broadcast %mul3A_455 : f32 to vector<128x128xf32>
    %mul3A_457 = arith.mulf %mul3A_456, %select_n3A_454 : vector<128x128xf32>
    %add3A_458 = arith.addf %add3A_406, %mul3A_457 : vector<128x128xf32>
    %jit3A_459 = arith.constant 1.000000e+00 : f32
    %jit3A_460 = arith.constant 0.000000e+00 : f32
    %broadcast_in_dim3A_461 = vector.broadcast %jit3A_459 : f32 to vector<128x128xf32>
    %broadcast_in_dim3A_462 = vector.broadcast %jit3A_460 : f32 to vector<128x128xf32>
    %select_n3A_463 = arith.select %eq3A_436, %broadcast_in_dim3A_461, %broadcast_in_dim3A_462 : vector<128x128xi1>, vector<128x128xf32>
    %add3A_464 = arith.addf %add3A_412, %select_n3A_463 : vector<128x128xf32>
    %get3A_465 = arith.constant 9 : index
    %get3A_466 = arith.constant 0 : index
    %get3A_467 = arith.constant 0 : index
    %get3A_468 = vector.load %arg1[%get3A_465, %get3A_466, %get3A_467] : memref<15x128x128xf32, #tpu.memory_space<vmem>>, vector<1x128x128xf32>
    %get3A_469 = vector.shape_cast %get3A_468 : vector<1x128x128xf32> to vector<128x128xf32>
    %get3A_470 = arith.constant 9 : index
    %get3A_471 = arith.constant 0 : index
    %get3A_472 = arith.constant 0 : index
    %get3A_473 = vector.load %arg2[%get3A_470, %get3A_471, %get3A_472] : memref<15x128x128xf32, #tpu.memory_space<vmem>>, vector<1x128x128xf32>
    %get3A_474 = vector.shape_cast %get3A_473 : vector<1x128x128xf32> to vector<128x128xf32>
    %add3A_475 = arith.constant 9.99999996E-13 : f32
    %add3A_476 = vector.broadcast %add3A_475 : f32 to vector<128x128xf32>
    %add3A_477 = arith.addf %get3A_469, %add3A_476 : vector<128x128xf32>
    %log3A_478 = math.log %add3A_477 : vector<128x128xf32>
    %sub3A_479 = arith.constant 1.000000e+00 : f32
    %sub3A_480 = vector.broadcast %sub3A_479 : f32 to vector<128x128xf32>
    %sub3A_481 = arith.subf %sub3A_480, %get3A_469 : vector<128x128xf32>
    %add3A_482 = arith.constant 9.99999996E-13 : f32
    %add3A_483 = vector.broadcast %add3A_482 : f32 to vector<128x128xf32>
    %add3A_484 = arith.addf %sub3A_481, %add3A_483 : vector<128x128xf32>
    %log3A_485 = math.log %add3A_484 : vector<128x128xf32>
    %eq3A_486 = arith.constant 1.000000e+00 : f32
    %eq3A_487 = vector.broadcast %eq3A_486 : f32 to vector<128x128xf32>
    %eq3A_488 = arith.cmpf oeq, %get3A_474, %eq3A_487 : vector<128x128xf32>
    %sub3A_489 = arith.constant 1.000000e+00 : f32
    %sub3A_490 = vector.broadcast %sub3A_489 : f32 to vector<128x128xf32>
    %sub3A_491 = arith.subf %sub3A_490, %get3A_474 : vector<128x128xf32>
    %mul3A_492 = arith.mulf %sub3A_491, %sub3A_491 : vector<128x128xf32>
    %mul3A_493 = arith.mulf %sub3A_491, %sub3A_491 : vector<128x128xf32>
    %mul3A_494 = arith.mulf %mul3A_492, %mul3A_493 : vector<128x128xf32>
    %mul3A_495 = arith.constant 2.600000e+00 : f32
    %mul3A_496 = vector.broadcast %mul3A_495 : f32 to vector<128x128xf32>
    %mul3A_497 = arith.mulf %mul3A_496, %log3A_485 : vector<128x128xf32>
    %exp3A_498 = math.exp %mul3A_497 : vector<128x128xf32>
    %mul3A_499 = arith.mulf %log3A_478, %exp3A_498 : vector<128x128xf32>
    %mul3A_500 = arith.constant 2.600000e+00 : f32
    %mul3A_501 = vector.broadcast %mul3A_500 : f32 to vector<128x128xf32>
    %mul3A_502 = arith.mulf %mul3A_501, %log3A_478 : vector<128x128xf32>
    %exp3A_503 = math.exp %mul3A_502 : vector<128x128xf32>
    %mul3A_504 = arith.mulf %log3A_485, %exp3A_503 : vector<128x128xf32>
    %mul3A_505 = arith.mulf %mul3A_504, %mul3A_494 : vector<128x128xf32>
    %select_n3A_506 = arith.select %eq3A_488, %mul3A_499, %mul3A_505 : vector<128x128xi1>, vector<128x128xf32>
    %mul3A_507 = arith.constant 2.600000e+00 : f32
    %mul3A_508 = vector.broadcast %mul3A_507 : f32 to vector<128x128xf32>
    %mul3A_509 = arith.mulf %mul3A_508, %select_n3A_506 : vector<128x128xf32>
    %add3A_510 = arith.addf %add3A_458, %mul3A_509 : vector<128x128xf32>
    %jit3A_511 = arith.constant 1.000000e+00 : f32
    %jit3A_512 = arith.constant 0.000000e+00 : f32
    %broadcast_in_dim3A_513 = vector.broadcast %jit3A_511 : f32 to vector<128x128xf32>
    %broadcast_in_dim3A_514 = vector.broadcast %jit3A_512 : f32 to vector<128x128xf32>
    %select_n3A_515 = arith.select %eq3A_488, %broadcast_in_dim3A_513, %broadcast_in_dim3A_514 : vector<128x128xi1>, vector<128x128xf32>
    %add3A_516 = arith.addf %add3A_464, %select_n3A_515 : vector<128x128xf32>
    %get3A_517 = arith.constant 10 : index
    %get3A_518 = arith.constant 0 : index
    %get3A_519 = arith.constant 0 : index
    %get3A_520 = vector.load %arg1[%get3A_517, %get3A_518, %get3A_519] : memref<15x128x128xf32, #tpu.memory_space<vmem>>, vector<1x128x128xf32>
    %get3A_521 = vector.shape_cast %get3A_520 : vector<1x128x128xf32> to vector<128x128xf32>
    %get3A_522 = arith.constant 10 : index
    %get3A_523 = arith.constant 0 : index
    %get3A_524 = arith.constant 0 : index
    %get3A_525 = vector.load %arg2[%get3A_522, %get3A_523, %get3A_524] : memref<15x128x128xf32, #tpu.memory_space<vmem>>, vector<1x128x128xf32>
    %get3A_526 = vector.shape_cast %get3A_525 : vector<1x128x128xf32> to vector<128x128xf32>
    %add3A_527 = arith.constant 9.99999996E-13 : f32
    %add3A_528 = vector.broadcast %add3A_527 : f32 to vector<128x128xf32>
    %add3A_529 = arith.addf %get3A_521, %add3A_528 : vector<128x128xf32>
    %log3A_530 = math.log %add3A_529 : vector<128x128xf32>
    %sub3A_531 = arith.constant 1.000000e+00 : f32
    %sub3A_532 = vector.broadcast %sub3A_531 : f32 to vector<128x128xf32>
    %sub3A_533 = arith.subf %sub3A_532, %get3A_521 : vector<128x128xf32>
    %add3A_534 = arith.constant 9.99999996E-13 : f32
    %add3A_535 = vector.broadcast %add3A_534 : f32 to vector<128x128xf32>
    %add3A_536 = arith.addf %sub3A_533, %add3A_535 : vector<128x128xf32>
    %log3A_537 = math.log %add3A_536 : vector<128x128xf32>
    %eq3A_538 = arith.constant 1.000000e+00 : f32
    %eq3A_539 = vector.broadcast %eq3A_538 : f32 to vector<128x128xf32>
    %eq3A_540 = arith.cmpf oeq, %get3A_526, %eq3A_539 : vector<128x128xf32>
    %sub3A_541 = arith.constant 1.000000e+00 : f32
    %sub3A_542 = vector.broadcast %sub3A_541 : f32 to vector<128x128xf32>
    %sub3A_543 = arith.subf %sub3A_542, %get3A_526 : vector<128x128xf32>
    %mul3A_544 = arith.mulf %sub3A_543, %sub3A_543 : vector<128x128xf32>
    %mul3A_545 = arith.mulf %sub3A_543, %sub3A_543 : vector<128x128xf32>
    %mul3A_546 = arith.mulf %mul3A_544, %mul3A_545 : vector<128x128xf32>
    %mul3A_547 = arith.constant 2.000000e+00 : f32
    %mul3A_548 = vector.broadcast %mul3A_547 : f32 to vector<128x128xf32>
    %mul3A_549 = arith.mulf %mul3A_548, %log3A_537 : vector<128x128xf32>
    %exp3A_550 = math.exp %mul3A_549 : vector<128x128xf32>
    %mul3A_551 = arith.mulf %log3A_530, %exp3A_550 : vector<128x128xf32>
    %mul3A_552 = arith.constant 2.000000e+00 : f32
    %mul3A_553 = vector.broadcast %mul3A_552 : f32 to vector<128x128xf32>
    %mul3A_554 = arith.mulf %mul3A_553, %log3A_530 : vector<128x128xf32>
    %exp3A_555 = math.exp %mul3A_554 : vector<128x128xf32>
    %mul3A_556 = arith.mulf %log3A_537, %exp3A_555 : vector<128x128xf32>
    %mul3A_557 = arith.mulf %mul3A_556, %mul3A_546 : vector<128x128xf32>
    %select_n3A_558 = arith.select %eq3A_540, %mul3A_551, %mul3A_557 : vector<128x128xi1>, vector<128x128xf32>
    %mul3A_559 = arith.constant 2.000000e+00 : f32
    %mul3A_560 = vector.broadcast %mul3A_559 : f32 to vector<128x128xf32>
    %mul3A_561 = arith.mulf %mul3A_560, %select_n3A_558 : vector<128x128xf32>
    %add3A_562 = arith.addf %add3A_510, %mul3A_561 : vector<128x128xf32>
    %jit3A_563 = arith.constant 1.000000e+00 : f32
    %jit3A_564 = arith.constant 0.000000e+00 : f32
    %broadcast_in_dim3A_565 = vector.broadcast %jit3A_563 : f32 to vector<128x128xf32>
    %broadcast_in_dim3A_566 = vector.broadcast %jit3A_564 : f32 to vector<128x128xf32>
    %select_n3A_567 = arith.select %eq3A_540, %broadcast_in_dim3A_565, %broadcast_in_dim3A_566 : vector<128x128xi1>, vector<128x128xf32>
    %add3A_568 = arith.addf %add3A_516, %select_n3A_567 : vector<128x128xf32>
    %get3A_569 = arith.constant 11 : index
    %get3A_570 = arith.constant 0 : index
    %get3A_571 = arith.constant 0 : index
    %get3A_572 = vector.load %arg1[%get3A_569, %get3A_570, %get3A_571] : memref<15x128x128xf32, #tpu.memory_space<vmem>>, vector<1x128x128xf32>
    %get3A_573 = vector.shape_cast %get3A_572 : vector<1x128x128xf32> to vector<128x128xf32>
    %get3A_574 = arith.constant 11 : index
    %get3A_575 = arith.constant 0 : index
    %get3A_576 = arith.constant 0 : index
    %get3A_577 = vector.load %arg2[%get3A_574, %get3A_575, %get3A_576] : memref<15x128x128xf32, #tpu.memory_space<vmem>>, vector<1x128x128xf32>
    %get3A_578 = vector.shape_cast %get3A_577 : vector<1x128x128xf32> to vector<128x128xf32>
    %add3A_579 = arith.constant 9.99999996E-13 : f32
    %add3A_580 = vector.broadcast %add3A_579 : f32 to vector<128x128xf32>
    %add3A_581 = arith.addf %get3A_573, %add3A_580 : vector<128x128xf32>
    %log3A_582 = math.log %add3A_581 : vector<128x128xf32>
    %sub3A_583 = arith.constant 1.000000e+00 : f32
    %sub3A_584 = vector.broadcast %sub3A_583 : f32 to vector<128x128xf32>
    %sub3A_585 = arith.subf %sub3A_584, %get3A_573 : vector<128x128xf32>
    %add3A_586 = arith.constant 9.99999996E-13 : f32
    %add3A_587 = vector.broadcast %add3A_586 : f32 to vector<128x128xf32>
    %add3A_588 = arith.addf %sub3A_585, %add3A_587 : vector<128x128xf32>
    %log3A_589 = math.log %add3A_588 : vector<128x128xf32>
    %eq3A_590 = arith.constant 1.000000e+00 : f32
    %eq3A_591 = vector.broadcast %eq3A_590 : f32 to vector<128x128xf32>
    %eq3A_592 = arith.cmpf oeq, %get3A_578, %eq3A_591 : vector<128x128xf32>
    %sub3A_593 = arith.constant 1.000000e+00 : f32
    %sub3A_594 = vector.broadcast %sub3A_593 : f32 to vector<128x128xf32>
    %sub3A_595 = arith.subf %sub3A_594, %get3A_578 : vector<128x128xf32>
    %mul3A_596 = arith.mulf %sub3A_595, %sub3A_595 : vector<128x128xf32>
    %mul3A_597 = arith.mulf %sub3A_595, %sub3A_595 : vector<128x128xf32>
    %mul3A_598 = arith.mulf %mul3A_596, %mul3A_597 : vector<128x128xf32>
    %mul3A_599 = arith.constant 2.100000e+00 : f32
    %mul3A_600 = vector.broadcast %mul3A_599 : f32 to vector<128x128xf32>
    %mul3A_601 = arith.mulf %mul3A_600, %log3A_589 : vector<128x128xf32>
    %exp3A_602 = math.exp %mul3A_601 : vector<128x128xf32>
    %mul3A_603 = arith.mulf %log3A_582, %exp3A_602 : vector<128x128xf32>
    %mul3A_604 = arith.constant 2.100000e+00 : f32
    %mul3A_605 = vector.broadcast %mul3A_604 : f32 to vector<128x128xf32>
    %mul3A_606 = arith.mulf %mul3A_605, %log3A_582 : vector<128x128xf32>
    %exp3A_607 = math.exp %mul3A_606 : vector<128x128xf32>
    %mul3A_608 = arith.mulf %log3A_589, %exp3A_607 : vector<128x128xf32>
    %mul3A_609 = arith.mulf %mul3A_608, %mul3A_598 : vector<128x128xf32>
    %select_n3A_610 = arith.select %eq3A_592, %mul3A_603, %mul3A_609 : vector<128x128xi1>, vector<128x128xf32>
    %mul3A_611 = arith.constant 2.100000e+00 : f32
    %mul3A_612 = vector.broadcast %mul3A_611 : f32 to vector<128x128xf32>
    %mul3A_613 = arith.mulf %mul3A_612, %select_n3A_610 : vector<128x128xf32>
    %add3A_614 = arith.addf %add3A_562, %mul3A_613 : vector<128x128xf32>
    %jit3A_615 = arith.constant 1.000000e+00 : f32
    %jit3A_616 = arith.constant 0.000000e+00 : f32
    %broadcast_in_dim3A_617 = vector.broadcast %jit3A_615 : f32 to vector<128x128xf32>
    %broadcast_in_dim3A_618 = vector.broadcast %jit3A_616 : f32 to vector<128x128xf32>
    %select_n3A_619 = arith.select %eq3A_592, %broadcast_in_dim3A_617, %broadcast_in_dim3A_618 : vector<128x128xi1>, vector<128x128xf32>
    %add3A_620 = arith.addf %add3A_568, %select_n3A_619 : vector<128x128xf32>
    %get3A_621 = arith.constant 12 : index
    %get3A_622 = arith.constant 0 : index
    %get3A_623 = arith.constant 0 : index
    %get3A_624 = vector.load %arg1[%get3A_621, %get3A_622, %get3A_623] : memref<15x128x128xf32, #tpu.memory_space<vmem>>, vector<1x128x128xf32>
    %get3A_625 = vector.shape_cast %get3A_624 : vector<1x128x128xf32> to vector<128x128xf32>
    %get3A_626 = arith.constant 12 : index
    %get3A_627 = arith.constant 0 : index
    %get3A_628 = arith.constant 0 : index
    %get3A_629 = vector.load %arg2[%get3A_626, %get3A_627, %get3A_628] : memref<15x128x128xf32, #tpu.memory_space<vmem>>, vector<1x128x128xf32>
    %get3A_630 = vector.shape_cast %get3A_629 : vector<1x128x128xf32> to vector<128x128xf32>
    %add3A_631 = arith.constant 9.99999996E-13 : f32
    %add3A_632 = vector.broadcast %add3A_631 : f32 to vector<128x128xf32>
    %add3A_633 = arith.addf %get3A_625, %add3A_632 : vector<128x128xf32>
    %log3A_634 = math.log %add3A_633 : vector<128x128xf32>
    %sub3A_635 = arith.constant 1.000000e+00 : f32
    %sub3A_636 = vector.broadcast %sub3A_635 : f32 to vector<128x128xf32>
    %sub3A_637 = arith.subf %sub3A_636, %get3A_625 : vector<128x128xf32>
    %add3A_638 = arith.constant 9.99999996E-13 : f32
    %add3A_639 = vector.broadcast %add3A_638 : f32 to vector<128x128xf32>
    %add3A_640 = arith.addf %sub3A_637, %add3A_639 : vector<128x128xf32>
    %log3A_641 = math.log %add3A_640 : vector<128x128xf32>
    %eq3A_642 = arith.constant 1.000000e+00 : f32
    %eq3A_643 = vector.broadcast %eq3A_642 : f32 to vector<128x128xf32>
    %eq3A_644 = arith.cmpf oeq, %get3A_630, %eq3A_643 : vector<128x128xf32>
    %sub3A_645 = arith.constant 1.000000e+00 : f32
    %sub3A_646 = vector.broadcast %sub3A_645 : f32 to vector<128x128xf32>
    %sub3A_647 = arith.subf %sub3A_646, %get3A_630 : vector<128x128xf32>
    %mul3A_648 = arith.mulf %sub3A_647, %sub3A_647 : vector<128x128xf32>
    %mul3A_649 = arith.mulf %sub3A_647, %sub3A_647 : vector<128x128xf32>
    %mul3A_650 = arith.mulf %mul3A_648, %mul3A_649 : vector<128x128xf32>
    %mul3A_651 = arith.constant 2.700000e+00 : f32
    %mul3A_652 = vector.broadcast %mul3A_651 : f32 to vector<128x128xf32>
    %mul3A_653 = arith.mulf %mul3A_652, %log3A_641 : vector<128x128xf32>
    %exp3A_654 = math.exp %mul3A_653 : vector<128x128xf32>
    %mul3A_655 = arith.mulf %log3A_634, %exp3A_654 : vector<128x128xf32>
    %mul3A_656 = arith.constant 2.700000e+00 : f32
    %mul3A_657 = vector.broadcast %mul3A_656 : f32 to vector<128x128xf32>
    %mul3A_658 = arith.mulf %mul3A_657, %log3A_634 : vector<128x128xf32>
    %exp3A_659 = math.exp %mul3A_658 : vector<128x128xf32>
    %mul3A_660 = arith.mulf %log3A_641, %exp3A_659 : vector<128x128xf32>
    %mul3A_661 = arith.mulf %mul3A_660, %mul3A_650 : vector<128x128xf32>
    %select_n3A_662 = arith.select %eq3A_644, %mul3A_655, %mul3A_661 : vector<128x128xi1>, vector<128x128xf32>
    %mul3A_663 = arith.constant 2.700000e+00 : f32
    %mul3A_664 = vector.broadcast %mul3A_663 : f32 to vector<128x128xf32>
    %mul3A_665 = arith.mulf %mul3A_664, %select_n3A_662 : vector<128x128xf32>
    %add3A_666 = arith.addf %add3A_614, %mul3A_665 : vector<128x128xf32>
    %jit3A_667 = arith.constant 1.000000e+00 : f32
    %jit3A_668 = arith.constant 0.000000e+00 : f32
    %broadcast_in_dim3A_669 = vector.broadcast %jit3A_667 : f32 to vector<128x128xf32>
    %broadcast_in_dim3A_670 = vector.broadcast %jit3A_668 : f32 to vector<128x128xf32>
    %select_n3A_671 = arith.select %eq3A_644, %broadcast_in_dim3A_669, %broadcast_in_dim3A_670 : vector<128x128xi1>, vector<128x128xf32>
    %add3A_672 = arith.addf %add3A_620, %select_n3A_671 : vector<128x128xf32>
    %get3A_673 = arith.constant 13 : index
    %get3A_674 = arith.constant 0 : index
    %get3A_675 = arith.constant 0 : index
    %get3A_676 = vector.load %arg1[%get3A_673, %get3A_674, %get3A_675] : memref<15x128x128xf32, #tpu.memory_space<vmem>>, vector<1x128x128xf32>
    %get3A_677 = vector.shape_cast %get3A_676 : vector<1x128x128xf32> to vector<128x128xf32>
    %get3A_678 = arith.constant 13 : index
    %get3A_679 = arith.constant 0 : index
    %get3A_680 = arith.constant 0 : index
    %get3A_681 = vector.load %arg2[%get3A_678, %get3A_679, %get3A_680] : memref<15x128x128xf32, #tpu.memory_space<vmem>>, vector<1x128x128xf32>
    %get3A_682 = vector.shape_cast %get3A_681 : vector<1x128x128xf32> to vector<128x128xf32>
    %add3A_683 = arith.constant 9.99999996E-13 : f32
    %add3A_684 = vector.broadcast %add3A_683 : f32 to vector<128x128xf32>
    %add3A_685 = arith.addf %get3A_677, %add3A_684 : vector<128x128xf32>
    %log3A_686 = math.log %add3A_685 : vector<128x128xf32>
    %sub3A_687 = arith.constant 1.000000e+00 : f32
    %sub3A_688 = vector.broadcast %sub3A_687 : f32 to vector<128x128xf32>
    %sub3A_689 = arith.subf %sub3A_688, %get3A_677 : vector<128x128xf32>
    %add3A_690 = arith.constant 9.99999996E-13 : f32
    %add3A_691 = vector.broadcast %add3A_690 : f32 to vector<128x128xf32>
    %add3A_692 = arith.addf %sub3A_689, %add3A_691 : vector<128x128xf32>
    %log3A_693 = math.log %add3A_692 : vector<128x128xf32>
    %eq3A_694 = arith.constant 1.000000e+00 : f32
    %eq3A_695 = vector.broadcast %eq3A_694 : f32 to vector<128x128xf32>
    %eq3A_696 = arith.cmpf oeq, %get3A_682, %eq3A_695 : vector<128x128xf32>
    %sub3A_697 = arith.constant 1.000000e+00 : f32
    %sub3A_698 = vector.broadcast %sub3A_697 : f32 to vector<128x128xf32>
    %sub3A_699 = arith.subf %sub3A_698, %get3A_682 : vector<128x128xf32>
    %mul3A_700 = arith.mulf %sub3A_699, %sub3A_699 : vector<128x128xf32>
    %mul3A_701 = arith.mulf %sub3A_699, %sub3A_699 : vector<128x128xf32>
    %mul3A_702 = arith.mulf %mul3A_700, %mul3A_701 : vector<128x128xf32>
    %mul3A_703 = arith.constant 2.400000e+00 : f32
    %mul3A_704 = vector.broadcast %mul3A_703 : f32 to vector<128x128xf32>
    %mul3A_705 = arith.mulf %mul3A_704, %log3A_693 : vector<128x128xf32>
    %exp3A_706 = math.exp %mul3A_705 : vector<128x128xf32>
    %mul3A_707 = arith.mulf %log3A_686, %exp3A_706 : vector<128x128xf32>
    %mul3A_708 = arith.constant 2.400000e+00 : f32
    %mul3A_709 = vector.broadcast %mul3A_708 : f32 to vector<128x128xf32>
    %mul3A_710 = arith.mulf %mul3A_709, %log3A_686 : vector<128x128xf32>
    %exp3A_711 = math.exp %mul3A_710 : vector<128x128xf32>
    %mul3A_712 = arith.mulf %log3A_693, %exp3A_711 : vector<128x128xf32>
    %mul3A_713 = arith.mulf %mul3A_712, %mul3A_702 : vector<128x128xf32>
    %select_n3A_714 = arith.select %eq3A_696, %mul3A_707, %mul3A_713 : vector<128x128xi1>, vector<128x128xf32>
    %mul3A_715 = arith.constant 2.400000e+00 : f32
    %mul3A_716 = vector.broadcast %mul3A_715 : f32 to vector<128x128xf32>
    %mul3A_717 = arith.mulf %mul3A_716, %select_n3A_714 : vector<128x128xf32>
    %add3A_718 = arith.addf %add3A_666, %mul3A_717 : vector<128x128xf32>
    %jit3A_719 = arith.constant 1.000000e+00 : f32
    %jit3A_720 = arith.constant 0.000000e+00 : f32
    %broadcast_in_dim3A_721 = vector.broadcast %jit3A_719 : f32 to vector<128x128xf32>
    %broadcast_in_dim3A_722 = vector.broadcast %jit3A_720 : f32 to vector<128x128xf32>
    %select_n3A_723 = arith.select %eq3A_696, %broadcast_in_dim3A_721, %broadcast_in_dim3A_722 : vector<128x128xi1>, vector<128x128xf32>
    %add3A_724 = arith.addf %add3A_672, %select_n3A_723 : vector<128x128xf32>
    %get3A_725 = arith.constant 14 : index
    %get3A_726 = arith.constant 0 : index
    %get3A_727 = arith.constant 0 : index
    %get3A_728 = vector.load %arg1[%get3A_725, %get3A_726, %get3A_727] : memref<15x128x128xf32, #tpu.memory_space<vmem>>, vector<1x128x128xf32>
    %get3A_729 = vector.shape_cast %get3A_728 : vector<1x128x128xf32> to vector<128x128xf32>
    %get3A_730 = arith.constant 14 : index
    %get3A_731 = arith.constant 0 : index
    %get3A_732 = arith.constant 0 : index
    %get3A_733 = vector.load %arg2[%get3A_730, %get3A_731, %get3A_732] : memref<15x128x128xf32, #tpu.memory_space<vmem>>, vector<1x128x128xf32>
    %get3A_734 = vector.shape_cast %get3A_733 : vector<1x128x128xf32> to vector<128x128xf32>
    %add3A_735 = arith.constant 9.99999996E-13 : f32
    %add3A_736 = vector.broadcast %add3A_735 : f32 to vector<128x128xf32>
    %add3A_737 = arith.addf %get3A_729, %add3A_736 : vector<128x128xf32>
    %log3A_738 = math.log %add3A_737 : vector<128x128xf32>
    %sub3A_739 = arith.constant 1.000000e+00 : f32
    %sub3A_740 = vector.broadcast %sub3A_739 : f32 to vector<128x128xf32>
    %sub3A_741 = arith.subf %sub3A_740, %get3A_729 : vector<128x128xf32>
    %add3A_742 = arith.constant 9.99999996E-13 : f32
    %add3A_743 = vector.broadcast %add3A_742 : f32 to vector<128x128xf32>
    %add3A_744 = arith.addf %sub3A_741, %add3A_743 : vector<128x128xf32>
    %log3A_745 = math.log %add3A_744 : vector<128x128xf32>
    %eq3A_746 = arith.constant 1.000000e+00 : f32
    %eq3A_747 = vector.broadcast %eq3A_746 : f32 to vector<128x128xf32>
    %eq3A_748 = arith.cmpf oeq, %get3A_734, %eq3A_747 : vector<128x128xf32>
    %sub3A_749 = arith.constant 1.000000e+00 : f32
    %sub3A_750 = vector.broadcast %sub3A_749 : f32 to vector<128x128xf32>
    %sub3A_751 = arith.subf %sub3A_750, %get3A_734 : vector<128x128xf32>
    %mul3A_752 = arith.mulf %sub3A_751, %sub3A_751 : vector<128x128xf32>
    %mul3A_753 = arith.mulf %sub3A_751, %sub3A_751 : vector<128x128xf32>
    %mul3A_754 = arith.mulf %mul3A_752, %mul3A_753 : vector<128x128xf32>
    %mul3A_755 = arith.constant 2.200000e+00 : f32
    %mul3A_756 = vector.broadcast %mul3A_755 : f32 to vector<128x128xf32>
    %mul3A_757 = arith.mulf %mul3A_756, %log3A_745 : vector<128x128xf32>
    %exp3A_758 = math.exp %mul3A_757 : vector<128x128xf32>
    %mul3A_759 = arith.mulf %log3A_738, %exp3A_758 : vector<128x128xf32>
    %mul3A_760 = arith.constant 2.200000e+00 : f32
    %mul3A_761 = vector.broadcast %mul3A_760 : f32 to vector<128x128xf32>
    %mul3A_762 = arith.mulf %mul3A_761, %log3A_738 : vector<128x128xf32>
    %exp3A_763 = math.exp %mul3A_762 : vector<128x128xf32>
    %mul3A_764 = arith.mulf %log3A_745, %exp3A_763 : vector<128x128xf32>
    %mul3A_765 = arith.mulf %mul3A_764, %mul3A_754 : vector<128x128xf32>
    %select_n3A_766 = arith.select %eq3A_748, %mul3A_759, %mul3A_765 : vector<128x128xi1>, vector<128x128xf32>
    %mul3A_767 = arith.constant 2.200000e+00 : f32
    %mul3A_768 = vector.broadcast %mul3A_767 : f32 to vector<128x128xf32>
    %mul3A_769 = arith.mulf %mul3A_768, %select_n3A_766 : vector<128x128xf32>
    %add3A_770 = arith.addf %add3A_718, %mul3A_769 : vector<128x128xf32>
    %jit3A_771 = arith.constant 1.000000e+00 : f32
    %jit3A_772 = arith.constant 0.000000e+00 : f32
    %broadcast_in_dim3A_773 = vector.broadcast %jit3A_771 : f32 to vector<128x128xf32>
    %broadcast_in_dim3A_774 = vector.broadcast %jit3A_772 : f32 to vector<128x128xf32>
    %select_n3A_775 = arith.select %eq3A_748, %broadcast_in_dim3A_773, %broadcast_in_dim3A_774 : vector<128x128xi1>, vector<128x128xf32>
    %add3A_776 = arith.addf %add3A_724, %select_n3A_775 : vector<128x128xf32>
    %get3A_777 = arith.constant 0 : index
    %get3A_778 = memref.load %arg4[%get3A_777] : memref<2xf32, #tpu.memory_space<smem>>
    %reduce_sum3A = vector.shape_cast %add3A_770 : vector<128x128xf32> to vector<1x128x128xf32>
    %reduce_sum3A_779 = arith.constant dense<0.000000e+00> : vector<1xf32>
    %reduce_sum3A_780 = vector.multi_reduction <add>, %reduce_sum3A, %reduce_sum3A_779 [1, 2] : vector<1x128x128xf32> to vector<1xf32>
    %reduce_sum3A_781 = vector.shape_cast %reduce_sum3A_780 : vector<1xf32> to vector<1x1x1xf32>
    %reduce_sum3A_782 = vector.extract %reduce_sum3A_781[0, 0, 0] : f32 from vector<1x1x1xf32>
    %mul3A_783 = arith.constant 5.000000e-01 : f32
    %mul3A_784 = arith.mulf %mul3A_783, %reduce_sum3A_782 : f32
    %sub3A_785 = arith.subf %get3A_778, %mul3A_784 : f32
    %swap3A = arith.constant 0 : index
    %swap3A_786 = memref.load %arg4[%swap3A] : memref<2xf32, #tpu.memory_space<smem>>
    memref.store %sub3A_785, %arg4[%swap3A] : memref<2xf32, #tpu.memory_space<smem>>
    %get3A_787 = arith.constant 1 : index
    %get3A_788 = memref.load %arg4[%get3A_787] : memref<2xf32, #tpu.memory_space<smem>>
    %reduce_sum3A_789 = vector.shape_cast %add3A_776 : vector<128x128xf32> to vector<1x128x128xf32>
    %reduce_sum3A_790 = arith.constant dense<0.000000e+00> : vector<1xf32>
    %reduce_sum3A_791 = vector.multi_reduction <add>, %reduce_sum3A_789, %reduce_sum3A_790 [1, 2] : vector<1x128x128xf32> to vector<1xf32>
    %reduce_sum3A_792 = vector.shape_cast %reduce_sum3A_791 : vector<1xf32> to vector<1x1x1xf32>
    %reduce_sum3A_793 = vector.extract %reduce_sum3A_792[0, 0, 0] : f32 from vector<1x1x1xf32>
    %add3A_794 = arith.addf %get3A_788, %reduce_sum3A_793 : f32
    %swap3A_795 = arith.constant 1 : index
    %swap3A_796 = memref.load %arg4[%swap3A_795] : memref<2xf32, #tpu.memory_space<smem>>
    memref.store %add3A_794, %arg4[%swap3A_795] : memref<2xf32, #tpu.memory_space<smem>>
    %eq3A_797 = arith.constant 3 : i32
    %eq3A_798 = arith.cmpi eq, %arg0, %eq3A_797 : i32
    %convert_element_type3A_799 = arith.extui %eq3A_798 : i1 to i32
    %cond3A_800 = arith.constant 0 : i32
    %cond3A_801 = arith.cmpi ne, %convert_element_type3A_799, %cond3A_800 : i32
    scf.if %cond3A_801 {
      %get3A_802 = arith.constant 0 : index
      %get3A_803 = memref.load %arg4[%get3A_802] : memref<2xf32, #tpu.memory_space<smem>>
      %swap3A_804 = arith.constant 0 : index
      %swap3A_805 = arith.constant 0 : index
      %swap3A_806 = memref.load %arg3[%swap3A_804, %swap3A_805] : memref<1x2xf32, #tpu.memory_space<smem>>
      memref.store %get3A_803, %arg3[%swap3A_804, %swap3A_805] : memref<1x2xf32, #tpu.memory_space<smem>>
      %get3A_807 = arith.constant 1 : index
      %get3A_808 = memref.load %arg4[%get3A_807] : memref<2xf32, #tpu.memory_space<smem>>
      %swap3A_809 = arith.constant 0 : index
      %swap3A_810 = arith.constant 1 : index
      %swap3A_811 = memref.load %arg3[%swap3A_809, %swap3A_810] : memref<1x2xf32, #tpu.memory_space<smem>>
      memref.store %get3A_808, %arg3[%swap3A_809, %swap3A_810] : memref<1x2xf32, #tpu.memory_space<smem>>
    } else {
    }
    return
  }
  func.func @transform_0(%arg0: i32) -> (i32, i32, i32) {
    %c0_i32 = arith.constant 0 : i32
    %c0_i32_0 = arith.constant 0 : i32
    %c0_i32_1 = arith.constant 0 : i32
    return %arg0, %c0_i32, %c0_i32_0 : i32, i32, i32
  }
  func.func @transform_1(%arg0: i32) -> (i32, i32, i32) {
    %c0_i32 = arith.constant 0 : i32
    %c0_i32_0 = arith.constant 0 : i32
    %c0_i32_1 = arith.constant 0 : i32
    return %arg0, %c0_i32, %c0_i32_0 : i32, i32, i32
  }
  func.func @transform_2(%arg0: i32) -> (i32, i32) {
    %c0_i32 = arith.constant 0 : i32
    %c0_i32_0 = arith.constant 0 : i32
    %c0_i32_1 = arith.constant 0 : i32
    return %c0_i32, %c0_i32_0 : i32, i32
  }
}

</mosaic_0001>

<sc_bundles>
// kernel: kernel.5.cloned.1.call-start
scs
__scs_entry_jumppad:
0x0: {  	(pc) =	sbr.rel $0x88, $3  }
0x1: {  	(tag) =	ssettag $0x0;
	lr =	simm.s32 $0x1  }
0x2: {  	[smem:$0x3F9A] =	sst lr;
	_ =	strace $0xD0000000  }
0x3: {  	_ = 	snop  }
0x4: {  	_ = 	snop  }
0x5: {  	_ = 	snop  }
0x6: {  	_ = 	snop  }
0x7: {  	_ = 	snop  }
__scs_overlays_trampoline_lowered:
0x8: {  	[smem:$0x3FA9] =	sst s0  }
0x9: {  	[smem:$0x3FAA] =	sst s1  }
0xa: {  	[smem:$0x3FAB] =	sst s2  }
0xb: {  	[smem:$0x3FAC] =	sst s3  }
0xc: {  	[smem:$0x3FAD] =	sst s4  }
0xd: {  	[smem:$0x3FAE] =	sst s5  }
0xe: {  	[smem:$0x3FAF] =	sst s6  }
0xf: {  	[smem:$0x3FB0] =	sst s7  }
0x10: {  	[smem:$0x3FB1] =	sst s8  }
0x11: {  	[smem:$0x3FB2] =	sst s9;
	s0 =	simm.s32 @!p0 $0x0  }
0x12: {  	s1 =	sld [smem:$0x3F98];
	s0 =	simm.s32 @p0 $0x1  }
0x13: {  	[smem:$0x3FB3] =	sst s0;
	s0 =	simm.s32 @!p1 $0x0  }
0x14: {  	s2 =	sld [smem:$0x3F97];
	s0 =	simm.s32 @p1 $0x1  }
0x15: {  	[smem:$0x3FB4] =	sst s0;
	s0 =	simm.s32 @!p2 $0x0  }
0x16: {  	s3 =	sld [smem:$0x3FDB];
	s0 =	simm.s32 @p2 $0x1  }
0x17: {  	s4 =	simm.s32 $0x1BF5;
	[smem:$0x3FB6] =	sst s0  }
0x18: {  	s0 =	sld [smem:$0x3F99];
	_ =	swait.ge [sflag:s4], $0x0  }
0x19: {  	s7 =	sld [smem:$0x3F9A]  }
0x1a: {  	s8 =	sadd.s32 $0xFFFFE003, lr  }
0x1b: {  	s9 =	sadd.s32 $0xFFFFFEF7, lr;
	s5 =	simm.s32 $0xFFFFFFFF;
	p2 =	slt.u32 s8, $0xFFFFF086  }
0x1c: {  	p1 =	slt.u32 s9, $0xF7A;
	s5 =	simm.s32 @!p2 $0x0  }
0x1d: {  	s5 =	simm.s32 @p1 $0x1;
	p0 =	seq.s32 s7, s2  }
0x1e: {  	s7 =	smul.u32 @!p0 $0xF7A, s2;
	p2 =	seq.s32 @!p0 s5, $0x0  }
0x1f: {  	s9 =	smul.u32 $0xF7A, s1;
	s8 =	simm.s32 @!p0 $0x1BF5;
	p2 =	por !p2, p0  }
0x20: {  	[sflag:s8] =	ssyncset.s32 @!p0 $0xFFFFF086;
	s6 =	sadd.s32 @!p0 s3, s7;
	s7 =	simm.s32 @!p0 $0x108  }
0x21: {  	s3 =	sadd.s32 s3, s9;
	s6 =	sadd.s32 @!p0 $0x88, s6;
	s7 =	simm.s32 @p2 $0x1082  }
0x22: {  	[simem:s7], [sflag:s8] =	dma.local @!p0 [hbm:s6], $0xF7A  }
0x23: {  	s9 =	sor.u32 $0xD0000000, s2;
	s6 =	simm.s32 $0x108;
	_ =	swait.ge @!p0 [sflag:s8], $0x0  }
0x24: {  	s3 =	sadd.s32 $0x88, s3;
	s6 =	simm.s32 @!p1 $0x1082;
	[sflag:s4] =	ssyncset.s32 $0xFFFFF086  }
0x25: {  	[simem:s6], [sflag:s4] =	dma.local [hbm:s3], $0xF7A  }
0x26: {  	[smem:$0x3F9A] =	sst s1;
	(tag) =	ssettag s2;
	_ =	strace s9  }
0x27: {  	s1 =	sld [smem:$0x3FAA]  }
0x28: {  	s2 =	sld [smem:$0x3FAB]  }
0x29: {  	s4 =	sld [smem:$0x3FAD]  }
0x2a: {  	p0 =	seq.s32 s5, $0x0;
	s5 =	sld [smem:$0x3FAE]  }
0x2b: {  	s6 =	sld [smem:$0x3FAF]  }
0x2c: {  	s7 =	sld [smem:$0x3FB0]  }
0x2d: {  	s3 =	simm.s32 $0x108;
	s8 =	sld [smem:$0x3FB1]  }
0x2e: {  	s3 =	simm.s32 @!p0 $0x1082;
	s9 =	sld [smem:$0x3FB2]  }
0x2f: {  	lr =	sadd.s32 s0, s3;
	s0 =	sld [smem:$0x3FA9]  }
0x30: {  	s3 =	sld [smem:$0x3FAC]  }
0x31: {  	[smem:$0x3FB5] =	sst s10  }
0x32: {  	s10 =	sld [smem:$0x3FB3];
	_ =	sdelay $0x3  }
0x33: {  	p0 =	seq.s32 s10, $0x1;
	s10 =	sld [smem:$0x3FB5];
	_ =	sdelay $0x3  }
0x34: {  	[smem:$0x3FB5] =	sst s10  }
0x35: {  	s10 =	sld [smem:$0x3FB4];
	_ =	sdelay $0x3  }
0x36: {  	p1 =	seq.s32 s10, $0x1;
	s10 =	sld [smem:$0x3FB5];
	_ =	sdelay $0x3  }
0x37: {  	[smem:$0x3FB5] =	sst s10  }
0x38: {  	s10 =	sld [smem:$0x3FB6]  }
0x39: {  	_ = 	snop;
	(pc) =	sbr.ind lr, $3  }
0x3a: {  	_ = 	snop  }
0x3b: {  	_ = 	snop  }
0x3c: {  	p2 =	seq.s32 s10, $0x1;
	s10 =	sld [smem:$0x3FB5]  }
0x3d: {  	_ =	shalt  }
0x3e: {  	_ =	shalt  }
0x3f: {  	_ =	shalt  }
0x40: {  	_ =	shalt  }
0x41: {  	_ =	shalt  }
0x42: {  	_ =	shalt  }
0x43: {  	_ =	shalt  }
0x44: {  	_ =	shalt  }
0x45: {  	_ =	shalt  }
0x46: {  	_ =	shalt  }
0x47: {  	_ =	shalt  }
0x48: {  	_ =	shalt  }
0x49: {  	_ =	shalt  }
0x4a: {  	_ =	shalt  }
0x4b: {  	_ =	shalt  }
0x4c: {  	_ =	shalt  }
0x4d: {  	_ =	shalt  }
0x4e: {  	_ =	shalt  }
0x4f: {  	_ =	shalt  }
0x50: {  	_ =	shalt  }
0x51: {  	_ =	shalt  }
0x52: {  	_ =	shalt  }
0x53: {  	_ =	shalt  }
0x54: {  	_ =	shalt  }
0x55: {  	_ =	shalt  }
0x56: {  	_ =	shalt  }
0x57: {  	_ =	shalt  }
0x58: {  	_ =	shalt  }
0x59: {  	_ =	shalt  }
0x5a: {  	_ =	shalt  }
0x5b: {  	_ =	shalt  }
0x5c: {  	_ =	shalt  }
0x5d: {  	_ =	shalt  }
0x5e: {  	_ =	shalt  }
0x5f: {  	_ =	shalt  }
0x60: {  	_ =	shalt  }
0x61: {  	_ =	shalt  }
0x62: {  	_ =	shalt  }
0x63: {  	_ =	shalt  }
0x64: {  	_ =	shalt  }
0x65: {  	_ =	shalt  }
0x66: {  	_ =	shalt  }
0x67: {  	_ =	shalt  }
0x68: {  	_ =	shalt  }
0x69: {  	_ =	shalt  }
0x6a: {  	_ =	shalt  }
0x6b: {  	_ =	shalt  }
0x6c: {  	_ =	shalt  }
0x6d: {  	_ =	shalt  }
0x6e: {  	_ =	shalt  }
0x6f: {  	_ =	shalt  }
0x70: {  	_ =	shalt  }
0x71: {  	_ =	shalt  }
0x72: {  	_ =	shalt  }
0x73: {  	_ =	shalt  }
0x74: {  	_ =	shalt  }
0x75: {  	_ =	shalt  }
0x76: {  	_ =	shalt  }
0x77: {  	_ =	shalt  }
0x78: {  	_ =	shalt  }
0x79: {  	_ =	shalt  }
0x7a: {  	_ =	shalt  }
0x7b: {  	_ =	shalt  }
0x7c: {  	_ =	shalt  }
0x7d: {  	_ =	shalt  }
0x7e: {  	_ =	shalt  }
0x7f: {  	_ =	shalt  }
0x80: {  	_ =	shalt  }
0x81: {  	_ =	shalt  }
0x82: {  	_ =	shalt  }
0x83: {  	_ =	shalt  }
0x84: {  	_ =	shalt  }
0x85: {  	_ =	shalt  }
0x86: {  	_ =	shalt  }
0x87: {  	_ =	shalt  }
.Lfunc_end0:
.L_simem_size_0:
called_computation_lowered:
.L_overlay_start_0:
0x88: {  	s0 =	sld [smem:$0x3FD9]  }
0x89: {  	s1 =	sld [smem:$0x3FFE];
	_ =	sdelay $0x3  }
0x8a: {  	s0 =	sadd.s32 s1, s0  }
0x8b: {  	[smem:$0x3FC1] =	sst s0  }
0x8c: {  	_ = 	snop  }
0x8d: {  	s0 =	sld [smem:$0x3FC9]  }
0x8e: {  	s16 =	sld [smem:$0x3FC8]  }
0x8f: {  	s2 =	sld [smem:$0x3FC7]  }
0x90: {  	s3 =	sld [smem:$0x3FD0];
	(tm) =	ssettm $0x1  }
0x91: {  	s4 =	sld [smem:$0x3FFB];
	_ =	sdelay $0x3  }
0x92: {  	_ =	strace s4  }
0x93: {  	s4 =	sld [smem:$0x3FFC];
	_ =	sdelay $0x3  }
0x94: {  	_ =	strace s4  }
0x95: {  	s4 =	sld [smem:$0x3FFD];
	_ =	sdelay $0x3  }
0x96: {  	_ =	strace s4  }
0x97: {  	_ =	strace $0x8FFFFFFF  }
0x98: {  	s17 =	sld [smem:$0x3FDB];
	_ =	sdelay $0x1  }
0x99: {  	s5 =	simm.s32 $_scs_section_size  }
0x9a: {  	s6 =	simm.s32 $_size__tile_overlayer_lowered;
	s7 =	simm.s32 $_tile_overlayer_lowered  }
0x9b: {  	s20 =	simm.s32 $0x1BFF;
	s19 =	sshll.u32 s7, $0x1;
	s4 =	sadd.s32 s5, s17  }
0x9c: {  	s8 =	simm.s32 $0x0;
	s18 =	sshll.u32 s6, $0x1;
	s6 =	sadd.s32 s19, s4  }
0x9d: {  	[timem:s8], [sflag:s20] =	dma.local [hbm:s6], s18  }
0x9e: {  	_ =	swait.ge [sflag:s20], s18  }
0x9f: {  	s5 =	ssub.s32 $0x0, s18;
	[sflag:s20] =	ssyncset.done $0x0  }
0xa0: {  	[sflag:s20] =	ssyncadd.s32 s5;
	_ =	sdelay $0x1  }
0xa1: {  	s21 =	simm.s32 $0x1B8B  }
0xa2: {  	_ =	swait.ge [sflag:s21], $0x1  }
0xa3: {  	[sflag:s21] =	ssyncset.done $0x0  }
0xa4: {  	s23 =	simm.s32 $0x1B8E;
	s22 =	sld [smem:$0x3FFE];
	[sflag:s21] =	ssyncadd.s32 $0xFFFFFFFF  }
0xa5: {  	s24 =	simm.s32 $execute0_lowered;
	[smem:$0x3FD2] =	sst s23  }
0xa6: {  	s6 =	sshll.u32 s24, $0x1;
	_ =	strace $0x80000046;
	[dreg:$0x1] =	wrdreg $0xFFFFFFFF  }
0xa7: {  	s25 =	simm.s32 $_size_execute0_lowered;
	s4 =	sadd.s32 s4, s6;
	[dreg:$0x0] =	wrdreg $0x0  }
0xa8: {  	s6 =	sshll.u32 s25, $0x1;
	[dreg:$0x2] =	wrdreg s4  }
0xa9: {  	[dreg:$0x3] =	wrdreg s6  }
0xaa: {  	[dreg:$0x4] =	wrdreg $0xC0  }
0xab: {  	_ =	task [dreg:s8], $0x5FFFF  }
0xac: {  	[dreg:$0x1] =	wrdreg $0xFFFFFFFF  }
0xad: {  	[dreg:$0x0] =	wrdreg $0x60  }
0xae: {  	[dreg:$0x2] =	wrdreg s2  }
0xaf: {  	[dreg:$0x3] =	wrdreg s0  }
0xb0: {  	[dreg:$0x4] =	wrdreg s16  }
0xb1: {  	[dreg:$0x5] =	wrdreg s3  }
0xb2: {  	[dreg:$0x6] =	wrdreg s22  }
0xb3: {  	[dreg:$0x7] =	wrdreg $0x9  }
0xb4: {  	_ =	task.clear_ibuf [dreg:s8], $0x8FFFF;
	_ =	strace $0x90000046  }
0xb5: {  	s26 =	simm.s32 $0x9;
	_ =	strace $0x80000048  }
0xb6: {  	_ =	swait.ge [sflag:s26], $0x1  }
0xb7: {  	[sflag:s26] =	ssyncadd.s32 $0xFFFFFFFF  }
0xb8: {  	_ =	strace $0x90000048  }
0xb9: {  	_ =	sfence  }
0xba: {  	s28 =	sld [smem:$0x0];
	_ =	sdelay $0x1  }
0xbb: {  	s29 =	srdreg.scid  }
0xbc: {  	s30 =	sshll.u32 s29, $0xD;
	s31 =	sshrl.u32 s29, $0x2  }
0xbd: {  	s1 =	sand.u32 $0x1, s29;
	s2 =	sand.u32 $0x4000, s30;
	s0 =	sadd.s32 s31, s28  }
0xbe: {  	s1 =	sor.u32 s2, s1;
	s0 =	sshll.u32 s0, $0x11  }
0xbf: {  	s0 =	sor.u32 s0, s1  }
0xc0: {  	s0 =	sadd.s32 $0x8F2B, s0  }
0xc1: {  	[sflag:s0] =	ssyncadd.remote.s32 $0x1  }
0xc2: {  	_ =	sfence.sel $0xFFFF  }
0xc3: {  	[dreg:$0x0] =	wrdreg $0xFFFFFFFF;
	(pc) =	sbr.abs _section_cstart, $3  }
0xc4: {  	[dreg:$0x1] =	wrdreg $0xFFFFFFFF  }
0xc5: {  	_ =	task.clear_ibuf [dreg:s8], $0x2FFFF;
	_ =	strace $0x9FFFFFFF  }
0xc6: {  	(tm) =	ssettm $0x7FFFFFFF  }
0xc7: {  	_ =	shalt  }
tec
execute0_lowered:
.L_overlay_start_1:
0x0: {  	(tag) =	ssettag $0x1  }
0x1: {  	s8 =	rddreg [dreg:$0x0]  }
0x2: {  	s6 =	rddreg [dreg:$0x1]  }
0x3: {  	s5 =	rddreg [dreg:$0x2]  }
0x4: {  	s3 =	rddreg [dreg:$0x3]  }
0x5: {  	s1 =	rddreg [dreg:$0x4];
	s2 =	stileid.u32  }
0x6: {  	s0 =	rddreg [dreg:$0x5];
	_ =	strace $0x80000047;
	p0 =	sne.s32 s2, $0x0  }
0x7: {  	_ =	sfence.sel @p0 $0x180000  }
0x8: {  	[bflag:$0x0] =	sbarrier.arrive @p0 $0xFFFF  }
0x9: {  	_ =	strace @p0 $0x90000047  }
0xa: {  	[bflag:$0x2] =	sbarrier.arrive @p0 $0xFFFF  }
0xb: {  	_ =	shalt @p0  }
.LBB2_1:
0xc: {  	s2 =	simm.s32 $0x0  }
0xd: {  	[tilespmem:s2], [sflag:$0x1] =	stream.linear.gather [hbm4b:s3+s2], $0x80, $0x38;
	[tilespmem:$0xD80] =	vst v63  }
0xe: {  	s16 =	sadd.s32 $0xA00, s1;
	s7 =	simm.s32 $0x80  }
0xf: {  	[tilespmem:s7], [sflag:$0x2] =	stream.linear.gather [hbm4b:s16+s2], $0x180, $0x38;
	[tilespmem:$0xD80] =	vst v63  }
0x10: {  	s17 =	sadd.s32 $0xE00, s1;
	s4 =	simm.s32 $0x200  }
0x11: {  	[tilespmem:s4], [sflag:$0x3] =	stream.linear.gather [hbm4b:s17+s2], $0x80, $0x38;
	[tilespmem:$0xD80] =	vst v63  }
0x12: {  	s18 =	sadd.s32 $0xC00, s1;
	s19 =	simm.s32 $0x280;
	v0 =	vlaneseq.u32;
	s20 =	simm.s32 $0x1  }
0x13: {  	[tilespmem:s19], [sflag:$0x3] =	stream.linear.gather [hbm4b:s18+s2], $0x100, $0x38;
	[tilespmem:$0xD80] =	vst v63  }
0x14: {  	_ =	swait.ge [sflag:s20], $0x80  }
0x15: {  	[sflag:s20] =	ssyncset.done $0x0  }
0x16: {  	[sflag:s20] =	ssyncadd.s32 $0xFFFFFF80  }
0x17: {  	v1 =	vld.idx.msk [tilespmem:v0+s2+$0x0], $0xffff;
	_ =	sdelay $0x1  }
0x18: {  	v2 =	vor.u32 $0x10, v0;
	_ =	sdelay $0x2  }
0x19: {  	[tilespmem:$0x380] =	vst v1;
	v1 =	vadd.s32 $0x4000, v1  }
0x1a: {  	[tilespmem:$0x400] =	vst v1  }
0x1b: {  	v1 =	vld.idx.msk [tilespmem:v2+s2+$0x0], $0xffff;
	_ =	sdelay $0x1  }
0x1c: {  	v42 =	vor.u32 $0x20, v0;
	_ =	sdelay $0x2  }
0x1d: {  	[tilespmem:$0x390] =	vst v1;
	v1 =	vadd.s32 $0x4000, v1  }
0x1e: {  	[tilespmem:$0x410] =	vst v1  }
0x1f: {  	v1 =	vld.idx.msk [tilespmem:v42+s2+$0x0], $0xffff;
	_ =	sdelay $0x2  }
0x20: {  	v43 =	vor.u32 $0x30, v0;
	_ =	sdelay $0x1  }
0x21: {  	v3 =	vadd.s32 $0x8000, v1  }
0x22: {  	v1 =	vadd.s32 $0xC000, v1;
	[tilespmem:$0x3A0] =	vst v3  }
0x23: {  	[tilespmem:$0x420] =	vst v1  }
0x24: {  	v1 =	vld.idx.msk [tilespmem:v43+s2+$0x0], $0xffff;
	_ =	sdelay $0x2  }
0x25: {  	v44 =	vor.u32 $0x40, v0;
	_ =	sdelay $0x1  }
0x26: {  	v45 =	vadd.s32 $0x8000, v1  }
0x27: {  	v1 =	vadd.s32 $0xC000, v1;
	[tilespmem:$0x3B0] =	vst v45  }
0x28: {  	[tilespmem:$0x430] =	vst v1  }
0x29: {  	v1 =	vld.idx.msk [tilespmem:v44+s2+$0x0], $0xffff;
	_ =	sdelay $0x2  }
0x2a: {  	v46 =	vor.u32 $0x50, v0;
	_ =	sdelay $0x1  }
0x2b: {  	v47 =	vadd.s32 $0x10000, v1  }
0x2c: {  	v1 =	vadd.s32 $0x14000, v1;
	[tilespmem:$0x3C0] =	vst v47  }
0x2d: {  	[tilespmem:$0x440] =	vst v1  }
0x2e: {  	v1 =	vld.idx.msk [tilespmem:v46+s2+$0x0], $0xffff;
	_ =	sdelay $0x2  }
0x2f: {  	v48 =	vor.u32 $0x60, v0;
	_ =	sdelay $0x1  }
0x30: {  	v49 =	vadd.s32 $0x10000, v1  }
0x31: {  	v1 =	vadd.s32 $0x14000, v1;
	[tilespmem:$0x3D0] =	vst v49  }
0x32: {  	[tilespmem:$0x450] =	vst v1  }
0x33: {  	v1 =	vld.idx.msk [tilespmem:v48+s2+$0x0], $0xffff;
	_ =	sdelay $0x2  }
0x34: {  	v50 =	vor.u32 $0x70, v0;
	_ =	sdelay $0x1  }
0x35: {  	v51 =	vadd.s32 $0x18000, v1  }
0x36: {  	v1 =	vadd.s32 $0x1C000, v1;
	[tilespmem:$0x3E0] =	vst v51  }
0x37: {  	[tilespmem:$0x460] =	vst v1  }
0x38: {  	v1 =	vld.idx.msk [tilespmem:v50+s2+$0x0], $0xffff;
	_ =	sdelay $0x4  }
0x39: {  	v2 =	vadd.s32 $0x18000, v1  }
0x3a: {  	v1 =	vadd.s32 $0x1C000, v1;
	[tilespmem:$0x3F0] =	vst v2  }
0x3b: {  	s9 =	simm.s32 $0x380;
	s21 =	simm.s32 $0x580;
	v52 =	vmul.u32 $0x3, v0;
	[tilespmem:$0x470] =	vst v1  }
0x3c: {  	[tilespmem:s21], [sflag:$0x4] =	stream.indirect.gather [hbm4b:s8+s7], $0x1, s9, s7, $0xb8;
	[tilespmem:$0xD80] =	vst v63  }
0x3d: {  	s22 =	simm.s32 $0x400;
	s10 =	simm.s32 $0x600;
	s23 =	simm.s32 $0x2;
	v53 =	vor.u32 $0x80, v52  }
0x3e: {  	v54 =	vadd.s32 $0x81, v52;
	[tilespmem:s10], [sflag:$0x4] =	stream.indirect.gather [hbm4b:s8+s7], $0x1, s22, s7, $0xb8;
	[tilespmem:$0xD80] =	vst v63  }
0x3f: {  	v4 =	vadd.s32 $0x82, v52;
	_ =	swait.ge [sflag:s23], $0x180  }
0x40: {  	[sflag:s23] =	ssyncset.done $0x0  }
0x41: {  	[sflag:s23] =	ssyncadd.s32 $0xFFFFFE80  }
0x42: {  	v2 =	vld.idx.msk [tilespmem:v53+s2+$0x0], $0xffff  }
0x43: {  	v3 =	vld.idx.msk [tilespmem:v54+s2+$0x0], $0xffff  }
0x44: {  	v4 =	vld.idx.msk [tilespmem:v4+s2+$0x0], $0xffff;
	_ =	sdelay $0x2  }
0x45: {  	v5 =	vshll.u32 v2, $0xE;
	v2 =	vcvt.s32.f32 v2  }
0x46: {  	v55 =	vadd.s32 $0xB0, v52;
	v6 =	vshll.u32 v3, $0x7;
	v3 =	vcvt.s32.f32 v3  }
0x47: {  	v56 =	vadd.s32 $0xB1, v52;
	v57 =	vcvt.s32.f32 v4;
	[tilespmem:$0x800] =	vst v2  }
0x48: {  	v58 =	vadd.s32 $0xB2, v52;
	v5 =	vadd.s32 v5, v6;
	[tilespmem:$0x880] =	vst v3  }
0x49: {  	v5 =	vadd.s32 v4, v5;
	[tilespmem:$0x900] =	vst v57  }
0x4a: {  	[tilespmem:$0x480] =	vst v5  }
0x4b: {  	v2 =	vld.idx.msk [tilespmem:v55+s2+$0x0], $0xffff  }
0x4c: {  	v59 =	vld.idx.msk [tilespmem:v56+s2+$0x0], $0xffff  }
0x4d: {  	v3 =	vld.idx.msk [tilespmem:v58+s2+$0x0], $0xffff;
	_ =	sdelay $0x2  }
0x4e: {  	v60 =	vshll.u32 v2, $0xE;
	v2 =	vcvt.s32.f32 v2  }
0x4f: {  	v62 =	vadd.s32 $0xE0, v52;
	v4 =	vcvt.s32.f32 v59  }
0x50: {  	v63 =	vadd.s32 $0xE1, v52;
	v61 =	vshll.u32 v59, $0x7;
	v8 =	vcvt.s32.f32 v3;
	[tilespmem:$0x810] =	vst v2  }
0x51: {  	v9 =	vadd.s32 $0xE2, v52;
	v5 =	vadd.s32 v60, v61;
	[tilespmem:$0x890] =	vst v4  }
0x52: {  	v5 =	vadd.s32 v3, v5;
	[tilespmem:$0x910] =	vst v8  }
0x53: {  	[tilespmem:$0x490] =	vst v5  }
0x54: {  	v2 =	vld.idx.msk [tilespmem:v62+s2+$0x0], $0xffff  }
0x55: {  	v4 =	vld.idx.msk [tilespmem:v63+s2+$0x0], $0xffff  }
0x56: {  	v3 =	vld.idx.msk [tilespmem:v9+s2+$0x0], $0xffff;
	_ =	sdelay $0x2  }
0x57: {  	v10 =	vshll.u32 v2, $0xE;
	v2 =	vcvt.s32.f32 v2  }
0x58: {  	v12 =	vadd.s32 $0x110, v52;
	v11 =	vshll.u32 v4, $0x7;
	v4 =	vcvt.s32.f32 v4  }
0x59: {  	v13 =	vadd.s32 $0x111, v52;
	v14 =	vcvt.s32.f32 v3;
	v5 =	vadd.s32 v11, v10;
	[tilespmem:$0x820] =	vst v2  }
0x5a: {  	v15 =	vadd.s32 $0x112, v52;
	v5 =	vadd.s32 v3, v5;
	[tilespmem:$0x8A0] =	vst v4  }
0x5b: {  	[tilespmem:$0x920] =	vst v14;
	v5 =	vadd.s32 $0x3C000, v5  }
0x5c: {  	[tilespmem:$0x4A0] =	vst v5  }
0x5d: {  	v2 =	vld.idx.msk [tilespmem:v12+s2+$0x0], $0xffff  }
0x5e: {  	v4 =	vld.idx.msk [tilespmem:v13+s2+$0x0], $0xffff  }
0x5f: {  	v3 =	vld.idx.msk [tilespmem:v15+s2+$0x0], $0xffff;
	_ =	sdelay $0x2  }
0x60: {  	v16 =	vshll.u32 v2, $0xE;
	v2 =	vcvt.s32.f32 v2  }
0x61: {  	v18 =	vor.u32 $0x140, v52;
	v17 =	vshll.u32 v4, $0x7;
	v4 =	vcvt.s32.f32 v4  }
0x62: {  	v19 =	vadd.s32 $0x141, v52;
	v20 =	vcvt.s32.f32 v3;
	v5 =	vadd.s32 v17, v16;
	[tilespmem:$0x830] =	vst v2  }
0x63: {  	v21 =	vadd.s32 $0x142, v52;
	v5 =	vadd.s32 v3, v5;
	[tilespmem:$0x8B0] =	vst v4  }
0x64: {  	[tilespmem:$0x930] =	vst v20;
	v5 =	vadd.s32 $0x3C000, v5  }
0x65: {  	[tilespmem:$0x4B0] =	vst v5  }
0x66: {  	v2 =	vld.idx.msk [tilespmem:v18+s2+$0x0], $0xffff  }
0x67: {  	v4 =	vld.idx.msk [tilespmem:v19+s2+$0x0], $0xffff  }
0x68: {  	v3 =	vld.idx.msk [tilespmem:v21+s2+$0x0], $0xffff;
	_ =	sdelay $0x2  }
0x69: {  	v22 =	vshll.u32 v2, $0xE;
	v2 =	vcvt.s32.f32 v2  }
0x6a: {  	v24 =	vadd.s32 $0x170, v52;
	v23 =	vshll.u32 v4, $0x7;
	v4 =	vcvt.s32.f32 v4  }
0x6b: {  	v25 =	vadd.s32 $0x171, v52;
	v26 =	vcvt.s32.f32 v3;
	v5 =	vadd.s32 v23, v22;
	[tilespmem:$0x840] =	vst v2  }
0x6c: {  	v27 =	vadd.s32 $0x172, v52;
	v5 =	vadd.s32 v3, v5;
	[tilespmem:$0x8C0] =	vst v4  }
0x6d: {  	[tilespmem:$0x940] =	vst v26;
	v5 =	vadd.s32 $0x78000, v5  }
0x6e: {  	[tilespmem:$0x4C0] =	vst v5  }
0x6f: {  	v2 =	vld.idx.msk [tilespmem:v24+s2+$0x0], $0xffff  }
0x70: {  	v4 =	vld.idx.msk [tilespmem:v25+s2+$0x0], $0xffff  }
0x71: {  	v3 =	vld.idx.msk [tilespmem:v27+s2+$0x0], $0xffff;
	_ =	sdelay $0x2  }
0x72: {  	v28 =	vshll.u32 v2, $0xE;
	v2 =	vcvt.s32.f32 v2  }
0x73: {  	v30 =	vadd.s32 $0x1A0, v52;
	v29 =	vshll.u32 v4, $0x7;
	v4 =	vcvt.s32.f32 v4  }
0x74: {  	v31 =	vadd.s32 $0x1A1, v52;
	v32 =	vcvt.s32.f32 v3;
	v5 =	vadd.s32 v29, v28;
	[tilespmem:$0x850] =	vst v2  }
0x75: {  	v33 =	vadd.s32 $0x1A2, v52;
	v5 =	vadd.s32 v3, v5;
	[tilespmem:$0x8D0] =	vst v4  }
0x76: {  	[tilespmem:$0x950] =	vst v32;
	v5 =	vadd.s32 $0x78000, v5  }
0x77: {  	[tilespmem:$0x4D0] =	vst v5  }
0x78: {  	v2 =	vld.idx.msk [tilespmem:v30+s2+$0x0], $0xffff  }
0x79: {  	v4 =	vld.idx.msk [tilespmem:v31+s2+$0x0], $0xffff  }
0x7a: {  	v3 =	vld.idx.msk [tilespmem:v33+s2+$0x0], $0xffff;
	_ =	sdelay $0x2  }
0x7b: {  	v34 =	vshll.u32 v2, $0xE;
	v2 =	vcvt.s32.f32 v2  }
0x7c: {  	v36 =	vadd.s32 $0x1D0, v52;
	v35 =	vshll.u32 v4, $0x7;
	v4 =	vcvt.s32.f32 v4  }
0x7d: {  	v37 =	vadd.s32 $0x1D1, v52;
	v38 =	vcvt.s32.f32 v3;
	v5 =	vadd.s32 v35, v34;
	[tilespmem:$0x860] =	vst v2  }
0x7e: {  	v5 =	vadd.s32 v3, v5;
	[tilespmem:$0x8E0] =	vst v4  }
0x7f: {  	v1 =	vadd.s32 $0x1D2, v52;
	[tilespmem:$0x960] =	vst v38;
	v5 =	vadd.s32 $0xB4000, v5  }
0x80: {  	[tilespmem:$0x4E0] =	vst v5  }
0x81: {  	v2 =	vld.idx.msk [tilespmem:v36+s2+$0x0], $0xffff  }
0x82: {  	v39 =	vld.idx.msk [tilespmem:v37+s2+$0x0], $0xffff;
	_ =	sdelay $0x1  }
0x83: {  	v1 =	vld.idx.msk [tilespmem:v1+s2+$0x0], $0xffff;
	_ =	sdelay $0x2  }
0x84: {  	v40 =	vshll.u32 v2, $0xE;
	v5 =	vshll.u32 v39, $0x7;
	v2 =	vcvt.s32.f32 v2  }
0x85: {  	v3 =	vcvt.s32.f32 v39;
	v4 =	vadd.s32 v5, v40  }
0x86: {  	v4 =	vadd.s32 v1, v4;
	[tilespmem:$0x870] =	vst v2  }
0x87: {  	v1 =	vcvt.s32.f32 v1;
	[tilespmem:$0x8F0] =	vst v3;
	v4 =	vadd.s32 $0xB4000, v4  }
0x88: {  	[tilespmem:$0x4F0] =	vst v4  }
0x89: {  	s24 =	simm.s32 $0x480;
	s25 =	simm.s32 $0x980;
	[tilespmem:$0x970] =	vst v1  }
0x8a: {  	[tilespmem:s25], [sflag:$0x4] =	stream.indirect.gather [hbm4b:s6+s7], $0x1, s24, s7, $0xb8;
	[tilespmem:$0xD80] =	vst v63  }
0x8b: {  	s26 =	simm.s32 $0xA00;
	s28 =	simm.s32 $0x3  }
0x8c: {  	[tilespmem:s26], [sflag:$0x4] =	stream.indirect.gather [hbm4b:s5+s7], $0x1, s24, s7, $0xb8;
	[tilespmem:$0xD80] =	vst v63  }
0x8d: {  	_ =	swait.ge [sflag:s28], $0x80  }
0x8e: {  	v41 =	vor.u32 $0x200, v0;
	[sflag:s28] =	ssyncset.done $0x0  }
0x8f: {  	[sflag:s28] =	ssyncadd.s32 $0xFFFFFF80  }
0x90: {  	_ =	swait.ge [sflag:s28], $0x100  }
0x91: {  	[sflag:s28] =	ssyncset.done $0x0  }
0x92: {  	[sflag:s28] =	ssyncadd.s32 $0xFFFFFF00  }
0x93: {  	v1 =	vld.idx.msk [tilespmem:v41+s2+$0x0], $0xffff;
	_ =	sdelay $0x1  }
0x94: {  	v42 =	vmul.u32 $0x2, v0;
	_ =	sdelay $0x2  }
0x95: {  	v1 =	vcvt.s32.f32 v1;
	_ =	sdelay $0x1  }
0x96: {  	[tilespmem:$0x780] =	vst v1  }
0x97: {  	v1 =	vld.idx.msk [tilespmem:v42+s19+$0x0], $0xffff  }
0x98: {  	v43 =	vor.u32 $0x1, v42;
	_ =	sdelay $0x3  }
0x99: {  	[tilespmem:$0x680] =	vst v1  }
0x9a: {  	v1 =	vld.idx.msk [tilespmem:v43+s19+$0x0], $0xffff  }
0x9b: {  	v44 =	vor.u32 $0x210, v0;
	_ =	sdelay $0x3  }
0x9c: {  	[tilespmem:$0x700] =	vst v1  }
0x9d: {  	v1 =	vld.idx.msk [tilespmem:v44+s2+$0x0], $0xffff;
	_ =	sdelay $0x2  }
0x9e: {  	v45 =	vor.u32 $0x20, v42;
	_ =	sdelay $0x1  }
0x9f: {  	v1 =	vcvt.s32.f32 v1;
	_ =	sdelay $0x1  }
0xa0: {  	[tilespmem:$0x790] =	vst v1  }
0xa1: {  	v1 =	vld.idx.msk [tilespmem:v45+s19+$0x0], $0xffff  }
0xa2: {  	v46 =	vor.u32 $0x21, v42;
	_ =	sdelay $0x3  }
0xa3: {  	[tilespmem:$0x690] =	vst v1  }
0xa4: {  	v1 =	vld.idx.msk [tilespmem:v46+s19+$0x0], $0xffff  }
0xa5: {  	v47 =	vor.u32 $0x220, v0;
	_ =	sdelay $0x3  }
0xa6: {  	[tilespmem:$0x710] =	vst v1  }
0xa7: {  	v1 =	vld.idx.msk [tilespmem:v47+s2+$0x0], $0xffff;
	_ =	sdelay $0x2  }
0xa8: {  	v48 =	vor.u32 $0x40, v42;
	_ =	sdelay $0x1  }
0xa9: {  	v1 =	vcvt.s32.f32 v1;
	_ =	sdelay $0x1  }
0xaa: {  	[tilespmem:$0x7A0] =	vst v1  }
0xab: {  	v1 =	vld.idx.msk [tilespmem:v48+s19+$0x0], $0xffff  }
0xac: {  	v49 =	vor.u32 $0x41, v42;
	_ =	sdelay $0x3  }
0xad: {  	[tilespmem:$0x6A0] =	vst v1  }
0xae: {  	v1 =	vld.idx.msk [tilespmem:v49+s19+$0x0], $0xffff  }
0xaf: {  	v50 =	vor.u32 $0x230, v0;
	_ =	sdelay $0x3  }
0xb0: {  	[tilespmem:$0x720] =	vst v1  }
0xb1: {  	v1 =	vld.idx.msk [tilespmem:v50+s2+$0x0], $0xffff;
	_ =	sdelay $0x2  }
0xb2: {  	v51 =	vor.u32 $0x60, v42;
	_ =	sdelay $0x1  }
0xb3: {  	v1 =	vcvt.s32.f32 v1;
	_ =	sdelay $0x1  }
0xb4: {  	[tilespmem:$0x7B0] =	vst v1  }
0xb5: {  	v1 =	vld.idx.msk [tilespmem:v51+s19+$0x0], $0xffff  }
0xb6: {  	v52 =	vor.u32 $0x61, v42;
	_ =	sdelay $0x3  }
0xb7: {  	[tilespmem:$0x6B0] =	vst v1  }
0xb8: {  	v1 =	vld.idx.msk [tilespmem:v52+s19+$0x0], $0xffff  }
0xb9: {  	v53 =	vor.u32 $0x240, v0;
	_ =	sdelay $0x3  }
0xba: {  	[tilespmem:$0x730] =	vst v1  }
0xbb: {  	v1 =	vld.idx.msk [tilespmem:v53+s2+$0x0], $0xffff;
	_ =	sdelay $0x2  }
0xbc: {  	v54 =	vor.u32 $0x80, v42;
	_ =	sdelay $0x1  }
0xbd: {  	v1 =	vcvt.s32.f32 v1;
	_ =	sdelay $0x1  }
0xbe: {  	[tilespmem:$0x7C0] =	vst v1  }
0xbf: {  	v1 =	vld.idx.msk [tilespmem:v54+s19+$0x0], $0xffff  }
0xc0: {  	v55 =	vor.u32 $0x81, v42;
	_ =	sdelay $0x3  }
0xc1: {  	[tilespmem:$0x6C0] =	vst v1  }
0xc2: {  	v1 =	vld.idx.msk [tilespmem:v55+s19+$0x0], $0xffff  }
0xc3: {  	v56 =	vor.u32 $0x250, v0;
	_ =	sdelay $0x3  }
0xc4: {  	[tilespmem:$0x740] =	vst v1  }
0xc5: {  	v1 =	vld.idx.msk [tilespmem:v56+s2+$0x0], $0xffff;
	_ =	sdelay $0x2  }
0xc6: {  	v57 =	vor.u32 $0xA0, v42;
	_ =	sdelay $0x1  }
0xc7: {  	v1 =	vcvt.s32.f32 v1;
	_ =	sdelay $0x1  }
0xc8: {  	[tilespmem:$0x7D0] =	vst v1  }
0xc9: {  	v1 =	vld.idx.msk [tilespmem:v57+s19+$0x0], $0xffff  }
0xca: {  	v58 =	vor.u32 $0xA1, v42;
	_ =	sdelay $0x3  }
0xcb: {  	[tilespmem:$0x6D0] =	vst v1  }
0xcc: {  	v1 =	vld.idx.msk [tilespmem:v58+s19+$0x0], $0xffff  }
0xcd: {  	v59 =	vor.u32 $0x260, v0;
	_ =	sdelay $0x3  }
0xce: {  	[tilespmem:$0x750] =	vst v1  }
0xcf: {  	v1 =	vld.idx.msk [tilespmem:v59+s2+$0x0], $0xffff;
	_ =	sdelay $0x2  }
0xd0: {  	v60 =	vor.u32 $0xC0, v42;
	_ =	sdelay $0x1  }
0xd1: {  	v1 =	vcvt.s32.f32 v1;
	_ =	sdelay $0x1  }
0xd2: {  	[tilespmem:$0x7E0] =	vst v1  }
0xd3: {  	v1 =	vld.idx.msk [tilespmem:v60+s19+$0x0], $0xffff  }
0xd4: {  	v61 =	vor.u32 $0xC1, v42;
	_ =	sdelay $0x3  }
0xd5: {  	[tilespmem:$0x6E0] =	vst v1  }
0xd6: {  	v1 =	vld.idx.msk [tilespmem:v61+s19+$0x0], $0xffff  }
0xd7: {  	v0 =	vor.u32 $0x270, v0;
	_ =	sdelay $0x3  }
0xd8: {  	[tilespmem:$0x760] =	vst v1  }
0xd9: {  	v0 =	vld.idx.msk [tilespmem:v0+s2+$0x0], $0xffff;
	_ =	sdelay $0x2  }
0xda: {  	v62 =	vor.u32 $0xE0, v42;
	_ =	sdelay $0x1  }
0xdb: {  	v0 =	vcvt.s32.f32 v0;
	_ =	sdelay $0x1  }
0xdc: {  	[tilespmem:$0x7F0] =	vst v0  }
0xdd: {  	v0 =	vld.idx.msk [tilespmem:v62+s19+$0x0], $0xffff  }
0xde: {  	v63 =	vor.u32 $0xE1, v42;
	_ =	sdelay $0x3  }
0xdf: {  	[tilespmem:$0x6F0] =	vst v0  }
0xe0: {  	v0 =	vld.idx.msk [tilespmem:v63+s19+$0x0], $0xffff;
	_ =	sdelay $0x4  }
0xe1: {  	s29 =	simm.s32 $0x4;
	[tilespmem:$0x770] =	vst v0  }
0xe2: {  	_ =	swait.ge [sflag:s29], $0x80  }
0xe3: {  	[sflag:s29] =	ssyncset.done $0x0  }
0xe4: {  	[sflag:s29] =	ssyncadd.s32 $0xFFFFFF80  }
0xe5: {  	_ =	swait.ge [sflag:s29], $0x80  }
0xe6: {  	[sflag:s29] =	ssyncset.done $0x0  }
0xe7: {  	[sflag:s29] =	ssyncadd.s32 $0xFFFFFF80  }
0xe8: {  	_ =	swait.ge [sflag:s29], $0x80  }
0xe9: {  	[sflag:s29] =	ssyncset.done $0x0  }
0xea: {  	[sflag:s29] =	ssyncadd.s32 $0xFFFFFF80  }
0xeb: {  	_ =	swait.ge [sflag:s29], $0x80  }
0xec: {  	[sflag:s29] =	ssyncset.done $0x0  }
0xed: {  	s30 =	sadd.s32 $0x1000, s1;
	s31 =	simm.s32 $0x5;
	[sflag:s29] =	ssyncadd.s32 $0xFFFFFF80  }
0xee: {  	[hbm4b:s30+s2] =	stream.linear.scatter [tilespmem:s21], [sflag:$0x5], $0x800, $0x38;
	[tilespmem:$0xD80] =	vst v63  }
0xef: {  	_ =	swait.ge [sflag:s31], $0x800  }
0xf0: {  	[sflag:s31] =	ssyncset.done $0x0  }
0xf1: {  	[sflag:s31] =	ssyncadd.s32 $0xFFFFF800  }
0xf2: {  	_ =	sfence.sel $0x180000  }
0xf3: {  	[bflag:$0x0] =	sbarrier.arrive $0xFFFF  }
0xf4: {  	_ =	strace $0x90000047  }
0xf5: {  	s0 =	sadd.s32 $0x100000, s0;
	[bflag:$0x2] =	sbarrier.arrive $0xFFFF  }
0xf6: {  	[sflag:s0] =	ssyncadd.tile.s32 $0x1;
	_ =	shalt  }
.Lfunc_end2:
_tile_overlayer_lowered:
.L_overlay_start_2:
0xf7: {  	(tag) =	ssettag $0x2  }
0xf8: {  	s0 =	rddreg [dreg:$0x0];
	s2 =	stileid.u32  }
0xf9: {  	s1 =	rddreg [dreg:$0x1];
	p0 =	sne.s32 s2, $0x0  }
0xfa: {  	s3 =	rddreg [dreg:$0x2];
	[bflag:$0x3] =	sbarrier.arrive $0xFFFF;
	s2 =	simm.s32 @!p0 $0x1C05  }
0xfb: {  	[timem:s3], [sflag:s2] =	dma.local @!p0 [hbm:s0], s1  }
0xfc: {  	s0 =	simm.s32 @!p0 $0x5  }
0xfd: {  	_ =	swait.ge @!p0 [sflag:s0], s1  }
0xfe: {  	s1 =	ssub.s32 @!p0 $0x0, s1;
	[sflag:s0] =	ssyncset.done @!p0 $0x0  }
0xff: {  	[sflag:s0] =	ssyncadd.s32 @!p0 s1  }
0x100: {  	[bflag:$0x3] =	sbarrier.arrive $0xFFFF  }
0x101: {  	_ =	shalt  }

</sc_bundles>
